<compile_context>
chip_gen: v7x
topology: tpu7x:2x2x1
jax: 0.10.2.dev20260603
libtpu: 0.0.44.dev20260713+nightly
codegen_flags: <defaults>
</compile_context>

<pallas_src>
import functools

import jax
import jax.numpy as jnp
from jax import lax
from jax.experimental import pallas as pl
from jax.experimental.pallas import tpu as pltpu
from jax.experimental.pallas import tpu_sc as plsc



def _transform_body(x_ref, w_ref, b_ref, g_ref, bt_ref, o_ref):
    h = jnp.dot(x_ref[...], w_ref[...], preferred_element_type=jnp.float32)
    h = h + b_ref[...]
    m = jnp.mean(h, axis=-1, keepdims=True)
    v = jnp.mean(jnp.square(h - m), axis=-1, keepdims=True)
    h = (h - m) * lax.rsqrt(v + 1e-5) * g_ref[...] + bt_ref[...]
    o_ref[...] = h * jax.nn.sigmoid(h)


def _transform(xf, W, b, gamma, beta, blk):
    R, H = xf.shape
    assert R % blk == 0
    return pl.pallas_call(
        _transform_body,
        grid=(R // blk,),
        in_specs=[
            pl.BlockSpec((blk, H), lambda i: (i, 0)),
            pl.BlockSpec((H, H), lambda i: (0, 0)),
            pl.BlockSpec((1, H), lambda i: (0, 0)),
            pl.BlockSpec((1, H), lambda i: (0, 0)),
            pl.BlockSpec((1, H), lambda i: (0, 0)),
        ],
        out_specs=pl.BlockSpec((blk, H), lambda i: (i, 0)),
        out_shape=jax.ShapeDtypeStruct((R, H), jnp.float32),
    )(xf, W, b.reshape(1, H), gamma.reshape(1, H), beta.reshape(1, H))



_CHUNK = 128
_NW = 32


_FCHUNK = _CHUNK // 2


@functools.lru_cache(maxsize=None)
def _make_gather(T, rows, cpw):
    full_chunks = rows // _CHUNK
    rem = rows % _CHUNK
    n_work = full_chunks + (1 if rem else 0)

    mesh = plsc.VectorSubcoreMesh(core_axis_name="c", subcore_axis_name="s")

    assert cpw >= 4 and cpw % 3 == 1

    @functools.partial(
        pl.kernel,
        mesh=mesh,
        out_type=jax.ShapeDtypeStruct((rows, 128), jnp.float32),
        scratch_types=[
            pltpu.VMEM((cpw * _FCHUNK + 16,), jnp.int32),
            pltpu.VMEM((3, _CHUNK), jnp.int32),
            pltpu.VMEM((_CHUNK, 128), jnp.float32),
            pltpu.VMEM((_CHUNK, 128), jnp.float32),
            pltpu.VMEM((_CHUNK, 128), jnp.float32),
            pltpu.SemaphoreType.DMA,
            pltpu.SemaphoreType.DMA,
            pltpu.SemaphoreType.DMA,
            pltpu.SemaphoreType.DMA,
            pltpu.SemaphoreType.DMA,
            pltpu.SemaphoreType.DMA,
        ],
    )
    def gather(table_hbm, idx_hbm, out_hbm, idx_all, idx_v,
               rows_0, rows_1, rows_2, g0, g1, g2, s0, s1, s2):
        wid = lax.axis_index("s") * 2 + lax.axis_index("c")
        rows_t = (rows_0, rows_1, rows_2)
        gsem = (g0, g1, g2)
        ssem = (s0, s1, s2)

        pltpu.sync_copy(idx_hbm.at[pl.ds(wid * (cpw * _FCHUNK), cpw * _FCHUNK)],
                        idx_all.at[pl.ds(0, cpw * _FCHUNK)])

        iot = lax.iota(jnp.int32, 16)
        dup = iot >> 1
        par = iot & 1

        def fire_gather(k, t):
            base = pl.multiple_of(k * _FCHUNK, _FCHUNK)
            for j in range(_CHUNK // 16):
                v = idx_all[pl.ds(base + j * 8, 16)]
                g = v.at[dup].get(mode="promise_in_bounds")
                idx_v[t, pl.ds(j * 16, 16)] = g * 2 + par
            pltpu.async_copy(table_hbm.at[idx_v.at[t]], rows_t[t], gsem[t])

        def _store_copies(k, t):
            chunk = wid * cpw + k
            full = pltpu.make_async_copy(
                rows_t[t], out_hbm.at[pl.ds(chunk * _CHUNK, _CHUNK)], ssem[t])
            part = pltpu.make_async_copy(
                rows_t[t].at[pl.ds(0, rem)],
                out_hbm.at[pl.ds(full_chunks * _CHUNK, rem)], ssem[t]) if rem else None
            return chunk, full, part

        def drain_gather_fire_store(k, t):
            pltpu.make_async_copy(table_hbm.at[idx_v.at[t]], rows_t[t], gsem[t]).wait()
            chunk, full, part = _store_copies(k, t)

            @pl.when(chunk < full_chunks)
            def _():
                full.start()

            if rem:
                @pl.when(chunk == full_chunks)
                def _():
                    part.start()

        def drain_store(k, t):
            chunk, full, part = _store_copies(k, t)

            @pl.when(chunk < full_chunks)
            def _():
                full.wait()

            if rem:
                @pl.when(chunk == full_chunks)
                def _():
                    part.wait()

        fire_gather(0, 0)
        fire_gather(1, 1)
        drain_gather_fire_store(0, 0)
        fire_gather(2, 2)

        def body(j, carry):
            for dk in range(3):
                k = 3 * j + 1 + dk
                t = (1 + dk) % 3
                drain_gather_fire_store(k, t)
                drain_store(k - 1, (t + 2) % 3)
                fire_gather(k + 2, (t + 2) % 3)
            return carry

        lax.fori_loop(0, (cpw - 4) // 3, body, 0)
        for k in (cpw - 3, cpw - 2, cpw - 1):
            drain_gather_fire_store(k, k % 3)
            drain_store(k - 1, (k - 1) % 3)
            if k + 2 <= cpw - 1:
                fire_gather(k + 2, (k + 2) % 3)
        drain_store(cpw - 1, (cpw - 1) % 3)

    return gather



def kernel(x, hierarchy_mapping, num_fine_nodes, W, b, gamma, beta):
    B, NC, Fm, H = x.shape
    NF = hierarchy_mapping.shape[0]
    assert H == 128 and Fm == 2

    xtf = _transform(x.reshape(-1, H), W, b, gamma, beta, blk=10000)

    fidx = (hierarchy_mapping[None, :].astype(jnp.int32)
            + NC * jnp.arange(B, dtype=jnp.int32)[:, None]).reshape(-1)
    rows = B * NF * Fm
    n_chunks = -(-rows // _CHUNK)
    cpw = -(-n_chunks // _NW)
    pad = _NW * cpw * _FCHUNK - fidx.shape[0]
    if pad:
        fidx = jnp.concatenate([fidx, jnp.zeros((pad,), jnp.int32)])

    out = _make_gather(B * NC * Fm, rows, cpw)(xtf, fidx)
    return out.reshape(B, NF, Fm, H)

# --- scband reference (transcript-rebuilt; emitter-appended) ---
"""Pipeline reference for scband-graph-unpooling-42099269435630 (READ-ONLY COPY).

The authoritative reference and input builder live on the scoring server;
editing this copy changes nothing except your own understanding.
"""

import jax, jax.numpy as jnp
import numpy as np

B, NC, Fm, H = 2, 12500, 2, 128
NF = 50000

def setup_inputs(seed: int = 0) -> dict:
    key = jax.random.key(seed)
    k1, k2, k3, k4 = jax.random.split(key, 4)
    x = jax.random.normal(k1, (B, NC, Fm, H), dtype=jnp.float32)
    # dict hierarchy_mapping encoded as fine->coarse assignment tensor
    hierarchy_mapping = jax.random.randint(k2, (NF,), 0, NC)
    W = jax.random.normal(k3, (H, H), dtype=jnp.float32) * (1.0 / np.sqrt(H))
    b = jnp.zeros((H,), dtype=jnp.float32)
    gamma = jnp.ones((H,), dtype=jnp.float32)
    beta = jnp.zeros((H,), dtype=jnp.float32)
    return {"x": x, "hierarchy_mapping": hierarchy_mapping, "num_fine_nodes": NF,
            "W": W, "b": b, "gamma": gamma, "beta": beta}

def reference(x, hierarchy_mapping, num_fine_nodes, W, b, gamma, beta):
    Bx, NCx, Fmx, Hx = x.shape
    # feature_transform: Linear -> LayerNorm -> SiLU on flattened [-1, H]
    h = x.reshape(-1, Hx) @ W + b
    mean = jnp.mean(h, axis=-1, keepdims=True)
    var = jnp.var(h, axis=-1, keepdims=True)
    h = (h - mean) / jnp.sqrt(var + 1e-5) * gamma + beta
    h = h * jax.nn.sigmoid(h)  # SiLU
    x_tf = h.reshape(Bx, NCx, Fmx, Hx)
    # broadcast coarse features to fine nodes: out[b, fi] = x_tf[b, assignment[fi]]
    out = jnp.take(x_tf, hierarchy_mapping, axis=1)  # [B, num_fine_nodes, Fm, H]
    return out

if __name__ == "__main__":
    import jax
    _d = setup_inputs()
    print(jax.jit(kernel)(*tuple(_d.values())))

</pallas_src>

<mosaic_0001>
#map = affine_map<(d0, d1) -> (0, 0)>
#map1 = affine_map<(d0, d1) -> (0)>
module attributes {stable_mosaic.version = 14 : i64} {
  func.func @gather(%arg0: i32, %arg1: i32, %arg2: memref<50000x128xf32, #tpu.memory_space<hbm>>, %arg3: memref<100352xi32, #tpu.memory_space<hbm>>, %arg4: memref<200000x128xf32, #tpu.memory_space<hbm>>, %arg5: memref<3152xi32, #tpu.memory_space<vmem>>, %arg6: memref<3x128xi32, #tpu.memory_space<vmem>>, %arg7: memref<128x128xf32, #tpu.memory_space<vmem>>, %arg8: memref<128x128xf32, #tpu.memory_space<vmem>>, %arg9: memref<128x128xf32, #tpu.memory_space<vmem>>, %arg10: memref<!tpu.dma_semaphore, #tpu.memory_space<semaphore_mem>>, %arg11: memref<!tpu.dma_semaphore, #tpu.memory_space<semaphore_mem>>, %arg12: memref<!tpu.dma_semaphore, #tpu.memory_space<semaphore_mem>>, %arg13: memref<!tpu.dma_semaphore, #tpu.memory_space<semaphore_mem>>, %arg14: memref<!tpu.dma_semaphore, #tpu.memory_space<semaphore_mem>>, %arg15: memref<!tpu.dma_semaphore, #tpu.memory_space<semaphore_mem>>) attributes {dimension_semantics = [#tpu.dimension_semantics<core_parallel>, #tpu.dimension_semantics<subcore_parallel>], iteration_bounds = array<i64: 2, 16>, scalar_prefetch = 0 : i64, scratch_operands = 11 : i64, tpu.core_type = #tpu.core_type<sc_vector_subcore>, window_params = [{transform_indices = #map}, {transform_indices = #map1}, {transform_indices = #map}]} {
    %mul3A = arith.constant 2 : i32
    %mul3A_0 = arith.muli %arg1, %mul3A : i32
    %add3A = arith.addi %mul3A_0, %arg0 : i32
    %mul3A_1 = arith.constant 3136 : i32
    %mul3A_2 = arith.muli %add3A, %mul3A_1 : i32
    "tpu.region"() ({
      %run_scoped3A = tpu.sem_alloc : memref<!tpu.dma_semaphore, #tpu.memory_space<semaphore_mem>>
      %dma_start3A_992 = arith.constant 0 : i32
      %dma_start3A_993 = tpu.memref_slice %arg5[%dma_start3A_992] : memref<3152xi32, #tpu.memory_space<vmem>> -> memref<3136xi32, #tpu.memory_space<vmem>>
      %dma_start3A_994 = tpu.memref_slice %arg3[%mul3A_2] : memref<100352xi32, #tpu.memory_space<hbm>> -> memref<3136xi32, #tpu.memory_space<hbm>>
      %dma_start3A_995 = arith.constant 0 : i32
      %dma_start3A_996 = tpu.memref_slice %arg5[%dma_start3A_995] : memref<3152xi32, #tpu.memory_space<vmem>> -> memref<3136xi32, #tpu.memory_space<vmem>>
      %dma_start3A_997 = tpu.memref_slice %arg3[%mul3A_2] : memref<100352xi32, #tpu.memory_space<hbm>> -> memref<3136xi32, #tpu.memory_space<hbm>>
      tpu.enqueue_dma source(%dma_start3A_997 : memref<3136xi32, #tpu.memory_space<hbm>>) target(%dma_start3A_996 : memref<3136xi32, #tpu.memory_space<vmem>>) target_semaphore(%run_scoped3A : memref<!tpu.dma_semaphore, #tpu.memory_space<semaphore_mem>>)
      %dma_wait3A_998 = arith.constant 0 : i32
      %dma_wait3A_999 = tpu.memref_slice %arg5[%dma_wait3A_998] : memref<3152xi32, #tpu.memory_space<vmem>> -> memref<3136xi32, #tpu.memory_space<vmem>>
      %dma_wait3A_1000 = tpu.memref_slice %arg3[%mul3A_2] : memref<100352xi32, #tpu.memory_space<hbm>> -> memref<3136xi32, #tpu.memory_space<hbm>>
      %dma_wait3A_1001 = arith.constant 0 : i32
      %dma_wait3A_1002 = tpu.memref_slice %arg5[%dma_wait3A_1001] : memref<3152xi32, #tpu.memory_space<vmem>> -> memref<3136xi32, #tpu.memory_space<vmem>>
      %dma_wait3A_1003 = tpu.memref_slice %arg3[%mul3A_2] : memref<100352xi32, #tpu.memory_space<hbm>> -> memref<3136xi32, #tpu.memory_space<hbm>>
      tpu.wait_dma2 semaphore(%run_scoped3A : memref<!tpu.dma_semaphore, #tpu.memory_space<semaphore_mem>>) src(%dma_wait3A_1003 : memref<3136xi32, #tpu.memory_space<hbm>>) dst(%dma_wait3A_1002 : memref<3136xi32, #tpu.memory_space<vmem>>)
      tpu.yield
    }) : () -> ()
    %iota3A = tpu.iota {dimensions = array<i32: 0>} : vector<16xi32>
    %shift_right_arithmetic3A = arith.constant 1 : i32
    %shift_right_arithmetic3A_3 = vector.broadcast %shift_right_arithmetic3A : i32 to vector<16xi32>
    %shift_right_arithmetic3A_4 = arith.shrsi %iota3A, %shift_right_arithmetic3A_3 : vector<16xi32>
    %and3A = arith.constant 1 : i32
    %and3A_5 = vector.broadcast %and3A : i32 to vector<16xi32>
    %and3A_6 = arith.andi %iota3A, %and3A_5 : vector<16xi32>
    %multiple_of3A = arith.constant 0 : i32
    %multiple_of3A_7 = tpu.assume_multiple %multiple_of3A, 64 : i32
    %add3A_8 = arith.constant 0 : i32
    %add3A_9 = arith.addi %multiple_of3A_7, %add3A_8 : i32
    %get3A = arith.index_cast %add3A_9 : i32 to index
    %get3A_10 = tpu.vector_load %arg5[%get3A] {strides = array<i32>} : memref<3152xi32, #tpu.memory_space<vmem>>, vector<16xi32>,
    %get3A_11 = vector.shape_cast %get3A_10 : vector<16xi32> to vector<16xi32>
    %lt3A = arith.constant 0 : i32
    %lt3A_12 = vector.broadcast %lt3A : i32 to vector<16xi32>
    %lt3A_13 = arith.cmpi slt, %shift_right_arithmetic3A_4, %lt3A_12 : vector<16xi32>
    %add3A_14 = arith.constant 16 : i32
    %add3A_15 = vector.broadcast %add3A_14 : i32 to vector<16xi32>
    %add3A_16 = arith.addi %shift_right_arithmetic3A_4, %add3A_15 : vector<16xi32>
    %select_n3A = arith.select %lt3A_13, %add3A_16, %shift_right_arithmetic3A_4 : vector<16xi1>, vector<16xi32>
    %broadcast_in_dim3A = vector.shape_cast %select_n3A : vector<16xi32> to vector<16x1xi32>
    %gather3A = vector.shape_cast %broadcast_in_dim3A : vector<16x1xi32> to vector<16xi32>
    %gather3A_17 = tpu.dynamic_gather %get3A_11[%gather3A] in [0] : vector<16xi32>, vector<16xi32> -> vector<16xi32>
    %mul3A_18 = arith.constant 2 : i32
    %mul3A_19 = vector.broadcast %mul3A_18 : i32 to vector<16xi32>
    %mul3A_20 = arith.muli %gather3A_17, %mul3A_19 : vector<16xi32>
    %add3A_21 = arith.addi %mul3A_20, %and3A_6 : vector<16xi32>
    %swap3A = arith.constant 0 : i32
    %swap3A_22 = arith.index_cast %swap3A : i32 to index
    %swap3A_23 = arith.constant 0 : index
    %swap3A_24 = tpu.vector_load %arg6[%swap3A_22, %swap3A_23] {strides = array<i32>} : memref<3x128xi32, #tpu.memory_space<vmem>>, vector<1x16xi32>,
    %swap3A_25 = vector.shape_cast %swap3A_24 : vector<1x16xi32> to vector<16xi32>
    %swap3A_26 = vector.shape_cast %add3A_21 : vector<16xi32> to vector<1x16xi32>
    tpu.vector_store %arg6[%swap3A_22, %swap3A_23], %swap3A_26 {strides = array<i32>} : memref<3x128xi32, #tpu.memory_space<vmem>>, vector<1x16xi32>,
    %add3A_27 = arith.constant 8 : i32
    %add3A_28 = arith.addi %multiple_of3A_7, %add3A_27 : i32
    %get3A_29 = arith.index_cast %add3A_28 : i32 to index
    %get3A_30 = tpu.vector_load %arg5[%get3A_29] {strides = array<i32>} : memref<3152xi32, #tpu.memory_space<vmem>>, vector<16xi32>,
    %get3A_31 = vector.shape_cast %get3A_30 : vector<16xi32> to vector<16xi32>
    %lt3A_32 = arith.constant 0 : i32
    %lt3A_33 = vector.broadcast %lt3A_32 : i32 to vector<16xi32>
    %lt3A_34 = arith.cmpi slt, %shift_right_arithmetic3A_4, %lt3A_33 : vector<16xi32>
    %add3A_35 = arith.constant 16 : i32
    %add3A_36 = vector.broadcast %add3A_35 : i32 to vector<16xi32>
    %add3A_37 = arith.addi %shift_right_arithmetic3A_4, %add3A_36 : vector<16xi32>
    %select_n3A_38 = arith.select %lt3A_34, %add3A_37, %shift_right_arithmetic3A_4 : vector<16xi1>, vector<16xi32>
    %broadcast_in_dim3A_39 = vector.shape_cast %select_n3A_38 : vector<16xi32> to vector<16x1xi32>
    %gather3A_40 = vector.shape_cast %broadcast_in_dim3A_39 : vector<16x1xi32> to vector<16xi32>
    %gather3A_41 = tpu.dynamic_gather %get3A_31[%gather3A_40] in [0] : vector<16xi32>, vector<16xi32> -> vector<16xi32>
    %mul3A_42 = arith.constant 2 : i32
    %mul3A_43 = vector.broadcast %mul3A_42 : i32 to vector<16xi32>
    %mul3A_44 = arith.muli %gather3A_41, %mul3A_43 : vector<16xi32>
    %add3A_45 = arith.addi %mul3A_44, %and3A_6 : vector<16xi32>
    %swap3A_46 = arith.constant 0 : i32
    %swap3A_47 = arith.index_cast %swap3A_46 : i32 to index
    %swap3A_48 = arith.constant 16 : index
    %swap3A_49 = tpu.vector_load %arg6[%swap3A_47, %swap3A_48] {strides = array<i32>} : memref<3x128xi32, #tpu.memory_space<vmem>>, vector<1x16xi32>,
    %swap3A_50 = vector.shape_cast %swap3A_49 : vector<1x16xi32> to vector<16xi32>
    %swap3A_51 = vector.shape_cast %add3A_45 : vector<16xi32> to vector<1x16xi32>
    tpu.vector_store %arg6[%swap3A_47, %swap3A_48], %swap3A_51 {strides = array<i32>} : memref<3x128xi32, #tpu.memory_space<vmem>>, vector<1x16xi32>,
    %add3A_52 = arith.constant 16 : i32
    %add3A_53 = arith.addi %multiple_of3A_7, %add3A_52 : i32
    %get3A_54 = arith.index_cast %add3A_53 : i32 to index
    %get3A_55 = tpu.vector_load %arg5[%get3A_54] {strides = array<i32>} : memref<3152xi32, #tpu.memory_space<vmem>>, vector<16xi32>,
    %get3A_56 = vector.shape_cast %get3A_55 : vector<16xi32> to vector<16xi32>
    %lt3A_57 = arith.constant 0 : i32
    %lt3A_58 = vector.broadcast %lt3A_57 : i32 to vector<16xi32>
    %lt3A_59 = arith.cmpi slt, %shift_right_arithmetic3A_4, %lt3A_58 : vector<16xi32>
    %add3A_60 = arith.constant 16 : i32
    %add3A_61 = vector.broadcast %add3A_60 : i32 to vector<16xi32>
    %add3A_62 = arith.addi %shift_right_arithmetic3A_4, %add3A_61 : vector<16xi32>
    %select_n3A_63 = arith.select %lt3A_59, %add3A_62, %shift_right_arithmetic3A_4 : vector<16xi1>, vector<16xi32>
    %broadcast_in_dim3A_64 = vector.shape_cast %select_n3A_63 : vector<16xi32> to vector<16x1xi32>
    %gather3A_65 = vector.shape_cast %broadcast_in_dim3A_64 : vector<16x1xi32> to vector<16xi32>
    %gather3A_66 = tpu.dynamic_gather %get3A_56[%gather3A_65] in [0] : vector<16xi32>, vector<16xi32> -> vector<16xi32>
    %mul3A_67 = arith.constant 2 : i32
    %mul3A_68 = vector.broadcast %mul3A_67 : i32 to vector<16xi32>
    %mul3A_69 = arith.muli %gather3A_66, %mul3A_68 : vector<16xi32>
    %add3A_70 = arith.addi %mul3A_69, %and3A_6 : vector<16xi32>
    %swap3A_71 = arith.constant 0 : i32
    %swap3A_72 = arith.index_cast %swap3A_71 : i32 to index
    %swap3A_73 = arith.constant 32 : index
    %swap3A_74 = tpu.vector_load %arg6[%swap3A_72, %swap3A_73] {strides = array<i32>} : memref<3x128xi32, #tpu.memory_space<vmem>>, vector<1x16xi32>,
    %swap3A_75 = vector.shape_cast %swap3A_74 : vector<1x16xi32> to vector<16xi32>
    %swap3A_76 = vector.shape_cast %add3A_70 : vector<16xi32> to vector<1x16xi32>
    tpu.vector_store %arg6[%swap3A_72, %swap3A_73], %swap3A_76 {strides = array<i32>} : memref<3x128xi32, #tpu.memory_space<vmem>>, vector<1x16xi32>,
    %add3A_77 = arith.constant 24 : i32
    %add3A_78 = arith.addi %multiple_of3A_7, %add3A_77 : i32
    %get3A_79 = arith.index_cast %add3A_78 : i32 to index
    %get3A_80 = tpu.vector_load %arg5[%get3A_79] {strides = array<i32>} : memref<3152xi32, #tpu.memory_space<vmem>>, vector<16xi32>,
    %get3A_81 = vector.shape_cast %get3A_80 : vector<16xi32> to vector<16xi32>
    %lt3A_82 = arith.constant 0 : i32
    %lt3A_83 = vector.broadcast %lt3A_82 : i32 to vector<16xi32>
    %lt3A_84 = arith.cmpi slt, %shift_right_arithmetic3A_4, %lt3A_83 : vector<16xi32>
    %add3A_85 = arith.constant 16 : i32
    %add3A_86 = vector.broadcast %add3A_85 : i32 to vector<16xi32>
    %add3A_87 = arith.addi %shift_right_arithmetic3A_4, %add3A_86 : vector<16xi32>
    %select_n3A_88 = arith.select %lt3A_84, %add3A_87, %shift_right_arithmetic3A_4 : vector<16xi1>, vector<16xi32>
    %broadcast_in_dim3A_89 = vector.shape_cast %select_n3A_88 : vector<16xi32> to vector<16x1xi32>
    %gather3A_90 = vector.shape_cast %broadcast_in_dim3A_89 : vector<16x1xi32> to vector<16xi32>
    %gather3A_91 = tpu.dynamic_gather %get3A_81[%gather3A_90] in [0] : vector<16xi32>, vector<16xi32> -> vector<16xi32>
    %mul3A_92 = arith.constant 2 : i32
    %mul3A_93 = vector.broadcast %mul3A_92 : i32 to vector<16xi32>
    %mul3A_94 = arith.muli %gather3A_91, %mul3A_93 : vector<16xi32>
    %add3A_95 = arith.addi %mul3A_94, %and3A_6 : vector<16xi32>
    %swap3A_96 = arith.constant 0 : i32
    %swap3A_97 = arith.index_cast %swap3A_96 : i32 to index
    %swap3A_98 = arith.constant 48 : index
    %swap3A_99 = tpu.vector_load %arg6[%swap3A_97, %swap3A_98] {strides = array<i32>} : memref<3x128xi32, #tpu.memory_space<vmem>>, vector<1x16xi32>,
    %swap3A_100 = vector.shape_cast %swap3A_99 : vector<1x16xi32> to vector<16xi32>
    %swap3A_101 = vector.shape_cast %add3A_95 : vector<16xi32> to vector<1x16xi32>
    tpu.vector_store %arg6[%swap3A_97, %swap3A_98], %swap3A_101 {strides = array<i32>} : memref<3x128xi32, #tpu.memory_space<vmem>>, vector<1x16xi32>,
    %add3A_102 = arith.constant 32 : i32
    %add3A_103 = arith.addi %multiple_of3A_7, %add3A_102 : i32
    %get3A_104 = arith.index_cast %add3A_103 : i32 to index
    %get3A_105 = tpu.vector_load %arg5[%get3A_104] {strides = array<i32>} : memref<3152xi32, #tpu.memory_space<vmem>>, vector<16xi32>,
    %get3A_106 = vector.shape_cast %get3A_105 : vector<16xi32> to vector<16xi32>
    %lt3A_107 = arith.constant 0 : i32
    %lt3A_108 = vector.broadcast %lt3A_107 : i32 to vector<16xi32>
    %lt3A_109 = arith.cmpi slt, %shift_right_arithmetic3A_4, %lt3A_108 : vector<16xi32>
    %add3A_110 = arith.constant 16 : i32
    %add3A_111 = vector.broadcast %add3A_110 : i32 to vector<16xi32>
    %add3A_112 = arith.addi %shift_right_arithmetic3A_4, %add3A_111 : vector<16xi32>
    %select_n3A_113 = arith.select %lt3A_109, %add3A_112, %shift_right_arithmetic3A_4 : vector<16xi1>, vector<16xi32>
    %broadcast_in_dim3A_114 = vector.shape_cast %select_n3A_113 : vector<16xi32> to vector<16x1xi32>
    %gather3A_115 = vector.shape_cast %broadcast_in_dim3A_114 : vector<16x1xi32> to vector<16xi32>
    %gather3A_116 = tpu.dynamic_gather %get3A_106[%gather3A_115] in [0] : vector<16xi32>, vector<16xi32> -> vector<16xi32>
    %mul3A_117 = arith.constant 2 : i32
    %mul3A_118 = vector.broadcast %mul3A_117 : i32 to vector<16xi32>
    %mul3A_119 = arith.muli %gather3A_116, %mul3A_118 : vector<16xi32>
    %add3A_120 = arith.addi %mul3A_119, %and3A_6 : vector<16xi32>
    %swap3A_121 = arith.constant 0 : i32
    %swap3A_122 = arith.index_cast %swap3A_121 : i32 to index
    %swap3A_123 = arith.constant 64 : index
    %swap3A_124 = tpu.vector_load %arg6[%swap3A_122, %swap3A_123] {strides = array<i32>} : memref<3x128xi32, #tpu.memory_space<vmem>>, vector<1x16xi32>,
    %swap3A_125 = vector.shape_cast %swap3A_124 : vector<1x16xi32> to vector<16xi32>
    %swap3A_126 = vector.shape_cast %add3A_120 : vector<16xi32> to vector<1x16xi32>
    tpu.vector_store %arg6[%swap3A_122, %swap3A_123], %swap3A_126 {strides = array<i32>} : memref<3x128xi32, #tpu.memory_space<vmem>>, vector<1x16xi32>,
    %add3A_127 = arith.constant 40 : i32
    %add3A_128 = arith.addi %multiple_of3A_7, %add3A_127 : i32
    %get3A_129 = arith.index_cast %add3A_128 : i32 to index
    %get3A_130 = tpu.vector_load %arg5[%get3A_129] {strides = array<i32>} : memref<3152xi32, #tpu.memory_space<vmem>>, vector<16xi32>,
    %get3A_131 = vector.shape_cast %get3A_130 : vector<16xi32> to vector<16xi32>
    %lt3A_132 = arith.constant 0 : i32
    %lt3A_133 = vector.broadcast %lt3A_132 : i32 to vector<16xi32>
    %lt3A_134 = arith.cmpi slt, %shift_right_arithmetic3A_4, %lt3A_133 : vector<16xi32>
    %add3A_135 = arith.constant 16 : i32
    %add3A_136 = vector.broadcast %add3A_135 : i32 to vector<16xi32>
    %add3A_137 = arith.addi %shift_right_arithmetic3A_4, %add3A_136 : vector<16xi32>
    %select_n3A_138 = arith.select %lt3A_134, %add3A_137, %shift_right_arithmetic3A_4 : vector<16xi1>, vector<16xi32>
    %broadcast_in_dim3A_139 = vector.shape_cast %select_n3A_138 : vector<16xi32> to vector<16x1xi32>
    %gather3A_140 = vector.shape_cast %broadcast_in_dim3A_139 : vector<16x1xi32> to vector<16xi32>
    %gather3A_141 = tpu.dynamic_gather %get3A_131[%gather3A_140] in [0] : vector<16xi32>, vector<16xi32> -> vector<16xi32>
    %mul3A_142 = arith.constant 2 : i32
    %mul3A_143 = vector.broadcast %mul3A_142 : i32 to vector<16xi32>
    %mul3A_144 = arith.muli %gather3A_141, %mul3A_143 : vector<16xi32>
    %add3A_145 = arith.addi %mul3A_144, %and3A_6 : vector<16xi32>
    %swap3A_146 = arith.constant 0 : i32
    %swap3A_147 = arith.index_cast %swap3A_146 : i32 to index
    %swap3A_148 = arith.constant 80 : index
    %swap3A_149 = tpu.vector_load %arg6[%swap3A_147, %swap3A_148] {strides = array<i32>} : memref<3x128xi32, #tpu.memory_space<vmem>>, vector<1x16xi32>,
    %swap3A_150 = vector.shape_cast %swap3A_149 : vector<1x16xi32> to vector<16xi32>
    %swap3A_151 = vector.shape_cast %add3A_145 : vector<16xi32> to vector<1x16xi32>
    tpu.vector_store %arg6[%swap3A_147, %swap3A_148], %swap3A_151 {strides = array<i32>} : memref<3x128xi32, #tpu.memory_space<vmem>>, vector<1x16xi32>,
    %add3A_152 = arith.constant 48 : i32
    %add3A_153 = arith.addi %multiple_of3A_7, %add3A_152 : i32
    %get3A_154 = arith.index_cast %add3A_153 : i32 to index
    %get3A_155 = tpu.vector_load %arg5[%get3A_154] {strides = array<i32>} : memref<3152xi32, #tpu.memory_space<vmem>>, vector<16xi32>,
    %get3A_156 = vector.shape_cast %get3A_155 : vector<16xi32> to vector<16xi32>
    %lt3A_157 = arith.constant 0 : i32
    %lt3A_158 = vector.broadcast %lt3A_157 : i32 to vector<16xi32>
    %lt3A_159 = arith.cmpi slt, %shift_right_arithmetic3A_4, %lt3A_158 : vector<16xi32>
    %add3A_160 = arith.constant 16 : i32
    %add3A_161 = vector.broadcast %add3A_160 : i32 to vector<16xi32>
    %add3A_162 = arith.addi %shift_right_arithmetic3A_4, %add3A_161 : vector<16xi32>
    %select_n3A_163 = arith.select %lt3A_159, %add3A_162, %shift_right_arithmetic3A_4 : vector<16xi1>, vector<16xi32>
    %broadcast_in_dim3A_164 = vector.shape_cast %select_n3A_163 : vector<16xi32> to vector<16x1xi32>
    %gather3A_165 = vector.shape_cast %broadcast_in_dim3A_164 : vector<16x1xi32> to vector<16xi32>
    %gather3A_166 = tpu.dynamic_gather %get3A_156[%gather3A_165] in [0] : vector<16xi32>, vector<16xi32> -> vector<16xi32>
    %mul3A_167 = arith.constant 2 : i32
    %mul3A_168 = vector.broadcast %mul3A_167 : i32 to vector<16xi32>
    %mul3A_169 = arith.muli %gather3A_166, %mul3A_168 : vector<16xi32>
    %add3A_170 = arith.addi %mul3A_169, %and3A_6 : vector<16xi32>
    %swap3A_171 = arith.constant 0 : i32
    %swap3A_172 = arith.index_cast %swap3A_171 : i32 to index
    %swap3A_173 = arith.constant 96 : index
    %swap3A_174 = tpu.vector_load %arg6[%swap3A_172, %swap3A_173] {strides = array<i32>} : memref<3x128xi32, #tpu.memory_space<vmem>>, vector<1x16xi32>,
    %swap3A_175 = vector.shape_cast %swap3A_174 : vector<1x16xi32> to vector<16xi32>
    %swap3A_176 = vector.shape_cast %add3A_170 : vector<16xi32> to vector<1x16xi32>
    tpu.vector_store %arg6[%swap3A_172, %swap3A_173], %swap3A_176 {strides = array<i32>} : memref<3x128xi32, #tpu.memory_space<vmem>>, vector<1x16xi32>,
    %add3A_177 = arith.constant 56 : i32
    %add3A_178 = arith.addi %multiple_of3A_7, %add3A_177 : i32
    %get3A_179 = arith.index_cast %add3A_178 : i32 to index
    %get3A_180 = tpu.vector_load %arg5[%get3A_179] {strides = array<i32>} : memref<3152xi32, #tpu.memory_space<vmem>>, vector<16xi32>,
    %get3A_181 = vector.shape_cast %get3A_180 : vector<16xi32> to vector<16xi32>
    %lt3A_182 = arith.constant 0 : i32
    %lt3A_183 = vector.broadcast %lt3A_182 : i32 to vector<16xi32>
    %lt3A_184 = arith.cmpi slt, %shift_right_arithmetic3A_4, %lt3A_183 : vector<16xi32>
    %add3A_185 = arith.constant 16 : i32
    %add3A_186 = vector.broadcast %add3A_185 : i32 to vector<16xi32>
    %add3A_187 = arith.addi %shift_right_arithmetic3A_4, %add3A_186 : vector<16xi32>
    %select_n3A_188 = arith.select %lt3A_184, %add3A_187, %shift_right_arithmetic3A_4 : vector<16xi1>, vector<16xi32>
    %broadcast_in_dim3A_189 = vector.shape_cast %select_n3A_188 : vector<16xi32> to vector<16x1xi32>
    %gather3A_190 = vector.shape_cast %broadcast_in_dim3A_189 : vector<16x1xi32> to vector<16xi32>
    %gather3A_191 = tpu.dynamic_gather %get3A_181[%gather3A_190] in [0] : vector<16xi32>, vector<16xi32> -> vector<16xi32>
    %mul3A_192 = arith.constant 2 : i32
    %mul3A_193 = vector.broadcast %mul3A_192 : i32 to vector<16xi32>
    %mul3A_194 = arith.muli %gather3A_191, %mul3A_193 : vector<16xi32>
    %add3A_195 = arith.addi %mul3A_194, %and3A_6 : vector<16xi32>
    %swap3A_196 = arith.constant 0 : i32
    %swap3A_197 = arith.index_cast %swap3A_196 : i32 to index
    %swap3A_198 = arith.constant 112 : index
    %swap3A_199 = tpu.vector_load %arg6[%swap3A_197, %swap3A_198] {strides = array<i32>} : memref<3x128xi32, #tpu.memory_space<vmem>>, vector<1x16xi32>,
    %swap3A_200 = vector.shape_cast %swap3A_199 : vector<1x16xi32> to vector<16xi32>
    %swap3A_201 = vector.shape_cast %add3A_195 : vector<16xi32> to vector<1x16xi32>
    tpu.vector_store %arg6[%swap3A_197, %swap3A_198], %swap3A_201 {strides = array<i32>} : memref<3x128xi32, #tpu.memory_space<vmem>>, vector<1x16xi32>,
    %dma_start3A = arith.constant 0 : i32
    %dma_start3A_202 = arith.constant 0 : i32
    %dma_start3A_203 = tpu.memref_slice %arg6[%dma_start3A, %dma_start3A_202] : memref<3x128xi32, #tpu.memory_space<vmem>> -> memref<1x128xi32, #tpu.memory_space<vmem>>
    %dma_start3A_204 = tpu.memref_squeeze %dma_start3A_203 : memref<1x128xi32, #tpu.memory_space<vmem>> -> memref<128xi32, #tpu.memory_space<vmem>>
    %dma_start3A_205 = arith.constant 0 : i32
    %dma_start3A_206 = arith.constant 0 : i32
    %dma_start3A_207 = tpu.memref_slice %arg2[%dma_start3A_205, %dma_start3A_206] : memref<50000x128xf32, #tpu.memory_space<hbm>> -> memref<50000x128xf32, #tpu.memory_space<hbm>>
    tpu.enqueue_indirect_dma source(%dma_start3A_207 : memref<50000x128xf32, #tpu.memory_space<hbm>>) target(%arg7 : memref<128x128xf32, #tpu.memory_space<vmem>>) offsets(%dma_start3A_204 : memref<128xi32, #tpu.memory_space<vmem>>) semaphore(%arg10 : memref<!tpu.dma_semaphore, #tpu.memory_space<semaphore_mem>>)
    %multiple_of3A_208 = arith.constant 64 : i32
    %multiple_of3A_209 = tpu.assume_multiple %multiple_of3A_208, 64 : i32
    %add3A_210 = arith.constant 0 : i32
    %add3A_211 = arith.addi %multiple_of3A_209, %add3A_210 : i32
    %get3A_212 = arith.index_cast %add3A_211 : i32 to index
    %get3A_213 = tpu.vector_load %arg5[%get3A_212] {strides = array<i32>} : memref<3152xi32, #tpu.memory_space<vmem>>, vector<16xi32>,
    %get3A_214 = vector.shape_cast %get3A_213 : vector<16xi32> to vector<16xi32>
    %lt3A_215 = arith.constant 0 : i32
    %lt3A_216 = vector.broadcast %lt3A_215 : i32 to vector<16xi32>
    %lt3A_217 = arith.cmpi slt, %shift_right_arithmetic3A_4, %lt3A_216 : vector<16xi32>
    %add3A_218 = arith.constant 16 : i32
    %add3A_219 = vector.broadcast %add3A_218 : i32 to vector<16xi32>
    %add3A_220 = arith.addi %shift_right_arithmetic3A_4, %add3A_219 : vector<16xi32>
    %select_n3A_221 = arith.select %lt3A_217, %add3A_220, %shift_right_arithmetic3A_4 : vector<16xi1>, vector<16xi32>
    %broadcast_in_dim3A_222 = vector.shape_cast %select_n3A_221 : vector<16xi32> to vector<16x1xi32>
    %gather3A_223 = vector.shape_cast %broadcast_in_dim3A_222 : vector<16x1xi32> to vector<16xi32>
    %gather3A_224 = tpu.dynamic_gather %get3A_214[%gather3A_223] in [0] : vector<16xi32>, vector<16xi32> -> vector<16xi32>
    %mul3A_225 = arith.constant 2 : i32
    %mul3A_226 = vector.broadcast %mul3A_225 : i32 to vector<16xi32>
    %mul3A_227 = arith.muli %gather3A_224, %mul3A_226 : vector<16xi32>
    %add3A_228 = arith.addi %mul3A_227, %and3A_6 : vector<16xi32>
    %swap3A_229 = arith.constant 1 : i32
    %swap3A_230 = arith.index_cast %swap3A_229 : i32 to index
    %swap3A_231 = arith.constant 0 : index
    %swap3A_232 = tpu.vector_load %arg6[%swap3A_230, %swap3A_231] {strides = array<i32>} : memref<3x128xi32, #tpu.memory_space<vmem>>, vector<1x16xi32>,
    %swap3A_233 = vector.shape_cast %swap3A_232 : vector<1x16xi32> to vector<16xi32>
    %swap3A_234 = vector.shape_cast %add3A_228 : vector<16xi32> to vector<1x16xi32>
    tpu.vector_store %arg6[%swap3A_230, %swap3A_231], %swap3A_234 {strides = array<i32>} : memref<3x128xi32, #tpu.memory_space<vmem>>, vector<1x16xi32>,
    %add3A_235 = arith.constant 8 : i32
    %add3A_236 = arith.addi %multiple_of3A_209, %add3A_235 : i32
    %get3A_237 = arith.index_cast %add3A_236 : i32 to index
    %get3A_238 = tpu.vector_load %arg5[%get3A_237] {strides = array<i32>} : memref<3152xi32, #tpu.memory_space<vmem>>, vector<16xi32>,
    %get3A_239 = vector.shape_cast %get3A_238 : vector<16xi32> to vector<16xi32>
    %lt3A_240 = arith.constant 0 : i32
    %lt3A_241 = vector.broadcast %lt3A_240 : i32 to vector<16xi32>
    %lt3A_242 = arith.cmpi slt, %shift_right_arithmetic3A_4, %lt3A_241 : vector<16xi32>
    %add3A_243 = arith.constant 16 : i32
    %add3A_244 = vector.broadcast %add3A_243 : i32 to vector<16xi32>
    %add3A_245 = arith.addi %shift_right_arithmetic3A_4, %add3A_244 : vector<16xi32>
    %select_n3A_246 = arith.select %lt3A_242, %add3A_245, %shift_right_arithmetic3A_4 : vector<16xi1>, vector<16xi32>
    %broadcast_in_dim3A_247 = vector.shape_cast %select_n3A_246 : vector<16xi32> to vector<16x1xi32>
    %gather3A_248 = vector.shape_cast %broadcast_in_dim3A_247 : vector<16x1xi32> to vector<16xi32>
    %gather3A_249 = tpu.dynamic_gather %get3A_239[%gather3A_248] in [0] : vector<16xi32>, vector<16xi32> -> vector<16xi32>
    %mul3A_250 = arith.constant 2 : i32
    %mul3A_251 = vector.broadcast %mul3A_250 : i32 to vector<16xi32>
    %mul3A_252 = arith.muli %gather3A_249, %mul3A_251 : vector<16xi32>
    %add3A_253 = arith.addi %mul3A_252, %and3A_6 : vector<16xi32>
    %swap3A_254 = arith.constant 1 : i32
    %swap3A_255 = arith.index_cast %swap3A_254 : i32 to index
    %swap3A_256 = arith.constant 16 : index
    %swap3A_257 = tpu.vector_load %arg6[%swap3A_255, %swap3A_256] {strides = array<i32>} : memref<3x128xi32, #tpu.memory_space<vmem>>, vector<1x16xi32>,
    %swap3A_258 = vector.shape_cast %swap3A_257 : vector<1x16xi32> to vector<16xi32>
    %swap3A_259 = vector.shape_cast %add3A_253 : vector<16xi32> to vector<1x16xi32>
    tpu.vector_store %arg6[%swap3A_255, %swap3A_256], %swap3A_259 {strides = array<i32>} : memref<3x128xi32, #tpu.memory_space<vmem>>, vector<1x16xi32>,
    %add3A_260 = arith.constant 16 : i32
    %add3A_261 = arith.addi %multiple_of3A_209, %add3A_260 : i32
    %get3A_262 = arith.index_cast %add3A_261 : i32 to index
    %get3A_263 = tpu.vector_load %arg5[%get3A_262] {strides = array<i32>} : memref<3152xi32, #tpu.memory_space<vmem>>, vector<16xi32>,
    %get3A_264 = vector.shape_cast %get3A_263 : vector<16xi32> to vector<16xi32>
    %lt3A_265 = arith.constant 0 : i32
    %lt3A_266 = vector.broadcast %lt3A_265 : i32 to vector<16xi32>
    %lt3A_267 = arith.cmpi slt, %shift_right_arithmetic3A_4, %lt3A_266 : vector<16xi32>
    %add3A_268 = arith.constant 16 : i32
    %add3A_269 = vector.broadcast %add3A_268 : i32 to vector<16xi32>
    %add3A_270 = arith.addi %shift_right_arithmetic3A_4, %add3A_269 : vector<16xi32>
    %select_n3A_271 = arith.select %lt3A_267, %add3A_270, %shift_right_arithmetic3A_4 : vector<16xi1>, vector<16xi32>
    %broadcast_in_dim3A_272 = vector.shape_cast %select_n3A_271 : vector<16xi32> to vector<16x1xi32>
    %gather3A_273 = vector.shape_cast %broadcast_in_dim3A_272 : vector<16x1xi32> to vector<16xi32>
    %gather3A_274 = tpu.dynamic_gather %get3A_264[%gather3A_273] in [0] : vector<16xi32>, vector<16xi32> -> vector<16xi32>
    %mul3A_275 = arith.constant 2 : i32
    %mul3A_276 = vector.broadcast %mul3A_275 : i32 to vector<16xi32>
    %mul3A_277 = arith.muli %gather3A_274, %mul3A_276 : vector<16xi32>
    %add3A_278 = arith.addi %mul3A_277, %and3A_6 : vector<16xi32>
    %swap3A_279 = arith.constant 1 : i32
    %swap3A_280 = arith.index_cast %swap3A_279 : i32 to index
    %swap3A_281 = arith.constant 32 : index
    %swap3A_282 = tpu.vector_load %arg6[%swap3A_280, %swap3A_281] {strides = array<i32>} : memref<3x128xi32, #tpu.memory_space<vmem>>, vector<1x16xi32>,
    %swap3A_283 = vector.shape_cast %swap3A_282 : vector<1x16xi32> to vector<16xi32>
    %swap3A_284 = vector.shape_cast %add3A_278 : vector<16xi32> to vector<1x16xi32>
    tpu.vector_store %arg6[%swap3A_280, %swap3A_281], %swap3A_284 {strides = array<i32>} : memref<3x128xi32, #tpu.memory_space<vmem>>, vector<1x16xi32>,
    %add3A_285 = arith.constant 24 : i32
    %add3A_286 = arith.addi %multiple_of3A_209, %add3A_285 : i32
    %get3A_287 = arith.index_cast %add3A_286 : i32 to index
    %get3A_288 = tpu.vector_load %arg5[%get3A_287] {strides = array<i32>} : memref<3152xi32, #tpu.memory_space<vmem>>, vector<16xi32>,
    %get3A_289 = vector.shape_cast %get3A_288 : vector<16xi32> to vector<16xi32>
    %lt3A_290 = arith.constant 0 : i32
    %lt3A_291 = vector.broadcast %lt3A_290 : i32 to vector<16xi32>
    %lt3A_292 = arith.cmpi slt, %shift_right_arithmetic3A_4, %lt3A_291 : vector<16xi32>
    %add3A_293 = arith.constant 16 : i32
    %add3A_294 = vector.broadcast %add3A_293 : i32 to vector<16xi32>
    %add3A_295 = arith.addi %shift_right_arithmetic3A_4, %add3A_294 : vector<16xi32>
    %select_n3A_296 = arith.select %lt3A_292, %add3A_295, %shift_right_arithmetic3A_4 : vector<16xi1>, vector<16xi32>
    %broadcast_in_dim3A_297 = vector.shape_cast %select_n3A_296 : vector<16xi32> to vector<16x1xi32>
    %gather3A_298 = vector.shape_cast %broadcast_in_dim3A_297 : vector<16x1xi32> to vector<16xi32>
    %gather3A_299 = tpu.dynamic_gather %get3A_289[%gather3A_298] in [0] : vector<16xi32>, vector<16xi32> -> vector<16xi32>
    %mul3A_300 = arith.constant 2 : i32
    %mul3A_301 = vector.broadcast %mul3A_300 : i32 to vector<16xi32>
    %mul3A_302 = arith.muli %gather3A_299, %mul3A_301 : vector<16xi32>
    %add3A_303 = arith.addi %mul3A_302, %and3A_6 : vector<16xi32>
    %swap3A_304 = arith.constant 1 : i32
    %swap3A_305 = arith.index_cast %swap3A_304 : i32 to index
    %swap3A_306 = arith.constant 48 : index
    %swap3A_307 = tpu.vector_load %arg6[%swap3A_305, %swap3A_306] {strides = array<i32>} : memref<3x128xi32, #tpu.memory_space<vmem>>, vector<1x16xi32>,
    %swap3A_308 = vector.shape_cast %swap3A_307 : vector<1x16xi32> to vector<16xi32>
    %swap3A_309 = vector.shape_cast %add3A_303 : vector<16xi32> to vector<1x16xi32>
    tpu.vector_store %arg6[%swap3A_305, %swap3A_306], %swap3A_309 {strides = array<i32>} : memref<3x128xi32, #tpu.memory_space<vmem>>, vector<1x16xi32>,
    %add3A_310 = arith.constant 32 : i32
    %add3A_311 = arith.addi %multiple_of3A_209, %add3A_310 : i32
    %get3A_312 = arith.index_cast %add3A_311 : i32 to index
    %get3A_313 = tpu.vector_load %arg5[%get3A_312] {strides = array<i32>} : memref<3152xi32, #tpu.memory_space<vmem>>, vector<16xi32>,
    %get3A_314 = vector.shape_cast %get3A_313 : vector<16xi32> to vector<16xi32>
    %lt3A_315 = arith.constant 0 : i32
    %lt3A_316 = vector.broadcast %lt3A_315 : i32 to vector<16xi32>
    %lt3A_317 = arith.cmpi slt, %shift_right_arithmetic3A_4, %lt3A_316 : vector<16xi32>
    %add3A_318 = arith.constant 16 : i32
    %add3A_319 = vector.broadcast %add3A_318 : i32 to vector<16xi32>
    %add3A_320 = arith.addi %shift_right_arithmetic3A_4, %add3A_319 : vector<16xi32>
    %select_n3A_321 = arith.select %lt3A_317, %add3A_320, %shift_right_arithmetic3A_4 : vector<16xi1>, vector<16xi32>
    %broadcast_in_dim3A_322 = vector.shape_cast %select_n3A_321 : vector<16xi32> to vector<16x1xi32>
    %gather3A_323 = vector.shape_cast %broadcast_in_dim3A_322 : vector<16x1xi32> to vector<16xi32>
    %gather3A_324 = tpu.dynamic_gather %get3A_314[%gather3A_323] in [0] : vector<16xi32>, vector<16xi32> -> vector<16xi32>
    %mul3A_325 = arith.constant 2 : i32
    %mul3A_326 = vector.broadcast %mul3A_325 : i32 to vector<16xi32>
    %mul3A_327 = arith.muli %gather3A_324, %mul3A_326 : vector<16xi32>
    %add3A_328 = arith.addi %mul3A_327, %and3A_6 : vector<16xi32>
    %swap3A_329 = arith.constant 1 : i32
    %swap3A_330 = arith.index_cast %swap3A_329 : i32 to index
    %swap3A_331 = arith.constant 64 : index
    %swap3A_332 = tpu.vector_load %arg6[%swap3A_330, %swap3A_331] {strides = array<i32>} : memref<3x128xi32, #tpu.memory_space<vmem>>, vector<1x16xi32>,
    %swap3A_333 = vector.shape_cast %swap3A_332 : vector<1x16xi32> to vector<16xi32>
    %swap3A_334 = vector.shape_cast %add3A_328 : vector<16xi32> to vector<1x16xi32>
    tpu.vector_store %arg6[%swap3A_330, %swap3A_331], %swap3A_334 {strides = array<i32>} : memref<3x128xi32, #tpu.memory_space<vmem>>, vector<1x16xi32>,
    %add3A_335 = arith.constant 40 : i32
    %add3A_336 = arith.addi %multiple_of3A_209, %add3A_335 : i32
    %get3A_337 = arith.index_cast %add3A_336 : i32 to index
    %get3A_338 = tpu.vector_load %arg5[%get3A_337] {strides = array<i32>} : memref<3152xi32, #tpu.memory_space<vmem>>, vector<16xi32>,
    %get3A_339 = vector.shape_cast %get3A_338 : vector<16xi32> to vector<16xi32>
    %lt3A_340 = arith.constant 0 : i32
    %lt3A_341 = vector.broadcast %lt3A_340 : i32 to vector<16xi32>
    %lt3A_342 = arith.cmpi slt, %shift_right_arithmetic3A_4, %lt3A_341 : vector<16xi32>
    %add3A_343 = arith.constant 16 : i32
    %add3A_344 = vector.broadcast %add3A_343 : i32 to vector<16xi32>
    %add3A_345 = arith.addi %shift_right_arithmetic3A_4, %add3A_344 : vector<16xi32>
    %select_n3A_346 = arith.select %lt3A_342, %add3A_345, %shift_right_arithmetic3A_4 : vector<16xi1>, vector<16xi32>
    %broadcast_in_dim3A_347 = vector.shape_cast %select_n3A_346 : vector<16xi32> to vector<16x1xi32>
    %gather3A_348 = vector.shape_cast %broadcast_in_dim3A_347 : vector<16x1xi32> to vector<16xi32>
    %gather3A_349 = tpu.dynamic_gather %get3A_339[%gather3A_348] in [0] : vector<16xi32>, vector<16xi32> -> vector<16xi32>
    %mul3A_350 = arith.constant 2 : i32
    %mul3A_351 = vector.broadcast %mul3A_350 : i32 to vector<16xi32>
    %mul3A_352 = arith.muli %gather3A_349, %mul3A_351 : vector<16xi32>
    %add3A_353 = arith.addi %mul3A_352, %and3A_6 : vector<16xi32>
    %swap3A_354 = arith.constant 1 : i32
    %swap3A_355 = arith.index_cast %swap3A_354 : i32 to index
    %swap3A_356 = arith.constant 80 : index
    %swap3A_357 = tpu.vector_load %arg6[%swap3A_355, %swap3A_356] {strides = array<i32>} : memref<3x128xi32, #tpu.memory_space<vmem>>, vector<1x16xi32>,
    %swap3A_358 = vector.shape_cast %swap3A_357 : vector<1x16xi32> to vector<16xi32>
    %swap3A_359 = vector.shape_cast %add3A_353 : vector<16xi32> to vector<1x16xi32>
    tpu.vector_store %arg6[%swap3A_355, %swap3A_356], %swap3A_359 {strides = array<i32>} : memref<3x128xi32, #tpu.memory_space<vmem>>, vector<1x16xi32>,
    %add3A_360 = arith.constant 48 : i32
    %add3A_361 = arith.addi %multiple_of3A_209, %add3A_360 : i32
    %get3A_362 = arith.index_cast %add3A_361 : i32 to index
    %get3A_363 = tpu.vector_load %arg5[%get3A_362] {strides = array<i32>} : memref<3152xi32, #tpu.memory_space<vmem>>, vector<16xi32>,
    %get3A_364 = vector.shape_cast %get3A_363 : vector<16xi32> to vector<16xi32>
    %lt3A_365 = arith.constant 0 : i32
    %lt3A_366 = vector.broadcast %lt3A_365 : i32 to vector<16xi32>
    %lt3A_367 = arith.cmpi slt, %shift_right_arithmetic3A_4, %lt3A_366 : vector<16xi32>
    %add3A_368 = arith.constant 16 : i32
    %add3A_369 = vector.broadcast %add3A_368 : i32 to vector<16xi32>
    %add3A_370 = arith.addi %shift_right_arithmetic3A_4, %add3A_369 : vector<16xi32>
    %select_n3A_371 = arith.select %lt3A_367, %add3A_370, %shift_right_arithmetic3A_4 : vector<16xi1>, vector<16xi32>
    %broadcast_in_dim3A_372 = vector.shape_cast %select_n3A_371 : vector<16xi32> to vector<16x1xi32>
    %gather3A_373 = vector.shape_cast %broadcast_in_dim3A_372 : vector<16x1xi32> to vector<16xi32>
    %gather3A_374 = tpu.dynamic_gather %get3A_364[%gather3A_373] in [0] : vector<16xi32>, vector<16xi32> -> vector<16xi32>
    %mul3A_375 = arith.constant 2 : i32
    %mul3A_376 = vector.broadcast %mul3A_375 : i32 to vector<16xi32>
    %mul3A_377 = arith.muli %gather3A_374, %mul3A_376 : vector<16xi32>
    %add3A_378 = arith.addi %mul3A_377, %and3A_6 : vector<16xi32>
    %swap3A_379 = arith.constant 1 : i32
    %swap3A_380 = arith.index_cast %swap3A_379 : i32 to index
    %swap3A_381 = arith.constant 96 : index
    %swap3A_382 = tpu.vector_load %arg6[%swap3A_380, %swap3A_381] {strides = array<i32>} : memref<3x128xi32, #tpu.memory_space<vmem>>, vector<1x16xi32>,
    %swap3A_383 = vector.shape_cast %swap3A_382 : vector<1x16xi32> to vector<16xi32>
    %swap3A_384 = vector.shape_cast %add3A_378 : vector<16xi32> to vector<1x16xi32>
    tpu.vector_store %arg6[%swap3A_380, %swap3A_381], %swap3A_384 {strides = array<i32>} : memref<3x128xi32, #tpu.memory_space<vmem>>, vector<1x16xi32>,
    %add3A_385 = arith.constant 56 : i32
    %add3A_386 = arith.addi %multiple_of3A_209, %add3A_385 : i32
    %get3A_387 = arith.index_cast %add3A_386 : i32 to index
    %get3A_388 = tpu.vector_load %arg5[%get3A_387] {strides = array<i32>} : memref<3152xi32, #tpu.memory_space<vmem>>, vector<16xi32>,
    %get3A_389 = vector.shape_cast %get3A_388 : vector<16xi32> to vector<16xi32>
    %lt3A_390 = arith.constant 0 : i32
    %lt3A_391 = vector.broadcast %lt3A_390 : i32 to vector<16xi32>
    %lt3A_392 = arith.cmpi slt, %shift_right_arithmetic3A_4, %lt3A_391 : vector<16xi32>
    %add3A_393 = arith.constant 16 : i32
    %add3A_394 = vector.broadcast %add3A_393 : i32 to vector<16xi32>
    %add3A_395 = arith.addi %shift_right_arithmetic3A_4, %add3A_394 : vector<16xi32>
    %select_n3A_396 = arith.select %lt3A_392, %add3A_395, %shift_right_arithmetic3A_4 : vector<16xi1>, vector<16xi32>
    %broadcast_in_dim3A_397 = vector.shape_cast %select_n3A_396 : vector<16xi32> to vector<16x1xi32>
    %gather3A_398 = vector.shape_cast %broadcast_in_dim3A_397 : vector<16x1xi32> to vector<16xi32>
    %gather3A_399 = tpu.dynamic_gather %get3A_389[%gather3A_398] in [0] : vector<16xi32>, vector<16xi32> -> vector<16xi32>
    %mul3A_400 = arith.constant 2 : i32
    %mul3A_401 = vector.broadcast %mul3A_400 : i32 to vector<16xi32>
    %mul3A_402 = arith.muli %gather3A_399, %mul3A_401 : vector<16xi32>
    %add3A_403 = arith.addi %mul3A_402, %and3A_6 : vector<16xi32>
    %swap3A_404 = arith.constant 1 : i32
    %swap3A_405 = arith.index_cast %swap3A_404 : i32 to index
    %swap3A_406 = arith.constant 112 : index
    %swap3A_407 = tpu.vector_load %arg6[%swap3A_405, %swap3A_406] {strides = array<i32>} : memref<3x128xi32, #tpu.memory_space<vmem>>, vector<1x16xi32>,
    %swap3A_408 = vector.shape_cast %swap3A_407 : vector<1x16xi32> to vector<16xi32>
    %swap3A_409 = vector.shape_cast %add3A_403 : vector<16xi32> to vector<1x16xi32>
    tpu.vector_store %arg6[%swap3A_405, %swap3A_406], %swap3A_409 {strides = array<i32>} : memref<3x128xi32, #tpu.memory_space<vmem>>, vector<1x16xi32>,
    %dma_start3A_410 = arith.constant 1 : i32
    %dma_start3A_411 = arith.constant 0 : i32
    %dma_start3A_412 = tpu.memref_slice %arg6[%dma_start3A_410, %dma_start3A_411] : memref<3x128xi32, #tpu.memory_space<vmem>> -> memref<1x128xi32, #tpu.memory_space<vmem>>
    %dma_start3A_413 = tpu.memref_squeeze %dma_start3A_412 : memref<1x128xi32, #tpu.memory_space<vmem>> -> memref<128xi32, #tpu.memory_space<vmem>>
    %dma_start3A_414 = arith.constant 0 : i32
    %dma_start3A_415 = arith.constant 0 : i32
    %dma_start3A_416 = tpu.memref_slice %arg2[%dma_start3A_414, %dma_start3A_415] : memref<50000x128xf32, #tpu.memory_space<hbm>> -> memref<50000x128xf32, #tpu.memory_space<hbm>>
    tpu.enqueue_indirect_dma source(%dma_start3A_416 : memref<50000x128xf32, #tpu.memory_space<hbm>>) target(%arg8 : memref<128x128xf32, #tpu.memory_space<vmem>>) offsets(%dma_start3A_413 : memref<128xi32, #tpu.memory_space<vmem>>) semaphore(%arg11 : memref<!tpu.dma_semaphore, #tpu.memory_space<semaphore_mem>>)
    %dma_wait3A = arith.constant 0 : i32
    %dma_wait3A_417 = arith.constant 0 : i32
    %dma_wait3A_418 = tpu.memref_slice %arg6[%dma_wait3A, %dma_wait3A_417] : memref<3x128xi32, #tpu.memory_space<vmem>> -> memref<1x128xi32, #tpu.memory_space<vmem>>
    %dma_wait3A_419 = tpu.memref_squeeze %dma_wait3A_418 : memref<1x128xi32, #tpu.memory_space<vmem>> -> memref<128xi32, #tpu.memory_space<vmem>>
    %dma_wait3A_420 = arith.constant 0 : i32
    %dma_wait3A_421 = arith.constant 0 : i32
    %dma_wait3A_422 = tpu.memref_slice %arg2[%dma_wait3A_420, %dma_wait3A_421] : memref<50000x128xf32, #tpu.memory_space<hbm>> -> memref<50000x128xf32, #tpu.memory_space<hbm>>
    tpu.wait_indirect_dma semaphore(%arg10 : memref<!tpu.dma_semaphore, #tpu.memory_space<semaphore_mem>>) src(%dma_wait3A_422 : memref<50000x128xf32, #tpu.memory_space<hbm>>) dst(%arg7 : memref<128x128xf32, #tpu.memory_space<vmem>>)
    %mul3A_423 = arith.constant 49 : i32
    %mul3A_424 = arith.muli %add3A, %mul3A_423 : i32
    %add3A_425 = arith.constant 0 : i32
    %add3A_426 = arith.addi %mul3A_424, %add3A_425 : i32
    %mul3A_427 = arith.constant 128 : i32
    %mul3A_428 = arith.muli %add3A_426, %mul3A_427 : i32
    %lt3A_429 = arith.constant 1562 : i32
    %lt3A_430 = arith.cmpi slt, %add3A_426, %lt3A_429 : i32
    %convert_element_type3A = arith.extui %lt3A_430 : i1 to i32
    %cond3A = arith.constant 0 : i32
    %cond3A_431 = arith.cmpi ne, %convert_element_type3A, %cond3A : i32
    scf.if %cond3A_431 {
      %dma_start3A_992 = arith.constant 0 : i32
      %dma_start3A_993 = tpu.memref_slice %arg4[%mul3A_428, %dma_start3A_992] : memref<200000x128xf32, #tpu.memory_space<hbm>> -> memref<128x128xf32, #tpu.memory_space<hbm>>
      %dma_start3A_994 = arith.constant 0 : i32
      %dma_start3A_995 = tpu.memref_slice %arg4[%mul3A_428, %dma_start3A_994] : memref<200000x128xf32, #tpu.memory_space<hbm>> -> memref<128x128xf32, #tpu.memory_space<hbm>>
      tpu.enqueue_dma source(%arg7 : memref<128x128xf32, #tpu.memory_space<vmem>>) target(%dma_start3A_995 : memref<128x128xf32, #tpu.memory_space<hbm>>) target_semaphore(%arg13 : memref<!tpu.dma_semaphore, #tpu.memory_space<semaphore_mem>>)
    } else {
    }
    %eq3A = arith.constant 1562 : i32
    %eq3A_432 = arith.cmpi eq, %add3A_426, %eq3A : i32
    %convert_element_type3A_433 = arith.extui %eq3A_432 : i1 to i32
    %cond3A_434 = arith.constant 0 : i32
    %cond3A_435 = arith.cmpi ne, %convert_element_type3A_433, %cond3A_434 : i32
    scf.if %cond3A_435 {
      %dma_start3A_992 = arith.constant 0 : i32
      %dma_start3A_993 = arith.constant 0 : i32
      %dma_start3A_994 = tpu.memref_slice %arg7[%dma_start3A_992, %dma_start3A_993] : memref<128x128xf32, #tpu.memory_space<vmem>> -> memref<64x128xf32, #tpu.memory_space<vmem>>
      %dma_start3A_995 = arith.constant 199936 : i32
      %dma_start3A_996 = arith.constant 0 : i32
      %dma_start3A_997 = tpu.memref_slice %arg4[%dma_start3A_995, %dma_start3A_996] : memref<200000x128xf32, #tpu.memory_space<hbm>> -> memref<64x128xf32, #tpu.memory_space<hbm>>
      %dma_start3A_998 = arith.constant 199936 : i32
      %dma_start3A_999 = arith.constant 0 : i32
      %dma_start3A_1000 = tpu.memref_slice %arg4[%dma_start3A_998, %dma_start3A_999] : memref<200000x128xf32, #tpu.memory_space<hbm>> -> memref<64x128xf32, #tpu.memory_space<hbm>>
      %dma_start3A_1001 = arith.constant 0 : i32
      %dma_start3A_1002 = arith.constant 0 : i32
      %dma_start3A_1003 = tpu.memref_slice %arg7[%dma_start3A_1001, %dma_start3A_1002] : memref<128x128xf32, #tpu.memory_space<vmem>> -> memref<64x128xf32, #tpu.memory_space<vmem>>
      tpu.enqueue_dma source(%dma_start3A_1003 : memref<64x128xf32, #tpu.memory_space<vmem>>) target(%dma_start3A_1000 : memref<64x128xf32, #tpu.memory_space<hbm>>) target_semaphore(%arg13 : memref<!tpu.dma_semaphore, #tpu.memory_space<semaphore_mem>>)
    } else {
    }
    %multiple_of3A_436 = arith.constant 128 : i32
    %multiple_of3A_437 = tpu.assume_multiple %multiple_of3A_436, 64 : i32
    %add3A_438 = arith.constant 0 : i32
    %add3A_439 = arith.addi %multiple_of3A_437, %add3A_438 : i32
    %get3A_440 = arith.index_cast %add3A_439 : i32 to index
    %get3A_441 = tpu.vector_load %arg5[%get3A_440] {strides = array<i32>} : memref<3152xi32, #tpu.memory_space<vmem>>, vector<16xi32>,
    %get3A_442 = vector.shape_cast %get3A_441 : vector<16xi32> to vector<16xi32>
    %lt3A_443 = arith.constant 0 : i32
    %lt3A_444 = vector.broadcast %lt3A_443 : i32 to vector<16xi32>
    %lt3A_445 = arith.cmpi slt, %shift_right_arithmetic3A_4, %lt3A_444 : vector<16xi32>
    %add3A_446 = arith.constant 16 : i32
    %add3A_447 = vector.broadcast %add3A_446 : i32 to vector<16xi32>
    %add3A_448 = arith.addi %shift_right_arithmetic3A_4, %add3A_447 : vector<16xi32>
    %select_n3A_449 = arith.select %lt3A_445, %add3A_448, %shift_right_arithmetic3A_4 : vector<16xi1>, vector<16xi32>
    %broadcast_in_dim3A_450 = vector.shape_cast %select_n3A_449 : vector<16xi32> to vector<16x1xi32>
    %gather3A_451 = vector.shape_cast %broadcast_in_dim3A_450 : vector<16x1xi32> to vector<16xi32>
    %gather3A_452 = tpu.dynamic_gather %get3A_442[%gather3A_451] in [0] : vector<16xi32>, vector<16xi32> -> vector<16xi32>
    %mul3A_453 = arith.constant 2 : i32
    %mul3A_454 = vector.broadcast %mul3A_453 : i32 to vector<16xi32>
    %mul3A_455 = arith.muli %gather3A_452, %mul3A_454 : vector<16xi32>
    %add3A_456 = arith.addi %mul3A_455, %and3A_6 : vector<16xi32>
    %swap3A_457 = arith.constant 2 : i32
    %swap3A_458 = arith.index_cast %swap3A_457 : i32 to index
    %swap3A_459 = arith.constant 0 : index
    %swap3A_460 = tpu.vector_load %arg6[%swap3A_458, %swap3A_459] {strides = array<i32>} : memref<3x128xi32, #tpu.memory_space<vmem>>, vector<1x16xi32>,
    %swap3A_461 = vector.shape_cast %swap3A_460 : vector<1x16xi32> to vector<16xi32>
    %swap3A_462 = vector.shape_cast %add3A_456 : vector<16xi32> to vector<1x16xi32>
    tpu.vector_store %arg6[%swap3A_458, %swap3A_459], %swap3A_462 {strides = array<i32>} : memref<3x128xi32, #tpu.memory_space<vmem>>, vector<1x16xi32>,
    %add3A_463 = arith.constant 8 : i32
    %add3A_464 = arith.addi %multiple_of3A_437, %add3A_463 : i32
    %get3A_465 = arith.index_cast %add3A_464 : i32 to index
    %get3A_466 = tpu.vector_load %arg5[%get3A_465] {strides = array<i32>} : memref<3152xi32, #tpu.memory_space<vmem>>, vector<16xi32>,
    %get3A_467 = vector.shape_cast %get3A_466 : vector<16xi32> to vector<16xi32>
    %lt3A_468 = arith.constant 0 : i32
    %lt3A_469 = vector.broadcast %lt3A_468 : i32 to vector<16xi32>
    %lt3A_470 = arith.cmpi slt, %shift_right_arithmetic3A_4, %lt3A_469 : vector<16xi32>
    %add3A_471 = arith.constant 16 : i32
    %add3A_472 = vector.broadcast %add3A_471 : i32 to vector<16xi32>
    %add3A_473 = arith.addi %shift_right_arithmetic3A_4, %add3A_472 : vector<16xi32>
    %select_n3A_474 = arith.select %lt3A_470, %add3A_473, %shift_right_arithmetic3A_4 : vector<16xi1>, vector<16xi32>
    %broadcast_in_dim3A_475 = vector.shape_cast %select_n3A_474 : vector<16xi32> to vector<16x1xi32>
    %gather3A_476 = vector.shape_cast %broadcast_in_dim3A_475 : vector<16x1xi32> to vector<16xi32>
    %gather3A_477 = tpu.dynamic_gather %get3A_467[%gather3A_476] in [0] : vector<16xi32>, vector<16xi32> -> vector<16xi32>
    %mul3A_478 = arith.constant 2 : i32
    %mul3A_479 = vector.broadcast %mul3A_478 : i32 to vector<16xi32>
    %mul3A_480 = arith.muli %gather3A_477, %mul3A_479 : vector<16xi32>
    %add3A_481 = arith.addi %mul3A_480, %and3A_6 : vector<16xi32>
    %swap3A_482 = arith.constant 2 : i32
    %swap3A_483 = arith.index_cast %swap3A_482 : i32 to index
    %swap3A_484 = arith.constant 16 : index
    %swap3A_485 = tpu.vector_load %arg6[%swap3A_483, %swap3A_484] {strides = array<i32>} : memref<3x128xi32, #tpu.memory_space<vmem>>, vector<1x16xi32>,
    %swap3A_486 = vector.shape_cast %swap3A_485 : vector<1x16xi32> to vector<16xi32>
    %swap3A_487 = vector.shape_cast %add3A_481 : vector<16xi32> to vector<1x16xi32>
    tpu.vector_store %arg6[%swap3A_483, %swap3A_484], %swap3A_487 {strides = array<i32>} : memref<3x128xi32, #tpu.memory_space<vmem>>, vector<1x16xi32>,
    %add3A_488 = arith.constant 16 : i32
    %add3A_489 = arith.addi %multiple_of3A_437, %add3A_488 : i32
    %get3A_490 = arith.index_cast %add3A_489 : i32 to index
    %get3A_491 = tpu.vector_load %arg5[%get3A_490] {strides = array<i32>} : memref<3152xi32, #tpu.memory_space<vmem>>, vector<16xi32>,
    %get3A_492 = vector.shape_cast %get3A_491 : vector<16xi32> to vector<16xi32>
    %lt3A_493 = arith.constant 0 : i32
    %lt3A_494 = vector.broadcast %lt3A_493 : i32 to vector<16xi32>
    %lt3A_495 = arith.cmpi slt, %shift_right_arithmetic3A_4, %lt3A_494 : vector<16xi32>
    %add3A_496 = arith.constant 16 : i32
    %add3A_497 = vector.broadcast %add3A_496 : i32 to vector<16xi32>
    %add3A_498 = arith.addi %shift_right_arithmetic3A_4, %add3A_497 : vector<16xi32>
    %select_n3A_499 = arith.select %lt3A_495, %add3A_498, %shift_right_arithmetic3A_4 : vector<16xi1>, vector<16xi32>
    %broadcast_in_dim3A_500 = vector.shape_cast %select_n3A_499 : vector<16xi32> to vector<16x1xi32>
    %gather3A_501 = vector.shape_cast %broadcast_in_dim3A_500 : vector<16x1xi32> to vector<16xi32>
    %gather3A_502 = tpu.dynamic_gather %get3A_492[%gather3A_501] in [0] : vector<16xi32>, vector<16xi32> -> vector<16xi32>
    %mul3A_503 = arith.constant 2 : i32
    %mul3A_504 = vector.broadcast %mul3A_503 : i32 to vector<16xi32>
    %mul3A_505 = arith.muli %gather3A_502, %mul3A_504 : vector<16xi32>
    %add3A_506 = arith.addi %mul3A_505, %and3A_6 : vector<16xi32>
    %swap3A_507 = arith.constant 2 : i32
    %swap3A_508 = arith.index_cast %swap3A_507 : i32 to index
    %swap3A_509 = arith.constant 32 : index
    %swap3A_510 = tpu.vector_load %arg6[%swap3A_508, %swap3A_509] {strides = array<i32>} : memref<3x128xi32, #tpu.memory_space<vmem>>, vector<1x16xi32>,
    %swap3A_511 = vector.shape_cast %swap3A_510 : vector<1x16xi32> to vector<16xi32>
    %swap3A_512 = vector.shape_cast %add3A_506 : vector<16xi32> to vector<1x16xi32>
    tpu.vector_store %arg6[%swap3A_508, %swap3A_509], %swap3A_512 {strides = array<i32>} : memref<3x128xi32, #tpu.memory_space<vmem>>, vector<1x16xi32>,
    %add3A_513 = arith.constant 24 : i32
    %add3A_514 = arith.addi %multiple_of3A_437, %add3A_513 : i32
    %get3A_515 = arith.index_cast %add3A_514 : i32 to index
    %get3A_516 = tpu.vector_load %arg5[%get3A_515] {strides = array<i32>} : memref<3152xi32, #tpu.memory_space<vmem>>, vector<16xi32>,
    %get3A_517 = vector.shape_cast %get3A_516 : vector<16xi32> to vector<16xi32>
    %lt3A_518 = arith.constant 0 : i32
    %lt3A_519 = vector.broadcast %lt3A_518 : i32 to vector<16xi32>
    %lt3A_520 = arith.cmpi slt, %shift_right_arithmetic3A_4, %lt3A_519 : vector<16xi32>
    %add3A_521 = arith.constant 16 : i32
    %add3A_522 = vector.broadcast %add3A_521 : i32 to vector<16xi32>
    %add3A_523 = arith.addi %shift_right_arithmetic3A_4, %add3A_522 : vector<16xi32>
    %select_n3A_524 = arith.select %lt3A_520, %add3A_523, %shift_right_arithmetic3A_4 : vector<16xi1>, vector<16xi32>
    %broadcast_in_dim3A_525 = vector.shape_cast %select_n3A_524 : vector<16xi32> to vector<16x1xi32>
    %gather3A_526 = vector.shape_cast %broadcast_in_dim3A_525 : vector<16x1xi32> to vector<16xi32>
    %gather3A_527 = tpu.dynamic_gather %get3A_517[%gather3A_526] in [0] : vector<16xi32>, vector<16xi32> -> vector<16xi32>
    %mul3A_528 = arith.constant 2 : i32
    %mul3A_529 = vector.broadcast %mul3A_528 : i32 to vector<16xi32>
    %mul3A_530 = arith.muli %gather3A_527, %mul3A_529 : vector<16xi32>
    %add3A_531 = arith.addi %mul3A_530, %and3A_6 : vector<16xi32>
    %swap3A_532 = arith.constant 2 : i32
    %swap3A_533 = arith.index_cast %swap3A_532 : i32 to index
    %swap3A_534 = arith.constant 48 : index
    %swap3A_535 = tpu.vector_load %arg6[%swap3A_533, %swap3A_534] {strides = array<i32>} : memref<3x128xi32, #tpu.memory_space<vmem>>, vector<1x16xi32>,
    %swap3A_536 = vector.shape_cast %swap3A_535 : vector<1x16xi32> to vector<16xi32>
    %swap3A_537 = vector.shape_cast %add3A_531 : vector<16xi32> to vector<1x16xi32>
    tpu.vector_store %arg6[%swap3A_533, %swap3A_534], %swap3A_537 {strides = array<i32>} : memref<3x128xi32, #tpu.memory_space<vmem>>, vector<1x16xi32>,
    %add3A_538 = arith.constant 32 : i32
    %add3A_539 = arith.addi %multiple_of3A_437, %add3A_538 : i32
    %get3A_540 = arith.index_cast %add3A_539 : i32 to index
    %get3A_541 = tpu.vector_load %arg5[%get3A_540] {strides = array<i32>} : memref<3152xi32, #tpu.memory_space<vmem>>, vector<16xi32>,
    %get3A_542 = vector.shape_cast %get3A_541 : vector<16xi32> to vector<16xi32>
    %lt3A_543 = arith.constant 0 : i32
    %lt3A_544 = vector.broadcast %lt3A_543 : i32 to vector<16xi32>
    %lt3A_545 = arith.cmpi slt, %shift_right_arithmetic3A_4, %lt3A_544 : vector<16xi32>
    %add3A_546 = arith.constant 16 : i32
    %add3A_547 = vector.broadcast %add3A_546 : i32 to vector<16xi32>
    %add3A_548 = arith.addi %shift_right_arithmetic3A_4, %add3A_547 : vector<16xi32>
    %select_n3A_549 = arith.select %lt3A_545, %add3A_548, %shift_right_arithmetic3A_4 : vector<16xi1>, vector<16xi32>
    %broadcast_in_dim3A_550 = vector.shape_cast %select_n3A_549 : vector<16xi32> to vector<16x1xi32>
    %gather3A_551 = vector.shape_cast %broadcast_in_dim3A_550 : vector<16x1xi32> to vector<16xi32>
    %gather3A_552 = tpu.dynamic_gather %get3A_542[%gather3A_551] in [0] : vector<16xi32>, vector<16xi32> -> vector<16xi32>
    %mul3A_553 = arith.constant 2 : i32
    %mul3A_554 = vector.broadcast %mul3A_553 : i32 to vector<16xi32>
    %mul3A_555 = arith.muli %gather3A_552, %mul3A_554 : vector<16xi32>
    %add3A_556 = arith.addi %mul3A_555, %and3A_6 : vector<16xi32>
    %swap3A_557 = arith.constant 2 : i32
    %swap3A_558 = arith.index_cast %swap3A_557 : i32 to index
    %swap3A_559 = arith.constant 64 : index
    %swap3A_560 = tpu.vector_load %arg6[%swap3A_558, %swap3A_559] {strides = array<i32>} : memref<3x128xi32, #tpu.memory_space<vmem>>, vector<1x16xi32>,
    %swap3A_561 = vector.shape_cast %swap3A_560 : vector<1x16xi32> to vector<16xi32>
    %swap3A_562 = vector.shape_cast %add3A_556 : vector<16xi32> to vector<1x16xi32>
    tpu.vector_store %arg6[%swap3A_558, %swap3A_559], %swap3A_562 {strides = array<i32>} : memref<3x128xi32, #tpu.memory_space<vmem>>, vector<1x16xi32>,
    %add3A_563 = arith.constant 40 : i32
    %add3A_564 = arith.addi %multiple_of3A_437, %add3A_563 : i32
    %get3A_565 = arith.index_cast %add3A_564 : i32 to index
    %get3A_566 = tpu.vector_load %arg5[%get3A_565] {strides = array<i32>} : memref<3152xi32, #tpu.memory_space<vmem>>, vector<16xi32>,
    %get3A_567 = vector.shape_cast %get3A_566 : vector<16xi32> to vector<16xi32>
    %lt3A_568 = arith.constant 0 : i32
    %lt3A_569 = vector.broadcast %lt3A_568 : i32 to vector<16xi32>
    %lt3A_570 = arith.cmpi slt, %shift_right_arithmetic3A_4, %lt3A_569 : vector<16xi32>
    %add3A_571 = arith.constant 16 : i32
    %add3A_572 = vector.broadcast %add3A_571 : i32 to vector<16xi32>
    %add3A_573 = arith.addi %shift_right_arithmetic3A_4, %add3A_572 : vector<16xi32>
    %select_n3A_574 = arith.select %lt3A_570, %add3A_573, %shift_right_arithmetic3A_4 : vector<16xi1>, vector<16xi32>
    %broadcast_in_dim3A_575 = vector.shape_cast %select_n3A_574 : vector<16xi32> to vector<16x1xi32>
    %gather3A_576 = vector.shape_cast %broadcast_in_dim3A_575 : vector<16x1xi32> to vector<16xi32>
    %gather3A_577 = tpu.dynamic_gather %get3A_567[%gather3A_576] in [0] : vector<16xi32>, vector<16xi32> -> vector<16xi32>
    %mul3A_578 = arith.constant 2 : i32
    %mul3A_579 = vector.broadcast %mul3A_578 : i32 to vector<16xi32>
    %mul3A_580 = arith.muli %gather3A_577, %mul3A_579 : vector<16xi32>
    %add3A_581 = arith.addi %mul3A_580, %and3A_6 : vector<16xi32>
    %swap3A_582 = arith.constant 2 : i32
    %swap3A_583 = arith.index_cast %swap3A_582 : i32 to index
    %swap3A_584 = arith.constant 80 : index
    %swap3A_585 = tpu.vector_load %arg6[%swap3A_583, %swap3A_584] {strides = array<i32>} : memref<3x128xi32, #tpu.memory_space<vmem>>, vector<1x16xi32>,
    %swap3A_586 = vector.shape_cast %swap3A_585 : vector<1x16xi32> to vector<16xi32>
    %swap3A_587 = vector.shape_cast %add3A_581 : vector<16xi32> to vector<1x16xi32>
    tpu.vector_store %arg6[%swap3A_583, %swap3A_584], %swap3A_587 {strides = array<i32>} : memref<3x128xi32, #tpu.memory_space<vmem>>, vector<1x16xi32>,
    %add3A_588 = arith.constant 48 : i32
    %add3A_589 = arith.addi %multiple_of3A_437, %add3A_588 : i32
    %get3A_590 = arith.index_cast %add3A_589 : i32 to index
    %get3A_591 = tpu.vector_load %arg5[%get3A_590] {strides = array<i32>} : memref<3152xi32, #tpu.memory_space<vmem>>, vector<16xi32>,
    %get3A_592 = vector.shape_cast %get3A_591 : vector<16xi32> to vector<16xi32>
    %lt3A_593 = arith.constant 0 : i32
    %lt3A_594 = vector.broadcast %lt3A_593 : i32 to vector<16xi32>
    %lt3A_595 = arith.cmpi slt, %shift_right_arithmetic3A_4, %lt3A_594 : vector<16xi32>
    %add3A_596 = arith.constant 16 : i32
    %add3A_597 = vector.broadcast %add3A_596 : i32 to vector<16xi32>
    %add3A_598 = arith.addi %shift_right_arithmetic3A_4, %add3A_597 : vector<16xi32>
    %select_n3A_599 = arith.select %lt3A_595, %add3A_598, %shift_right_arithmetic3A_4 : vector<16xi1>, vector<16xi32>
    %broadcast_in_dim3A_600 = vector.shape_cast %select_n3A_599 : vector<16xi32> to vector<16x1xi32>
    %gather3A_601 = vector.shape_cast %broadcast_in_dim3A_600 : vector<16x1xi32> to vector<16xi32>
    %gather3A_602 = tpu.dynamic_gather %get3A_592[%gather3A_601] in [0] : vector<16xi32>, vector<16xi32> -> vector<16xi32>
    %mul3A_603 = arith.constant 2 : i32
    %mul3A_604 = vector.broadcast %mul3A_603 : i32 to vector<16xi32>
    %mul3A_605 = arith.muli %gather3A_602, %mul3A_604 : vector<16xi32>
    %add3A_606 = arith.addi %mul3A_605, %and3A_6 : vector<16xi32>
    %swap3A_607 = arith.constant 2 : i32
    %swap3A_608 = arith.index_cast %swap3A_607 : i32 to index
    %swap3A_609 = arith.constant 96 : index
    %swap3A_610 = tpu.vector_load %arg6[%swap3A_608, %swap3A_609] {strides = array<i32>} : memref<3x128xi32, #tpu.memory_space<vmem>>, vector<1x16xi32>,
    %swap3A_611 = vector.shape_cast %swap3A_610 : vector<1x16xi32> to vector<16xi32>
    %swap3A_612 = vector.shape_cast %add3A_606 : vector<16xi32> to vector<1x16xi32>
    tpu.vector_store %arg6[%swap3A_608, %swap3A_609], %swap3A_612 {strides = array<i32>} : memref<3x128xi32, #tpu.memory_space<vmem>>, vector<1x16xi32>,
    %add3A_613 = arith.constant 56 : i32
    %add3A_614 = arith.addi %multiple_of3A_437, %add3A_613 : i32
    %get3A_615 = arith.index_cast %add3A_614 : i32 to index
    %get3A_616 = tpu.vector_load %arg5[%get3A_615] {strides = array<i32>} : memref<3152xi32, #tpu.memory_space<vmem>>, vector<16xi32>,
    %get3A_617 = vector.shape_cast %get3A_616 : vector<16xi32> to vector<16xi32>
    %lt3A_618 = arith.constant 0 : i32
    %lt3A_619 = vector.broadcast %lt3A_618 : i32 to vector<16xi32>
    %lt3A_620 = arith.cmpi slt, %shift_right_arithmetic3A_4, %lt3A_619 : vector<16xi32>
    %add3A_621 = arith.constant 16 : i32
    %add3A_622 = vector.broadcast %add3A_621 : i32 to vector<16xi32>
    %add3A_623 = arith.addi %shift_right_arithmetic3A_4, %add3A_622 : vector<16xi32>
    %select_n3A_624 = arith.select %lt3A_620, %add3A_623, %shift_right_arithmetic3A_4 : vector<16xi1>, vector<16xi32>
    %broadcast_in_dim3A_625 = vector.shape_cast %select_n3A_624 : vector<16xi32> to vector<16x1xi32>
    %gather3A_626 = vector.shape_cast %broadcast_in_dim3A_625 : vector<16x1xi32> to vector<16xi32>
    %gather3A_627 = tpu.dynamic_gather %get3A_617[%gather3A_626] in [0] : vector<16xi32>, vector<16xi32> -> vector<16xi32>
    %mul3A_628 = arith.constant 2 : i32
    %mul3A_629 = vector.broadcast %mul3A_628 : i32 to vector<16xi32>
    %mul3A_630 = arith.muli %gather3A_627, %mul3A_629 : vector<16xi32>
    %add3A_631 = arith.addi %mul3A_630, %and3A_6 : vector<16xi32>
    %swap3A_632 = arith.constant 2 : i32
    %swap3A_633 = arith.index_cast %swap3A_632 : i32 to index
    %swap3A_634 = arith.constant 112 : index
    %swap3A_635 = tpu.vector_load %arg6[%swap3A_633, %swap3A_634] {strides = array<i32>} : memref<3x128xi32, #tpu.memory_space<vmem>>, vector<1x16xi32>,
    %swap3A_636 = vector.shape_cast %swap3A_635 : vector<1x16xi32> to vector<16xi32>
    %swap3A_637 = vector.shape_cast %add3A_631 : vector<16xi32> to vector<1x16xi32>
    tpu.vector_store %arg6[%swap3A_633, %swap3A_634], %swap3A_637 {strides = array<i32>} : memref<3x128xi32, #tpu.memory_space<vmem>>, vector<1x16xi32>,
    %dma_start3A_638 = arith.constant 2 : i32
    %dma_start3A_639 = arith.constant 0 : i32
    %dma_start3A_640 = tpu.memref_slice %arg6[%dma_start3A_638, %dma_start3A_639] : memref<3x128xi32, #tpu.memory_space<vmem>> -> memref<1x128xi32, #tpu.memory_space<vmem>>
    %dma_start3A_641 = tpu.memref_squeeze %dma_start3A_640 : memref<1x128xi32, #tpu.memory_space<vmem>> -> memref<128xi32, #tpu.memory_space<vmem>>
    %dma_start3A_642 = arith.constant 0 : i32
    %dma_start3A_643 = arith.constant 0 : i32
    %dma_start3A_644 = tpu.memref_slice %arg2[%dma_start3A_642, %dma_start3A_643] : memref<50000x128xf32, #tpu.memory_space<hbm>> -> memref<50000x128xf32, #tpu.memory_space<hbm>>
    tpu.enqueue_indirect_dma source(%dma_start3A_644 : memref<50000x128xf32, #tpu.memory_space<hbm>>) target(%arg9 : memref<128x128xf32, #tpu.memory_space<vmem>>) offsets(%dma_start3A_641 : memref<128xi32, #tpu.memory_space<vmem>>) semaphore(%arg12 : memref<!tpu.dma_semaphore, #tpu.memory_space<semaphore_mem>>)
    %scan3A = arith.constant 0 : i32
    %scan3A_645 = arith.constant 0 : i32
    %scan3A_646 = arith.constant 15 : i32
    %scan3A_647 = arith.addi %scan3A_645, %scan3A_646 : i32
    %scan3A_648 = arith.constant 1 : i32
    scf.for %scan3A_992 = %scan3A_645 to %scan3A_647 step %scan3A_648  : i32 {
      %mul3A_993 = arith.constant 3 : i32
      %mul3A_994 = arith.muli %mul3A_993, %scan3A_992 : i32
      %add3A_995 = arith.constant 1 : i32
      %add3A_996 = arith.addi %mul3A_994, %add3A_995 : i32
      %add3A_997 = arith.constant 0 : i32
      %add3A_998 = arith.addi %add3A_996, %add3A_997 : i32
      %dma_wait3A_999 = arith.constant 1 : i32
      %dma_wait3A_1000 = arith.constant 0 : i32
      %dma_wait3A_1001 = tpu.memref_slice %arg6[%dma_wait3A_999, %dma_wait3A_1000] : memref<3x128xi32, #tpu.memory_space<vmem>> -> memref<1x128xi32, #tpu.memory_space<vmem>>
      %dma_wait3A_1002 = tpu.memref_squeeze %dma_wait3A_1001 : memref<1x128xi32, #tpu.memory_space<vmem>> -> memref<128xi32, #tpu.memory_space<vmem>>
      %dma_wait3A_1003 = arith.constant 0 : i32
      %dma_wait3A_1004 = arith.constant 0 : i32
      %dma_wait3A_1005 = tpu.memref_slice %arg2[%dma_wait3A_1003, %dma_wait3A_1004] : memref<50000x128xf32, #tpu.memory_space<hbm>> -> memref<50000x128xf32, #tpu.memory_space<hbm>>
      tpu.wait_indirect_dma semaphore(%arg11 : memref<!tpu.dma_semaphore, #tpu.memory_space<semaphore_mem>>) src(%dma_wait3A_1005 : memref<50000x128xf32, #tpu.memory_space<hbm>>) dst(%arg8 : memref<128x128xf32, #tpu.memory_space<vmem>>)
      %mul3A_1006 = arith.constant 49 : i32
      %mul3A_1007 = arith.muli %add3A, %mul3A_1006 : i32
      %add3A_1008 = arith.addi %mul3A_1007, %add3A_998 : i32
      %mul3A_1009 = arith.constant 128 : i32
      %mul3A_1010 = arith.muli %add3A_1008, %mul3A_1009 : i32
      %lt3A_1011 = arith.constant 1562 : i32
      %lt3A_1012 = arith.cmpi slt, %add3A_1008, %lt3A_1011 : i32
      %convert_element_type3A_1013 = arith.extui %lt3A_1012 : i1 to i32
      %cond3A_1014 = arith.constant 0 : i32
      %cond3A_1015 = arith.cmpi ne, %convert_element_type3A_1013, %cond3A_1014 : i32
      scf.if %cond3A_1015 {
        %dma_start3A_1763 = arith.constant 0 : i32
        %dma_start3A_1764 = tpu.memref_slice %arg4[%mul3A_1010, %dma_start3A_1763] : memref<200000x128xf32, #tpu.memory_space<hbm>> -> memref<128x128xf32, #tpu.memory_space<hbm>>
        %dma_start3A_1765 = arith.constant 0 : i32
        %dma_start3A_1766 = tpu.memref_slice %arg4[%mul3A_1010, %dma_start3A_1765] : memref<200000x128xf32, #tpu.memory_space<hbm>> -> memref<128x128xf32, #tpu.memory_space<hbm>>
        tpu.enqueue_dma source(%arg8 : memref<128x128xf32, #tpu.memory_space<vmem>>) target(%dma_start3A_1766 : memref<128x128xf32, #tpu.memory_space<hbm>>) target_semaphore(%arg14 : memref<!tpu.dma_semaphore, #tpu.memory_space<semaphore_mem>>)
      } else {
      }
      %eq3A_1016 = arith.constant 1562 : i32
      %eq3A_1017 = arith.cmpi eq, %add3A_1008, %eq3A_1016 : i32
      %convert_element_type3A_1018 = arith.extui %eq3A_1017 : i1 to i32
      %cond3A_1019 = arith.constant 0 : i32
      %cond3A_1020 = arith.cmpi ne, %convert_element_type3A_1018, %cond3A_1019 : i32
      scf.if %cond3A_1020 {
        %dma_start3A_1763 = arith.constant 0 : i32
        %dma_start3A_1764 = arith.constant 0 : i32
        %dma_start3A_1765 = tpu.memref_slice %arg8[%dma_start3A_1763, %dma_start3A_1764] : memref<128x128xf32, #tpu.memory_space<vmem>> -> memref<64x128xf32, #tpu.memory_space<vmem>>
        %dma_start3A_1766 = arith.constant 199936 : i32
        %dma_start3A_1767 = arith.constant 0 : i32
        %dma_start3A_1768 = tpu.memref_slice %arg4[%dma_start3A_1766, %dma_start3A_1767] : memref<200000x128xf32, #tpu.memory_space<hbm>> -> memref<64x128xf32, #tpu.memory_space<hbm>>
        %dma_start3A_1769 = arith.constant 199936 : i32
        %dma_start3A_1770 = arith.constant 0 : i32
        %dma_start3A_1771 = tpu.memref_slice %arg4[%dma_start3A_1769, %dma_start3A_1770] : memref<200000x128xf32, #tpu.memory_space<hbm>> -> memref<64x128xf32, #tpu.memory_space<hbm>>
        %dma_start3A_1772 = arith.constant 0 : i32
        %dma_start3A_1773 = arith.constant 0 : i32
        %dma_start3A_1774 = tpu.memref_slice %arg8[%dma_start3A_1772, %dma_start3A_1773] : memref<128x128xf32, #tpu.memory_space<vmem>> -> memref<64x128xf32, #tpu.memory_space<vmem>>
        tpu.enqueue_dma source(%dma_start3A_1774 : memref<64x128xf32, #tpu.memory_space<vmem>>) target(%dma_start3A_1771 : memref<64x128xf32, #tpu.memory_space<hbm>>) target_semaphore(%arg14 : memref<!tpu.dma_semaphore, #tpu.memory_space<semaphore_mem>>)
      } else {
      }
      %sub3A = arith.constant 1 : i32
      %sub3A_1021 = arith.subi %add3A_998, %sub3A : i32
      %mul3A_1022 = arith.constant 49 : i32
      %mul3A_1023 = arith.muli %add3A, %mul3A_1022 : i32
      %add3A_1024 = arith.addi %mul3A_1023, %sub3A_1021 : i32
      %mul3A_1025 = arith.constant 128 : i32
      %mul3A_1026 = arith.muli %add3A_1024, %mul3A_1025 : i32
      %lt3A_1027 = arith.constant 1562 : i32
      %lt3A_1028 = arith.cmpi slt, %add3A_1024, %lt3A_1027 : i32
      %convert_element_type3A_1029 = arith.extui %lt3A_1028 : i1 to i32
      %cond3A_1030 = arith.constant 0 : i32
      %cond3A_1031 = arith.cmpi ne, %convert_element_type3A_1029, %cond3A_1030 : i32
      scf.if %cond3A_1031 {
        %dma_wait3A_1763 = arith.constant 0 : i32
        %dma_wait3A_1764 = tpu.memref_slice %arg4[%mul3A_1026, %dma_wait3A_1763] : memref<200000x128xf32, #tpu.memory_space<hbm>> -> memref<128x128xf32, #tpu.memory_space<hbm>>
        %dma_wait3A_1765 = arith.constant 0 : i32
        %dma_wait3A_1766 = tpu.memref_slice %arg4[%mul3A_1026, %dma_wait3A_1765] : memref<200000x128xf32, #tpu.memory_space<hbm>> -> memref<128x128xf32, #tpu.memory_space<hbm>>
        tpu.wait_dma2 semaphore(%arg13 : memref<!tpu.dma_semaphore, #tpu.memory_space<semaphore_mem>>) src(%arg7 : memref<128x128xf32, #tpu.memory_space<vmem>>) dst(%dma_wait3A_1766 : memref<128x128xf32, #tpu.memory_space<hbm>>)
      } else {
      }
      %eq3A_1032 = arith.constant 1562 : i32
      %eq3A_1033 = arith.cmpi eq, %add3A_1024, %eq3A_1032 : i32
      %convert_element_type3A_1034 = arith.extui %eq3A_1033 : i1 to i32
      %cond3A_1035 = arith.constant 0 : i32
      %cond3A_1036 = arith.cmpi ne, %convert_element_type3A_1034, %cond3A_1035 : i32
      scf.if %cond3A_1036 {
        %dma_wait3A_1763 = arith.constant 0 : i32
        %dma_wait3A_1764 = arith.constant 0 : i32
        %dma_wait3A_1765 = tpu.memref_slice %arg7[%dma_wait3A_1763, %dma_wait3A_1764] : memref<128x128xf32, #tpu.memory_space<vmem>> -> memref<64x128xf32, #tpu.memory_space<vmem>>
        %dma_wait3A_1766 = arith.constant 199936 : i32
        %dma_wait3A_1767 = arith.constant 0 : i32
        %dma_wait3A_1768 = tpu.memref_slice %arg4[%dma_wait3A_1766, %dma_wait3A_1767] : memref<200000x128xf32, #tpu.memory_space<hbm>> -> memref<64x128xf32, #tpu.memory_space<hbm>>
        %dma_wait3A_1769 = arith.constant 199936 : i32
        %dma_wait3A_1770 = arith.constant 0 : i32
        %dma_wait3A_1771 = tpu.memref_slice %arg4[%dma_wait3A_1769, %dma_wait3A_1770] : memref<200000x128xf32, #tpu.memory_space<hbm>> -> memref<64x128xf32, #tpu.memory_space<hbm>>
        %dma_wait3A_1772 = arith.constant 0 : i32
        %dma_wait3A_1773 = arith.constant 0 : i32
        %dma_wait3A_1774 = tpu.memref_slice %arg7[%dma_wait3A_1772, %dma_wait3A_1773] : memref<128x128xf32, #tpu.memory_space<vmem>> -> memref<64x128xf32, #tpu.memory_space<vmem>>
        tpu.wait_dma2 semaphore(%arg13 : memref<!tpu.dma_semaphore, #tpu.memory_space<semaphore_mem>>) src(%dma_wait3A_1774 : memref<64x128xf32, #tpu.memory_space<vmem>>) dst(%dma_wait3A_1771 : memref<64x128xf32, #tpu.memory_space<hbm>>)
      } else {
      }
      %add3A_1037 = arith.constant 2 : i32
      %add3A_1038 = arith.addi %add3A_998, %add3A_1037 : i32
      %mul3A_1039 = arith.constant 64 : i32
      %mul3A_1040 = arith.muli %add3A_1038, %mul3A_1039 : i32
      %multiple_of3A_1041 = tpu.assume_multiple %mul3A_1040, 64 : i32
      %add3A_1042 = arith.constant 0 : i32
      %add3A_1043 = arith.addi %multiple_of3A_1041, %add3A_1042 : i32
      %get3A_1044 = arith.index_cast %add3A_1043 : i32 to index
      %get3A_1045 = tpu.vector_load %arg5[%get3A_1044] {strides = array<i32>} : memref<3152xi32, #tpu.memory_space<vmem>>, vector<16xi32>,
      %get3A_1046 = vector.shape_cast %get3A_1045 : vector<16xi32> to vector<16xi32>
      %lt3A_1047 = arith.constant 0 : i32
      %lt3A_1048 = vector.broadcast %lt3A_1047 : i32 to vector<16xi32>
      %lt3A_1049 = arith.cmpi slt, %shift_right_arithmetic3A_4, %lt3A_1048 : vector<16xi32>
      %add3A_1050 = arith.constant 16 : i32
      %add3A_1051 = vector.broadcast %add3A_1050 : i32 to vector<16xi32>
      %add3A_1052 = arith.addi %shift_right_arithmetic3A_4, %add3A_1051 : vector<16xi32>
      %select_n3A_1053 = arith.select %lt3A_1049, %add3A_1052, %shift_right_arithmetic3A_4 : vector<16xi1>, vector<16xi32>
      %broadcast_in_dim3A_1054 = vector.shape_cast %select_n3A_1053 : vector<16xi32> to vector<16x1xi32>
      %gather3A_1055 = vector.shape_cast %broadcast_in_dim3A_1054 : vector<16x1xi32> to vector<16xi32>
      %gather3A_1056 = tpu.dynamic_gather %get3A_1046[%gather3A_1055] in [0] : vector<16xi32>, vector<16xi32> -> vector<16xi32>
      %mul3A_1057 = arith.constant 2 : i32
      %mul3A_1058 = vector.broadcast %mul3A_1057 : i32 to vector<16xi32>
      %mul3A_1059 = arith.muli %gather3A_1056, %mul3A_1058 : vector<16xi32>
      %add3A_1060 = arith.addi %mul3A_1059, %and3A_6 : vector<16xi32>
      %swap3A_1061 = arith.constant 0 : i32
      %swap3A_1062 = arith.index_cast %swap3A_1061 : i32 to index
      %swap3A_1063 = arith.constant 0 : index
      %swap3A_1064 = tpu.vector_load %arg6[%swap3A_1062, %swap3A_1063] {strides = array<i32>} : memref<3x128xi32, #tpu.memory_space<vmem>>, vector<1x16xi32>,
      %swap3A_1065 = vector.shape_cast %swap3A_1064 : vector<1x16xi32> to vector<16xi32>
      %swap3A_1066 = vector.shape_cast %add3A_1060 : vector<16xi32> to vector<1x16xi32>
      tpu.vector_store %arg6[%swap3A_1062, %swap3A_1063], %swap3A_1066 {strides = array<i32>} : memref<3x128xi32, #tpu.memory_space<vmem>>, vector<1x16xi32>,
      %add3A_1067 = arith.constant 8 : i32
      %add3A_1068 = arith.addi %multiple_of3A_1041, %add3A_1067 : i32
      %get3A_1069 = arith.index_cast %add3A_1068 : i32 to index
      %get3A_1070 = tpu.vector_load %arg5[%get3A_1069] {strides = array<i32>} : memref<3152xi32, #tpu.memory_space<vmem>>, vector<16xi32>,
      %get3A_1071 = vector.shape_cast %get3A_1070 : vector<16xi32> to vector<16xi32>
      %lt3A_1072 = arith.constant 0 : i32
      %lt3A_1073 = vector.broadcast %lt3A_1072 : i32 to vector<16xi32>
      %lt3A_1074 = arith.cmpi slt, %shift_right_arithmetic3A_4, %lt3A_1073 : vector<16xi32>
      %add3A_1075 = arith.constant 16 : i32
      %add3A_1076 = vector.broadcast %add3A_1075 : i32 to vector<16xi32>
      %add3A_1077 = arith.addi %shift_right_arithmetic3A_4, %add3A_1076 : vector<16xi32>
      %select_n3A_1078 = arith.select %lt3A_1074, %add3A_1077, %shift_right_arithmetic3A_4 : vector<16xi1>, vector<16xi32>
      %broadcast_in_dim3A_1079 = vector.shape_cast %select_n3A_1078 : vector<16xi32> to vector<16x1xi32>
      %gather3A_1080 = vector.shape_cast %broadcast_in_dim3A_1079 : vector<16x1xi32> to vector<16xi32>
      %gather3A_1081 = tpu.dynamic_gather %get3A_1071[%gather3A_1080] in [0] : vector<16xi32>, vector<16xi32> -> vector<16xi32>
      %mul3A_1082 = arith.constant 2 : i32
      %mul3A_1083 = vector.broadcast %mul3A_1082 : i32 to vector<16xi32>
      %mul3A_1084 = arith.muli %gather3A_1081, %mul3A_1083 : vector<16xi32>
      %add3A_1085 = arith.addi %mul3A_1084, %and3A_6 : vector<16xi32>
      %swap3A_1086 = arith.constant 0 : i32
      %swap3A_1087 = arith.index_cast %swap3A_1086 : i32 to index
      %swap3A_1088 = arith.constant 16 : index
      %swap3A_1089 = tpu.vector_load %arg6[%swap3A_1087, %swap3A_1088] {strides = array<i32>} : memref<3x128xi32, #tpu.memory_space<vmem>>, vector<1x16xi32>,
      %swap3A_1090 = vector.shape_cast %swap3A_1089 : vector<1x16xi32> to vector<16xi32>
      %swap3A_1091 = vector.shape_cast %add3A_1085 : vector<16xi32> to vector<1x16xi32>
      tpu.vector_store %arg6[%swap3A_1087, %swap3A_1088], %swap3A_1091 {strides = array<i32>} : memref<3x128xi32, #tpu.memory_space<vmem>>, vector<1x16xi32>,
      %add3A_1092 = arith.constant 16 : i32
      %add3A_1093 = arith.addi %multiple_of3A_1041, %add3A_1092 : i32
      %get3A_1094 = arith.index_cast %add3A_1093 : i32 to index
      %get3A_1095 = tpu.vector_load %arg5[%get3A_1094] {strides = array<i32>} : memref<3152xi32, #tpu.memory_space<vmem>>, vector<16xi32>,
      %get3A_1096 = vector.shape_cast %get3A_1095 : vector<16xi32> to vector<16xi32>
      %lt3A_1097 = arith.constant 0 : i32
      %lt3A_1098 = vector.broadcast %lt3A_1097 : i32 to vector<16xi32>
      %lt3A_1099 = arith.cmpi slt, %shift_right_arithmetic3A_4, %lt3A_1098 : vector<16xi32>
      %add3A_1100 = arith.constant 16 : i32
      %add3A_1101 = vector.broadcast %add3A_1100 : i32 to vector<16xi32>
      %add3A_1102 = arith.addi %shift_right_arithmetic3A_4, %add3A_1101 : vector<16xi32>
      %select_n3A_1103 = arith.select %lt3A_1099, %add3A_1102, %shift_right_arithmetic3A_4 : vector<16xi1>, vector<16xi32>
      %broadcast_in_dim3A_1104 = vector.shape_cast %select_n3A_1103 : vector<16xi32> to vector<16x1xi32>
      %gather3A_1105 = vector.shape_cast %broadcast_in_dim3A_1104 : vector<16x1xi32> to vector<16xi32>
      %gather3A_1106 = tpu.dynamic_gather %get3A_1096[%gather3A_1105] in [0] : vector<16xi32>, vector<16xi32> -> vector<16xi32>
      %mul3A_1107 = arith.constant 2 : i32
      %mul3A_1108 = vector.broadcast %mul3A_1107 : i32 to vector<16xi32>
      %mul3A_1109 = arith.muli %gather3A_1106, %mul3A_1108 : vector<16xi32>
      %add3A_1110 = arith.addi %mul3A_1109, %and3A_6 : vector<16xi32>
      %swap3A_1111 = arith.constant 0 : i32
      %swap3A_1112 = arith.index_cast %swap3A_1111 : i32 to index
      %swap3A_1113 = arith.constant 32 : index
      %swap3A_1114 = tpu.vector_load %arg6[%swap3A_1112, %swap3A_1113] {strides = array<i32>} : memref<3x128xi32, #tpu.memory_space<vmem>>, vector<1x16xi32>,
      %swap3A_1115 = vector.shape_cast %swap3A_1114 : vector<1x16xi32> to vector<16xi32>
      %swap3A_1116 = vector.shape_cast %add3A_1110 : vector<16xi32> to vector<1x16xi32>
      tpu.vector_store %arg6[%swap3A_1112, %swap3A_1113], %swap3A_1116 {strides = array<i32>} : memref<3x128xi32, #tpu.memory_space<vmem>>, vector<1x16xi32>,
      %add3A_1117 = arith.constant 24 : i32
      %add3A_1118 = arith.addi %multiple_of3A_1041, %add3A_1117 : i32
      %get3A_1119 = arith.index_cast %add3A_1118 : i32 to index
      %get3A_1120 = tpu.vector_load %arg5[%get3A_1119] {strides = array<i32>} : memref<3152xi32, #tpu.memory_space<vmem>>, vector<16xi32>,
      %get3A_1121 = vector.shape_cast %get3A_1120 : vector<16xi32> to vector<16xi32>
      %lt3A_1122 = arith.constant 0 : i32
      %lt3A_1123 = vector.broadcast %lt3A_1122 : i32 to vector<16xi32>
      %lt3A_1124 = arith.cmpi slt, %shift_right_arithmetic3A_4, %lt3A_1123 : vector<16xi32>
      %add3A_1125 = arith.constant 16 : i32
      %add3A_1126 = vector.broadcast %add3A_1125 : i32 to vector<16xi32>
      %add3A_1127 = arith.addi %shift_right_arithmetic3A_4, %add3A_1126 : vector<16xi32>
      %select_n3A_1128 = arith.select %lt3A_1124, %add3A_1127, %shift_right_arithmetic3A_4 : vector<16xi1>, vector<16xi32>
      %broadcast_in_dim3A_1129 = vector.shape_cast %select_n3A_1128 : vector<16xi32> to vector<16x1xi32>
      %gather3A_1130 = vector.shape_cast %broadcast_in_dim3A_1129 : vector<16x1xi32> to vector<16xi32>
      %gather3A_1131 = tpu.dynamic_gather %get3A_1121[%gather3A_1130] in [0] : vector<16xi32>, vector<16xi32> -> vector<16xi32>
      %mul3A_1132 = arith.constant 2 : i32
      %mul3A_1133 = vector.broadcast %mul3A_1132 : i32 to vector<16xi32>
      %mul3A_1134 = arith.muli %gather3A_1131, %mul3A_1133 : vector<16xi32>
      %add3A_1135 = arith.addi %mul3A_1134, %and3A_6 : vector<16xi32>
      %swap3A_1136 = arith.constant 0 : i32
      %swap3A_1137 = arith.index_cast %swap3A_1136 : i32 to index
      %swap3A_1138 = arith.constant 48 : index
      %swap3A_1139 = tpu.vector_load %arg6[%swap3A_1137, %swap3A_1138] {strides = array<i32>} : memref<3x128xi32, #tpu.memory_space<vmem>>, vector<1x16xi32>,
      %swap3A_1140 = vector.shape_cast %swap3A_1139 : vector<1x16xi32> to vector<16xi32>
      %swap3A_1141 = vector.shape_cast %add3A_1135 : vector<16xi32> to vector<1x16xi32>
      tpu.vector_store %arg6[%swap3A_1137, %swap3A_1138], %swap3A_1141 {strides = array<i32>} : memref<3x128xi32, #tpu.memory_space<vmem>>, vector<1x16xi32>,
      %add3A_1142 = arith.constant 32 : i32
      %add3A_1143 = arith.addi %multiple_of3A_1041, %add3A_1142 : i32
      %get3A_1144 = arith.index_cast %add3A_1143 : i32 to index
      %get3A_1145 = tpu.vector_load %arg5[%get3A_1144] {strides = array<i32>} : memref<3152xi32, #tpu.memory_space<vmem>>, vector<16xi32>,
      %get3A_1146 = vector.shape_cast %get3A_1145 : vector<16xi32> to vector<16xi32>
      %lt3A_1147 = arith.constant 0 : i32
      %lt3A_1148 = vector.broadcast %lt3A_1147 : i32 to vector<16xi32>
      %lt3A_1149 = arith.cmpi slt, %shift_right_arithmetic3A_4, %lt3A_1148 : vector<16xi32>
      %add3A_1150 = arith.constant 16 : i32
      %add3A_1151 = vector.broadcast %add3A_1150 : i32 to vector<16xi32>
      %add3A_1152 = arith.addi %shift_right_arithmetic3A_4, %add3A_1151 : vector<16xi32>
      %select_n3A_1153 = arith.select %lt3A_1149, %add3A_1152, %shift_right_arithmetic3A_4 : vector<16xi1>, vector<16xi32>
      %broadcast_in_dim3A_1154 = vector.shape_cast %select_n3A_1153 : vector<16xi32> to vector<16x1xi32>
      %gather3A_1155 = vector.shape_cast %broadcast_in_dim3A_1154 : vector<16x1xi32> to vector<16xi32>
      %gather3A_1156 = tpu.dynamic_gather %get3A_1146[%gather3A_1155] in [0] : vector<16xi32>, vector<16xi32> -> vector<16xi32>
      %mul3A_1157 = arith.constant 2 : i32
      %mul3A_1158 = vector.broadcast %mul3A_1157 : i32 to vector<16xi32>
      %mul3A_1159 = arith.muli %gather3A_1156, %mul3A_1158 : vector<16xi32>
      %add3A_1160 = arith.addi %mul3A_1159, %and3A_6 : vector<16xi32>
      %swap3A_1161 = arith.constant 0 : i32
      %swap3A_1162 = arith.index_cast %swap3A_1161 : i32 to index
      %swap3A_1163 = arith.constant 64 : index
      %swap3A_1164 = tpu.vector_load %arg6[%swap3A_1162, %swap3A_1163] {strides = array<i32>} : memref<3x128xi32, #tpu.memory_space<vmem>>, vector<1x16xi32>,
      %swap3A_1165 = vector.shape_cast %swap3A_1164 : vector<1x16xi32> to vector<16xi32>
      %swap3A_1166 = vector.shape_cast %add3A_1160 : vector<16xi32> to vector<1x16xi32>
      tpu.vector_store %arg6[%swap3A_1162, %swap3A_1163], %swap3A_1166 {strides = array<i32>} : memref<3x128xi32, #tpu.memory_space<vmem>>, vector<1x16xi32>,
      %add3A_1167 = arith.constant 40 : i32
      %add3A_1168 = arith.addi %multiple_of3A_1041, %add3A_1167 : i32
      %get3A_1169 = arith.index_cast %add3A_1168 : i32 to index
      %get3A_1170 = tpu.vector_load %arg5[%get3A_1169] {strides = array<i32>} : memref<3152xi32, #tpu.memory_space<vmem>>, vector<16xi32>,
      %get3A_1171 = vector.shape_cast %get3A_1170 : vector<16xi32> to vector<16xi32>
      %lt3A_1172 = arith.constant 0 : i32
      %lt3A_1173 = vector.broadcast %lt3A_1172 : i32 to vector<16xi32>
      %lt3A_1174 = arith.cmpi slt, %shift_right_arithmetic3A_4, %lt3A_1173 : vector<16xi32>
      %add3A_1175 = arith.constant 16 : i32
      %add3A_1176 = vector.broadcast %add3A_1175 : i32 to vector<16xi32>
      %add3A_1177 = arith.addi %shift_right_arithmetic3A_4, %add3A_1176 : vector<16xi32>
      %select_n3A_1178 = arith.select %lt3A_1174, %add3A_1177, %shift_right_arithmetic3A_4 : vector<16xi1>, vector<16xi32>
      %broadcast_in_dim3A_1179 = vector.shape_cast %select_n3A_1178 : vector<16xi32> to vector<16x1xi32>
      %gather3A_1180 = vector.shape_cast %broadcast_in_dim3A_1179 : vector<16x1xi32> to vector<16xi32>
      %gather3A_1181 = tpu.dynamic_gather %get3A_1171[%gather3A_1180] in [0] : vector<16xi32>, vector<16xi32> -> vector<16xi32>
      %mul3A_1182 = arith.constant 2 : i32
      %mul3A_1183 = vector.broadcast %mul3A_1182 : i32 to vector<16xi32>
      %mul3A_1184 = arith.muli %gather3A_1181, %mul3A_1183 : vector<16xi32>
      %add3A_1185 = arith.addi %mul3A_1184, %and3A_6 : vector<16xi32>
      %swap3A_1186 = arith.constant 0 : i32
      %swap3A_1187 = arith.index_cast %swap3A_1186 : i32 to index
      %swap3A_1188 = arith.constant 80 : index
      %swap3A_1189 = tpu.vector_load %arg6[%swap3A_1187, %swap3A_1188] {strides = array<i32>} : memref<3x128xi32, #tpu.memory_space<vmem>>, vector<1x16xi32>,
      %swap3A_1190 = vector.shape_cast %swap3A_1189 : vector<1x16xi32> to vector<16xi32>
      %swap3A_1191 = vector.shape_cast %add3A_1185 : vector<16xi32> to vector<1x16xi32>
      tpu.vector_store %arg6[%swap3A_1187, %swap3A_1188], %swap3A_1191 {strides = array<i32>} : memref<3x128xi32, #tpu.memory_space<vmem>>, vector<1x16xi32>,
      %add3A_1192 = arith.constant 48 : i32
      %add3A_1193 = arith.addi %multiple_of3A_1041, %add3A_1192 : i32
      %get3A_1194 = arith.index_cast %add3A_1193 : i32 to index
      %get3A_1195 = tpu.vector_load %arg5[%get3A_1194] {strides = array<i32>} : memref<3152xi32, #tpu.memory_space<vmem>>, vector<16xi32>,
      %get3A_1196 = vector.shape_cast %get3A_1195 : vector<16xi32> to vector<16xi32>
      %lt3A_1197 = arith.constant 0 : i32
      %lt3A_1198 = vector.broadcast %lt3A_1197 : i32 to vector<16xi32>
      %lt3A_1199 = arith.cmpi slt, %shift_right_arithmetic3A_4, %lt3A_1198 : vector<16xi32>
      %add3A_1200 = arith.constant 16 : i32
      %add3A_1201 = vector.broadcast %add3A_1200 : i32 to vector<16xi32>
      %add3A_1202 = arith.addi %shift_right_arithmetic3A_4, %add3A_1201 : vector<16xi32>
      %select_n3A_1203 = arith.select %lt3A_1199, %add3A_1202, %shift_right_arithmetic3A_4 : vector<16xi1>, vector<16xi32>
      %broadcast_in_dim3A_1204 = vector.shape_cast %select_n3A_1203 : vector<16xi32> to vector<16x1xi32>
      %gather3A_1205 = vector.shape_cast %broadcast_in_dim3A_1204 : vector<16x1xi32> to vector<16xi32>
      %gather3A_1206 = tpu.dynamic_gather %get3A_1196[%gather3A_1205] in [0] : vector<16xi32>, vector<16xi32> -> vector<16xi32>
      %mul3A_1207 = arith.constant 2 : i32
      %mul3A_1208 = vector.broadcast %mul3A_1207 : i32 to vector<16xi32>
      %mul3A_1209 = arith.muli %gather3A_1206, %mul3A_1208 : vector<16xi32>
      %add3A_1210 = arith.addi %mul3A_1209, %and3A_6 : vector<16xi32>
      %swap3A_1211 = arith.constant 0 : i32
      %swap3A_1212 = arith.index_cast %swap3A_1211 : i32 to index
      %swap3A_1213 = arith.constant 96 : index
      %swap3A_1214 = tpu.vector_load %arg6[%swap3A_1212, %swap3A_1213] {strides = array<i32>} : memref<3x128xi32, #tpu.memory_space<vmem>>, vector<1x16xi32>,
      %swap3A_1215 = vector.shape_cast %swap3A_1214 : vector<1x16xi32> to vector<16xi32>
      %swap3A_1216 = vector.shape_cast %add3A_1210 : vector<16xi32> to vector<1x16xi32>
      tpu.vector_store %arg6[%swap3A_1212, %swap3A_1213], %swap3A_1216 {strides = array<i32>} : memref<3x128xi32, #tpu.memory_space<vmem>>, vector<1x16xi32>,
      %add3A_1217 = arith.constant 56 : i32
      %add3A_1218 = arith.addi %multiple_of3A_1041, %add3A_1217 : i32
      %get3A_1219 = arith.index_cast %add3A_1218 : i32 to index
      %get3A_1220 = tpu.vector_load %arg5[%get3A_1219] {strides = array<i32>} : memref<3152xi32, #tpu.memory_space<vmem>>, vector<16xi32>,
      %get3A_1221 = vector.shape_cast %get3A_1220 : vector<16xi32> to vector<16xi32>
      %lt3A_1222 = arith.constant 0 : i32
      %lt3A_1223 = vector.broadcast %lt3A_1222 : i32 to vector<16xi32>
      %lt3A_1224 = arith.cmpi slt, %shift_right_arithmetic3A_4, %lt3A_1223 : vector<16xi32>
      %add3A_1225 = arith.constant 16 : i32
      %add3A_1226 = vector.broadcast %add3A_1225 : i32 to vector<16xi32>
      %add3A_1227 = arith.addi %shift_right_arithmetic3A_4, %add3A_1226 : vector<16xi32>
      %select_n3A_1228 = arith.select %lt3A_1224, %add3A_1227, %shift_right_arithmetic3A_4 : vector<16xi1>, vector<16xi32>
      %broadcast_in_dim3A_1229 = vector.shape_cast %select_n3A_1228 : vector<16xi32> to vector<16x1xi32>
      %gather3A_1230 = vector.shape_cast %broadcast_in_dim3A_1229 : vector<16x1xi32> to vector<16xi32>
      %gather3A_1231 = tpu.dynamic_gather %get3A_1221[%gather3A_1230] in [0] : vector<16xi32>, vector<16xi32> -> vector<16xi32>
      %mul3A_1232 = arith.constant 2 : i32
      %mul3A_1233 = vector.broadcast %mul3A_1232 : i32 to vector<16xi32>
      %mul3A_1234 = arith.muli %gather3A_1231, %mul3A_1233 : vector<16xi32>
      %add3A_1235 = arith.addi %mul3A_1234, %and3A_6 : vector<16xi32>
      %swap3A_1236 = arith.constant 0 : i32
      %swap3A_1237 = arith.index_cast %swap3A_1236 : i32 to index
      %swap3A_1238 = arith.constant 112 : index
      %swap3A_1239 = tpu.vector_load %arg6[%swap3A_1237, %swap3A_1238] {strides = array<i32>} : memref<3x128xi32, #tpu.memory_space<vmem>>, vector<1x16xi32>,
      %swap3A_1240 = vector.shape_cast %swap3A_1239 : vector<1x16xi32> to vector<16xi32>
      %swap3A_1241 = vector.shape_cast %add3A_1235 : vector<16xi32> to vector<1x16xi32>
      tpu.vector_store %arg6[%swap3A_1237, %swap3A_1238], %swap3A_1241 {strides = array<i32>} : memref<3x128xi32, #tpu.memory_space<vmem>>, vector<1x16xi32>,
      %dma_start3A_1242 = arith.constant 0 : i32
      %dma_start3A_1243 = arith.constant 0 : i32
      %dma_start3A_1244 = tpu.memref_slice %arg6[%dma_start3A_1242, %dma_start3A_1243] : memref<3x128xi32, #tpu.memory_space<vmem>> -> memref<1x128xi32, #tpu.memory_space<vmem>>
      %dma_start3A_1245 = tpu.memref_squeeze %dma_start3A_1244 : memref<1x128xi32, #tpu.memory_space<vmem>> -> memref<128xi32, #tpu.memory_space<vmem>>
      %dma_start3A_1246 = arith.constant 0 : i32
      %dma_start3A_1247 = arith.constant 0 : i32
      %dma_start3A_1248 = tpu.memref_slice %arg2[%dma_start3A_1246, %dma_start3A_1247] : memref<50000x128xf32, #tpu.memory_space<hbm>> -> memref<50000x128xf32, #tpu.memory_space<hbm>>
      tpu.enqueue_indirect_dma source(%dma_start3A_1248 : memref<50000x128xf32, #tpu.memory_space<hbm>>) target(%arg7 : memref<128x128xf32, #tpu.memory_space<vmem>>) offsets(%dma_start3A_1245 : memref<128xi32, #tpu.memory_space<vmem>>) semaphore(%arg10 : memref<!tpu.dma_semaphore, #tpu.memory_space<semaphore_mem>>)
      %mul3A_1249 = arith.constant 3 : i32
      %mul3A_1250 = arith.muli %mul3A_1249, %scan3A_992 : i32
      %add3A_1251 = arith.constant 1 : i32
      %add3A_1252 = arith.addi %mul3A_1250, %add3A_1251 : i32
      %add3A_1253 = arith.constant 1 : i32
      %add3A_1254 = arith.addi %add3A_1252, %add3A_1253 : i32
      %dma_wait3A_1255 = arith.constant 2 : i32
      %dma_wait3A_1256 = arith.constant 0 : i32
      %dma_wait3A_1257 = tpu.memref_slice %arg6[%dma_wait3A_1255, %dma_wait3A_1256] : memref<3x128xi32, #tpu.memory_space<vmem>> -> memref<1x128xi32, #tpu.memory_space<vmem>>
      %dma_wait3A_1258 = tpu.memref_squeeze %dma_wait3A_1257 : memref<1x128xi32, #tpu.memory_space<vmem>> -> memref<128xi32, #tpu.memory_space<vmem>>
      %dma_wait3A_1259 = arith.constant 0 : i32
      %dma_wait3A_1260 = arith.constant 0 : i32
      %dma_wait3A_1261 = tpu.memref_slice %arg2[%dma_wait3A_1259, %dma_wait3A_1260] : memref<50000x128xf32, #tpu.memory_space<hbm>> -> memref<50000x128xf32, #tpu.memory_space<hbm>>
      tpu.wait_indirect_dma semaphore(%arg12 : memref<!tpu.dma_semaphore, #tpu.memory_space<semaphore_mem>>) src(%dma_wait3A_1261 : memref<50000x128xf32, #tpu.memory_space<hbm>>) dst(%arg9 : memref<128x128xf32, #tpu.memory_space<vmem>>)
      %mul3A_1262 = arith.constant 49 : i32
      %mul3A_1263 = arith.muli %add3A, %mul3A_1262 : i32
      %add3A_1264 = arith.addi %mul3A_1263, %add3A_1254 : i32
      %mul3A_1265 = arith.constant 128 : i32
      %mul3A_1266 = arith.muli %add3A_1264, %mul3A_1265 : i32
      %lt3A_1267 = arith.constant 1562 : i32
      %lt3A_1268 = arith.cmpi slt, %add3A_1264, %lt3A_1267 : i32
      %convert_element_type3A_1269 = arith.extui %lt3A_1268 : i1 to i32
      %cond3A_1270 = arith.constant 0 : i32
      %cond3A_1271 = arith.cmpi ne, %convert_element_type3A_1269, %cond3A_1270 : i32
      scf.if %cond3A_1271 {
        %dma_start3A_1763 = arith.constant 0 : i32
        %dma_start3A_1764 = tpu.memref_slice %arg4[%mul3A_1266, %dma_start3A_1763] : memref<200000x128xf32, #tpu.memory_space<hbm>> -> memref<128x128xf32, #tpu.memory_space<hbm>>
        %dma_start3A_1765 = arith.constant 0 : i32
        %dma_start3A_1766 = tpu.memref_slice %arg4[%mul3A_1266, %dma_start3A_1765] : memref<200000x128xf32, #tpu.memory_space<hbm>> -> memref<128x128xf32, #tpu.memory_space<hbm>>
        tpu.enqueue_dma source(%arg9 : memref<128x128xf32, #tpu.memory_space<vmem>>) target(%dma_start3A_1766 : memref<128x128xf32, #tpu.memory_space<hbm>>) target_semaphore(%arg15 : memref<!tpu.dma_semaphore, #tpu.memory_space<semaphore_mem>>)
      } else {
      }
      %eq3A_1272 = arith.constant 1562 : i32
      %eq3A_1273 = arith.cmpi eq, %add3A_1264, %eq3A_1272 : i32
      %convert_element_type3A_1274 = arith.extui %eq3A_1273 : i1 to i32
      %cond3A_1275 = arith.constant 0 : i32
      %cond3A_1276 = arith.cmpi ne, %convert_element_type3A_1274, %cond3A_1275 : i32
      scf.if %cond3A_1276 {
        %dma_start3A_1763 = arith.constant 0 : i32
        %dma_start3A_1764 = arith.constant 0 : i32
        %dma_start3A_1765 = tpu.memref_slice %arg9[%dma_start3A_1763, %dma_start3A_1764] : memref<128x128xf32, #tpu.memory_space<vmem>> -> memref<64x128xf32, #tpu.memory_space<vmem>>
        %dma_start3A_1766 = arith.constant 199936 : i32
        %dma_start3A_1767 = arith.constant 0 : i32
        %dma_start3A_1768 = tpu.memref_slice %arg4[%dma_start3A_1766, %dma_start3A_1767] : memref<200000x128xf32, #tpu.memory_space<hbm>> -> memref<64x128xf32, #tpu.memory_space<hbm>>
        %dma_start3A_1769 = arith.constant 199936 : i32
        %dma_start3A_1770 = arith.constant 0 : i32
        %dma_start3A_1771 = tpu.memref_slice %arg4[%dma_start3A_1769, %dma_start3A_1770] : memref<200000x128xf32, #tpu.memory_space<hbm>> -> memref<64x128xf32, #tpu.memory_space<hbm>>
        %dma_start3A_1772 = arith.constant 0 : i32
        %dma_start3A_1773 = arith.constant 0 : i32
        %dma_start3A_1774 = tpu.memref_slice %arg9[%dma_start3A_1772, %dma_start3A_1773] : memref<128x128xf32, #tpu.memory_space<vmem>> -> memref<64x128xf32, #tpu.memory_space<vmem>>
        tpu.enqueue_dma source(%dma_start3A_1774 : memref<64x128xf32, #tpu.memory_space<vmem>>) target(%dma_start3A_1771 : memref<64x128xf32, #tpu.memory_space<hbm>>) target_semaphore(%arg15 : memref<!tpu.dma_semaphore, #tpu.memory_space<semaphore_mem>>)
      } else {
      }
      %sub3A_1277 = arith.constant 1 : i32
      %sub3A_1278 = arith.subi %add3A_1254, %sub3A_1277 : i32
      %mul3A_1279 = arith.constant 49 : i32
      %mul3A_1280 = arith.muli %add3A, %mul3A_1279 : i32
      %add3A_1281 = arith.addi %mul3A_1280, %sub3A_1278 : i32
      %mul3A_1282 = arith.constant 128 : i32
      %mul3A_1283 = arith.muli %add3A_1281, %mul3A_1282 : i32
      %lt3A_1284 = arith.constant 1562 : i32
      %lt3A_1285 = arith.cmpi slt, %add3A_1281, %lt3A_1284 : i32
      %convert_element_type3A_1286 = arith.extui %lt3A_1285 : i1 to i32
      %cond3A_1287 = arith.constant 0 : i32
      %cond3A_1288 = arith.cmpi ne, %convert_element_type3A_1286, %cond3A_1287 : i32
      scf.if %cond3A_1288 {
        %dma_wait3A_1763 = arith.constant 0 : i32
        %dma_wait3A_1764 = tpu.memref_slice %arg4[%mul3A_1283, %dma_wait3A_1763] : memref<200000x128xf32, #tpu.memory_space<hbm>> -> memref<128x128xf32, #tpu.memory_space<hbm>>
        %dma_wait3A_1765 = arith.constant 0 : i32
        %dma_wait3A_1766 = tpu.memref_slice %arg4[%mul3A_1283, %dma_wait3A_1765] : memref<200000x128xf32, #tpu.memory_space<hbm>> -> memref<128x128xf32, #tpu.memory_space<hbm>>
        tpu.wait_dma2 semaphore(%arg14 : memref<!tpu.dma_semaphore, #tpu.memory_space<semaphore_mem>>) src(%arg8 : memref<128x128xf32, #tpu.memory_space<vmem>>) dst(%dma_wait3A_1766 : memref<128x128xf32, #tpu.memory_space<hbm>>)
      } else {
      }
      %eq3A_1289 = arith.constant 1562 : i32
      %eq3A_1290 = arith.cmpi eq, %add3A_1281, %eq3A_1289 : i32
      %convert_element_type3A_1291 = arith.extui %eq3A_1290 : i1 to i32
      %cond3A_1292 = arith.constant 0 : i32
      %cond3A_1293 = arith.cmpi ne, %convert_element_type3A_1291, %cond3A_1292 : i32
      scf.if %cond3A_1293 {
        %dma_wait3A_1763 = arith.constant 0 : i32
        %dma_wait3A_1764 = arith.constant 0 : i32
        %dma_wait3A_1765 = tpu.memref_slice %arg8[%dma_wait3A_1763, %dma_wait3A_1764] : memref<128x128xf32, #tpu.memory_space<vmem>> -> memref<64x128xf32, #tpu.memory_space<vmem>>
        %dma_wait3A_1766 = arith.constant 199936 : i32
        %dma_wait3A_1767 = arith.constant 0 : i32
        %dma_wait3A_1768 = tpu.memref_slice %arg4[%dma_wait3A_1766, %dma_wait3A_1767] : memref<200000x128xf32, #tpu.memory_space<hbm>> -> memref<64x128xf32, #tpu.memory_space<hbm>>
        %dma_wait3A_1769 = arith.constant 199936 : i32
        %dma_wait3A_1770 = arith.constant 0 : i32
        %dma_wait3A_1771 = tpu.memref_slice %arg4[%dma_wait3A_1769, %dma_wait3A_1770] : memref<200000x128xf32, #tpu.memory_space<hbm>> -> memref<64x128xf32, #tpu.memory_space<hbm>>
        %dma_wait3A_1772 = arith.constant 0 : i32
        %dma_wait3A_1773 = arith.constant 0 : i32
        %dma_wait3A_1774 = tpu.memref_slice %arg8[%dma_wait3A_1772, %dma_wait3A_1773] : memref<128x128xf32, #tpu.memory_space<vmem>> -> memref<64x128xf32, #tpu.memory_space<vmem>>
        tpu.wait_dma2 semaphore(%arg14 : memref<!tpu.dma_semaphore, #tpu.memory_space<semaphore_mem>>) src(%dma_wait3A_1774 : memref<64x128xf32, #tpu.memory_space<vmem>>) dst(%dma_wait3A_1771 : memref<64x128xf32, #tpu.memory_space<hbm>>)
      } else {
      }
      %add3A_1294 = arith.constant 2 : i32
      %add3A_1295 = arith.addi %add3A_1254, %add3A_1294 : i32
      %mul3A_1296 = arith.constant 64 : i32
      %mul3A_1297 = arith.muli %add3A_1295, %mul3A_1296 : i32
      %multiple_of3A_1298 = tpu.assume_multiple %mul3A_1297, 64 : i32
      %add3A_1299 = arith.constant 0 : i32
      %add3A_1300 = arith.addi %multiple_of3A_1298, %add3A_1299 : i32
      %get3A_1301 = arith.index_cast %add3A_1300 : i32 to index
      %get3A_1302 = tpu.vector_load %arg5[%get3A_1301] {strides = array<i32>} : memref<3152xi32, #tpu.memory_space<vmem>>, vector<16xi32>,
      %get3A_1303 = vector.shape_cast %get3A_1302 : vector<16xi32> to vector<16xi32>
      %lt3A_1304 = arith.constant 0 : i32
      %lt3A_1305 = vector.broadcast %lt3A_1304 : i32 to vector<16xi32>
      %lt3A_1306 = arith.cmpi slt, %shift_right_arithmetic3A_4, %lt3A_1305 : vector<16xi32>
      %add3A_1307 = arith.constant 16 : i32
      %add3A_1308 = vector.broadcast %add3A_1307 : i32 to vector<16xi32>
      %add3A_1309 = arith.addi %shift_right_arithmetic3A_4, %add3A_1308 : vector<16xi32>
      %select_n3A_1310 = arith.select %lt3A_1306, %add3A_1309, %shift_right_arithmetic3A_4 : vector<16xi1>, vector<16xi32>
      %broadcast_in_dim3A_1311 = vector.shape_cast %select_n3A_1310 : vector<16xi32> to vector<16x1xi32>
      %gather3A_1312 = vector.shape_cast %broadcast_in_dim3A_1311 : vector<16x1xi32> to vector<16xi32>
      %gather3A_1313 = tpu.dynamic_gather %get3A_1303[%gather3A_1312] in [0] : vector<16xi32>, vector<16xi32> -> vector<16xi32>
      %mul3A_1314 = arith.constant 2 : i32
      %mul3A_1315 = vector.broadcast %mul3A_1314 : i32 to vector<16xi32>
      %mul3A_1316 = arith.muli %gather3A_1313, %mul3A_1315 : vector<16xi32>
      %add3A_1317 = arith.addi %mul3A_1316, %and3A_6 : vector<16xi32>
      %swap3A_1318 = arith.constant 1 : i32
      %swap3A_1319 = arith.index_cast %swap3A_1318 : i32 to index
      %swap3A_1320 = arith.constant 0 : index
      %swap3A_1321 = tpu.vector_load %arg6[%swap3A_1319, %swap3A_1320] {strides = array<i32>} : memref<3x128xi32, #tpu.memory_space<vmem>>, vector<1x16xi32>,
      %swap3A_1322 = vector.shape_cast %swap3A_1321 : vector<1x16xi32> to vector<16xi32>
      %swap3A_1323 = vector.shape_cast %add3A_1317 : vector<16xi32> to vector<1x16xi32>
      tpu.vector_store %arg6[%swap3A_1319, %swap3A_1320], %swap3A_1323 {strides = array<i32>} : memref<3x128xi32, #tpu.memory_space<vmem>>, vector<1x16xi32>,
      %add3A_1324 = arith.constant 8 : i32
      %add3A_1325 = arith.addi %multiple_of3A_1298, %add3A_1324 : i32
      %get3A_1326 = arith.index_cast %add3A_1325 : i32 to index
      %get3A_1327 = tpu.vector_load %arg5[%get3A_1326] {strides = array<i32>} : memref<3152xi32, #tpu.memory_space<vmem>>, vector<16xi32>,
      %get3A_1328 = vector.shape_cast %get3A_1327 : vector<16xi32> to vector<16xi32>
      %lt3A_1329 = arith.constant 0 : i32
      %lt3A_1330 = vector.broadcast %lt3A_1329 : i32 to vector<16xi32>
      %lt3A_1331 = arith.cmpi slt, %shift_right_arithmetic3A_4, %lt3A_1330 : vector<16xi32>
      %add3A_1332 = arith.constant 16 : i32
      %add3A_1333 = vector.broadcast %add3A_1332 : i32 to vector<16xi32>
      %add3A_1334 = arith.addi %shift_right_arithmetic3A_4, %add3A_1333 : vector<16xi32>
      %select_n3A_1335 = arith.select %lt3A_1331, %add3A_1334, %shift_right_arithmetic3A_4 : vector<16xi1>, vector<16xi32>
      %broadcast_in_dim3A_1336 = vector.shape_cast %select_n3A_1335 : vector<16xi32> to vector<16x1xi32>
      %gather3A_1337 = vector.shape_cast %broadcast_in_dim3A_1336 : vector<16x1xi32> to vector<16xi32>
      %gather3A_1338 = tpu.dynamic_gather %get3A_1328[%gather3A_1337] in [0] : vector<16xi32>, vector<16xi32> -> vector<16xi32>
      %mul3A_1339 = arith.constant 2 : i32
      %mul3A_1340 = vector.broadcast %mul3A_1339 : i32 to vector<16xi32>
      %mul3A_1341 = arith.muli %gather3A_1338, %mul3A_1340 : vector<16xi32>
      %add3A_1342 = arith.addi %mul3A_1341, %and3A_6 : vector<16xi32>
      %swap3A_1343 = arith.constant 1 : i32
      %swap3A_1344 = arith.index_cast %swap3A_1343 : i32 to index
      %swap3A_1345 = arith.constant 16 : index
      %swap3A_1346 = tpu.vector_load %arg6[%swap3A_1344, %swap3A_1345] {strides = array<i32>} : memref<3x128xi32, #tpu.memory_space<vmem>>, vector<1x16xi32>,
      %swap3A_1347 = vector.shape_cast %swap3A_1346 : vector<1x16xi32> to vector<16xi32>
      %swap3A_1348 = vector.shape_cast %add3A_1342 : vector<16xi32> to vector<1x16xi32>
      tpu.vector_store %arg6[%swap3A_1344, %swap3A_1345], %swap3A_1348 {strides = array<i32>} : memref<3x128xi32, #tpu.memory_space<vmem>>, vector<1x16xi32>,
      %add3A_1349 = arith.constant 16 : i32
      %add3A_1350 = arith.addi %multiple_of3A_1298, %add3A_1349 : i32
      %get3A_1351 = arith.index_cast %add3A_1350 : i32 to index
      %get3A_1352 = tpu.vector_load %arg5[%get3A_1351] {strides = array<i32>} : memref<3152xi32, #tpu.memory_space<vmem>>, vector<16xi32>,
      %get3A_1353 = vector.shape_cast %get3A_1352 : vector<16xi32> to vector<16xi32>
      %lt3A_1354 = arith.constant 0 : i32
      %lt3A_1355 = vector.broadcast %lt3A_1354 : i32 to vector<16xi32>
      %lt3A_1356 = arith.cmpi slt, %shift_right_arithmetic3A_4, %lt3A_1355 : vector<16xi32>
      %add3A_1357 = arith.constant 16 : i32
      %add3A_1358 = vector.broadcast %add3A_1357 : i32 to vector<16xi32>
      %add3A_1359 = arith.addi %shift_right_arithmetic3A_4, %add3A_1358 : vector<16xi32>
      %select_n3A_1360 = arith.select %lt3A_1356, %add3A_1359, %shift_right_arithmetic3A_4 : vector<16xi1>, vector<16xi32>
      %broadcast_in_dim3A_1361 = vector.shape_cast %select_n3A_1360 : vector<16xi32> to vector<16x1xi32>
      %gather3A_1362 = vector.shape_cast %broadcast_in_dim3A_1361 : vector<16x1xi32> to vector<16xi32>
      %gather3A_1363 = tpu.dynamic_gather %get3A_1353[%gather3A_1362] in [0] : vector<16xi32>, vector<16xi32> -> vector<16xi32>
      %mul3A_1364 = arith.constant 2 : i32
      %mul3A_1365 = vector.broadcast %mul3A_1364 : i32 to vector<16xi32>
      %mul3A_1366 = arith.muli %gather3A_1363, %mul3A_1365 : vector<16xi32>
      %add3A_1367 = arith.addi %mul3A_1366, %and3A_6 : vector<16xi32>
      %swap3A_1368 = arith.constant 1 : i32
      %swap3A_1369 = arith.index_cast %swap3A_1368 : i32 to index
      %swap3A_1370 = arith.constant 32 : index
      %swap3A_1371 = tpu.vector_load %arg6[%swap3A_1369, %swap3A_1370] {strides = array<i32>} : memref<3x128xi32, #tpu.memory_space<vmem>>, vector<1x16xi32>,
      %swap3A_1372 = vector.shape_cast %swap3A_1371 : vector<1x16xi32> to vector<16xi32>
      %swap3A_1373 = vector.shape_cast %add3A_1367 : vector<16xi32> to vector<1x16xi32>
      tpu.vector_store %arg6[%swap3A_1369, %swap3A_1370], %swap3A_1373 {strides = array<i32>} : memref<3x128xi32, #tpu.memory_space<vmem>>, vector<1x16xi32>,
      %add3A_1374 = arith.constant 24 : i32
      %add3A_1375 = arith.addi %multiple_of3A_1298, %add3A_1374 : i32
      %get3A_1376 = arith.index_cast %add3A_1375 : i32 to index
      %get3A_1377 = tpu.vector_load %arg5[%get3A_1376] {strides = array<i32>} : memref<3152xi32, #tpu.memory_space<vmem>>, vector<16xi32>,
      %get3A_1378 = vector.shape_cast %get3A_1377 : vector<16xi32> to vector<16xi32>
      %lt3A_1379 = arith.constant 0 : i32
      %lt3A_1380 = vector.broadcast %lt3A_1379 : i32 to vector<16xi32>
      %lt3A_1381 = arith.cmpi slt, %shift_right_arithmetic3A_4, %lt3A_1380 : vector<16xi32>
      %add3A_1382 = arith.constant 16 : i32
      %add3A_1383 = vector.broadcast %add3A_1382 : i32 to vector<16xi32>
      %add3A_1384 = arith.addi %shift_right_arithmetic3A_4, %add3A_1383 : vector<16xi32>
      %select_n3A_1385 = arith.select %lt3A_1381, %add3A_1384, %shift_right_arithmetic3A_4 : vector<16xi1>, vector<16xi32>
      %broadcast_in_dim3A_1386 = vector.shape_cast %select_n3A_1385 : vector<16xi32> to vector<16x1xi32>
      %gather3A_1387 = vector.shape_cast %broadcast_in_dim3A_1386 : vector<16x1xi32> to vector<16xi32>
      %gather3A_1388 = tpu.dynamic_gather %get3A_1378[%gather3A_1387] in [0] : vector<16xi32>, vector<16xi32> -> vector<16xi32>
      %mul3A_1389 = arith.constant 2 : i32
      %mul3A_1390 = vector.broadcast %mul3A_1389 : i32 to vector<16xi32>
      %mul3A_1391 = arith.muli %gather3A_1388, %mul3A_1390 : vector<16xi32>
      %add3A_1392 = arith.addi %mul3A_1391, %and3A_6 : vector<16xi32>
      %swap3A_1393 = arith.constant 1 : i32
      %swap3A_1394 = arith.index_cast %swap3A_1393 : i32 to index
      %swap3A_1395 = arith.constant 48 : index
      %swap3A_1396 = tpu.vector_load %arg6[%swap3A_1394, %swap3A_1395] {strides = array<i32>} : memref<3x128xi32, #tpu.memory_space<vmem>>, vector<1x16xi32>,
      %swap3A_1397 = vector.shape_cast %swap3A_1396 : vector<1x16xi32> to vector<16xi32>
      %swap3A_1398 = vector.shape_cast %add3A_1392 : vector<16xi32> to vector<1x16xi32>
      tpu.vector_store %arg6[%swap3A_1394, %swap3A_1395], %swap3A_1398 {strides = array<i32>} : memref<3x128xi32, #tpu.memory_space<vmem>>, vector<1x16xi32>,
      %add3A_1399 = arith.constant 32 : i32
      %add3A_1400 = arith.addi %multiple_of3A_1298, %add3A_1399 : i32
      %get3A_1401 = arith.index_cast %add3A_1400 : i32 to index
      %get3A_1402 = tpu.vector_load %arg5[%get3A_1401] {strides = array<i32>} : memref<3152xi32, #tpu.memory_space<vmem>>, vector<16xi32>,
      %get3A_1403 = vector.shape_cast %get3A_1402 : vector<16xi32> to vector<16xi32>
      %lt3A_1404 = arith.constant 0 : i32
      %lt3A_1405 = vector.broadcast %lt3A_1404 : i32 to vector<16xi32>
      %lt3A_1406 = arith.cmpi slt, %shift_right_arithmetic3A_4, %lt3A_1405 : vector<16xi32>
      %add3A_1407 = arith.constant 16 : i32
      %add3A_1408 = vector.broadcast %add3A_1407 : i32 to vector<16xi32>
      %add3A_1409 = arith.addi %shift_right_arithmetic3A_4, %add3A_1408 : vector<16xi32>
      %select_n3A_1410 = arith.select %lt3A_1406, %add3A_1409, %shift_right_arithmetic3A_4 : vector<16xi1>, vector<16xi32>
      %broadcast_in_dim3A_1411 = vector.shape_cast %select_n3A_1410 : vector<16xi32> to vector<16x1xi32>
      %gather3A_1412 = vector.shape_cast %broadcast_in_dim3A_1411 : vector<16x1xi32> to vector<16xi32>
      %gather3A_1413 = tpu.dynamic_gather %get3A_1403[%gather3A_1412] in [0] : vector<16xi32>, vector<16xi32> -> vector<16xi32>
      %mul3A_1414 = arith.constant 2 : i32
      %mul3A_1415 = vector.broadcast %mul3A_1414 : i32 to vector<16xi32>
      %mul3A_1416 = arith.muli %gather3A_1413, %mul3A_1415 : vector<16xi32>
      %add3A_1417 = arith.addi %mul3A_1416, %and3A_6 : vector<16xi32>
      %swap3A_1418 = arith.constant 1 : i32
      %swap3A_1419 = arith.index_cast %swap3A_1418 : i32 to index
      %swap3A_1420 = arith.constant 64 : index
      %swap3A_1421 = tpu.vector_load %arg6[%swap3A_1419, %swap3A_1420] {strides = array<i32>} : memref<3x128xi32, #tpu.memory_space<vmem>>, vector<1x16xi32>,
      %swap3A_1422 = vector.shape_cast %swap3A_1421 : vector<1x16xi32> to vector<16xi32>
      %swap3A_1423 = vector.shape_cast %add3A_1417 : vector<16xi32> to vector<1x16xi32>
      tpu.vector_store %arg6[%swap3A_1419, %swap3A_1420], %swap3A_1423 {strides = array<i32>} : memref<3x128xi32, #tpu.memory_space<vmem>>, vector<1x16xi32>,
      %add3A_1424 = arith.constant 40 : i32
      %add3A_1425 = arith.addi %multiple_of3A_1298, %add3A_1424 : i32
      %get3A_1426 = arith.index_cast %add3A_1425 : i32 to index
      %get3A_1427 = tpu.vector_load %arg5[%get3A_1426] {strides = array<i32>} : memref<3152xi32, #tpu.memory_space<vmem>>, vector<16xi32>,
      %get3A_1428 = vector.shape_cast %get3A_1427 : vector<16xi32> to vector<16xi32>
      %lt3A_1429 = arith.constant 0 : i32
      %lt3A_1430 = vector.broadcast %lt3A_1429 : i32 to vector<16xi32>
      %lt3A_1431 = arith.cmpi slt, %shift_right_arithmetic3A_4, %lt3A_1430 : vector<16xi32>
      %add3A_1432 = arith.constant 16 : i32
      %add3A_1433 = vector.broadcast %add3A_1432 : i32 to vector<16xi32>
      %add3A_1434 = arith.addi %shift_right_arithmetic3A_4, %add3A_1433 : vector<16xi32>
      %select_n3A_1435 = arith.select %lt3A_1431, %add3A_1434, %shift_right_arithmetic3A_4 : vector<16xi1>, vector<16xi32>
      %broadcast_in_dim3A_1436 = vector.shape_cast %select_n3A_1435 : vector<16xi32> to vector<16x1xi32>
      %gather3A_1437 = vector.shape_cast %broadcast_in_dim3A_1436 : vector<16x1xi32> to vector<16xi32>
      %gather3A_1438 = tpu.dynamic_gather %get3A_1428[%gather3A_1437] in [0] : vector<16xi32>, vector<16xi32> -> vector<16xi32>
      %mul3A_1439 = arith.constant 2 : i32
      %mul3A_1440 = vector.broadcast %mul3A_1439 : i32 to vector<16xi32>
      %mul3A_1441 = arith.muli %gather3A_1438, %mul3A_1440 : vector<16xi32>
      %add3A_1442 = arith.addi %mul3A_1441, %and3A_6 : vector<16xi32>
      %swap3A_1443 = arith.constant 1 : i32
      %swap3A_1444 = arith.index_cast %swap3A_1443 : i32 to index
      %swap3A_1445 = arith.constant 80 : index
      %swap3A_1446 = tpu.vector_load %arg6[%swap3A_1444, %swap3A_1445] {strides = array<i32>} : memref<3x128xi32, #tpu.memory_space<vmem>>, vector<1x16xi32>,
      %swap3A_1447 = vector.shape_cast %swap3A_1446 : vector<1x16xi32> to vector<16xi32>
      %swap3A_1448 = vector.shape_cast %add3A_1442 : vector<16xi32> to vector<1x16xi32>
      tpu.vector_store %arg6[%swap3A_1444, %swap3A_1445], %swap3A_1448 {strides = array<i32>} : memref<3x128xi32, #tpu.memory_space<vmem>>, vector<1x16xi32>,
      %add3A_1449 = arith.constant 48 : i32
      %add3A_1450 = arith.addi %multiple_of3A_1298, %add3A_1449 : i32
      %get3A_1451 = arith.index_cast %add3A_1450 : i32 to index
      %get3A_1452 = tpu.vector_load %arg5[%get3A_1451] {strides = array<i32>} : memref<3152xi32, #tpu.memory_space<vmem>>, vector<16xi32>,
      %get3A_1453 = vector.shape_cast %get3A_1452 : vector<16xi32> to vector<16xi32>
      %lt3A_1454 = arith.constant 0 : i32
      %lt3A_1455 = vector.broadcast %lt3A_1454 : i32 to vector<16xi32>
      %lt3A_1456 = arith.cmpi slt, %shift_right_arithmetic3A_4, %lt3A_1455 : vector<16xi32>
      %add3A_1457 = arith.constant 16 : i32
      %add3A_1458 = vector.broadcast %add3A_1457 : i32 to vector<16xi32>
      %add3A_1459 = arith.addi %shift_right_arithmetic3A_4, %add3A_1458 : vector<16xi32>
      %select_n3A_1460 = arith.select %lt3A_1456, %add3A_1459, %shift_right_arithmetic3A_4 : vector<16xi1>, vector<16xi32>
      %broadcast_in_dim3A_1461 = vector.shape_cast %select_n3A_1460 : vector<16xi32> to vector<16x1xi32>
      %gather3A_1462 = vector.shape_cast %broadcast_in_dim3A_1461 : vector<16x1xi32> to vector<16xi32>
      %gather3A_1463 = tpu.dynamic_gather %get3A_1453[%gather3A_1462] in [0] : vector<16xi32>, vector<16xi32> -> vector<16xi32>
      %mul3A_1464 = arith.constant 2 : i32
      %mul3A_1465 = vector.broadcast %mul3A_1464 : i32 to vector<16xi32>
      %mul3A_1466 = arith.muli %gather3A_1463, %mul3A_1465 : vector<16xi32>
      %add3A_1467 = arith.addi %mul3A_1466, %and3A_6 : vector<16xi32>
      %swap3A_1468 = arith.constant 1 : i32
      %swap3A_1469 = arith.index_cast %swap3A_1468 : i32 to index
      %swap3A_1470 = arith.constant 96 : index
      %swap3A_1471 = tpu.vector_load %arg6[%swap3A_1469, %swap3A_1470] {strides = array<i32>} : memref<3x128xi32, #tpu.memory_space<vmem>>, vector<1x16xi32>,
      %swap3A_1472 = vector.shape_cast %swap3A_1471 : vector<1x16xi32> to vector<16xi32>
      %swap3A_1473 = vector.shape_cast %add3A_1467 : vector<16xi32> to vector<1x16xi32>
      tpu.vector_store %arg6[%swap3A_1469, %swap3A_1470], %swap3A_1473 {strides = array<i32>} : memref<3x128xi32, #tpu.memory_space<vmem>>, vector<1x16xi32>,
      %add3A_1474 = arith.constant 56 : i32
      %add3A_1475 = arith.addi %multiple_of3A_1298, %add3A_1474 : i32
      %get3A_1476 = arith.index_cast %add3A_1475 : i32 to index
      %get3A_1477 = tpu.vector_load %arg5[%get3A_1476] {strides = array<i32>} : memref<3152xi32, #tpu.memory_space<vmem>>, vector<16xi32>,
      %get3A_1478 = vector.shape_cast %get3A_1477 : vector<16xi32> to vector<16xi32>
      %lt3A_1479 = arith.constant 0 : i32
      %lt3A_1480 = vector.broadcast %lt3A_1479 : i32 to vector<16xi32>
      %lt3A_1481 = arith.cmpi slt, %shift_right_arithmetic3A_4, %lt3A_1480 : vector<16xi32>
      %add3A_1482 = arith.constant 16 : i32
      %add3A_1483 = vector.broadcast %add3A_1482 : i32 to vector<16xi32>
      %add3A_1484 = arith.addi %shift_right_arithmetic3A_4, %add3A_1483 : vector<16xi32>
      %select_n3A_1485 = arith.select %lt3A_1481, %add3A_1484, %shift_right_arithmetic3A_4 : vector<16xi1>, vector<16xi32>
      %broadcast_in_dim3A_1486 = vector.shape_cast %select_n3A_1485 : vector<16xi32> to vector<16x1xi32>
      %gather3A_1487 = vector.shape_cast %broadcast_in_dim3A_1486 : vector<16x1xi32> to vector<16xi32>
      %gather3A_1488 = tpu.dynamic_gather %get3A_1478[%gather3A_1487] in [0] : vector<16xi32>, vector<16xi32> -> vector<16xi32>
      %mul3A_1489 = arith.constant 2 : i32
      %mul3A_1490 = vector.broadcast %mul3A_1489 : i32 to vector<16xi32>
      %mul3A_1491 = arith.muli %gather3A_1488, %mul3A_1490 : vector<16xi32>
      %add3A_1492 = arith.addi %mul3A_1491, %and3A_6 : vector<16xi32>
      %swap3A_1493 = arith.constant 1 : i32
      %swap3A_1494 = arith.index_cast %swap3A_1493 : i32 to index
      %swap3A_1495 = arith.constant 112 : index
      %swap3A_1496 = tpu.vector_load %arg6[%swap3A_1494, %swap3A_1495] {strides = array<i32>} : memref<3x128xi32, #tpu.memory_space<vmem>>, vector<1x16xi32>,
      %swap3A_1497 = vector.shape_cast %swap3A_1496 : vector<1x16xi32> to vector<16xi32>
      %swap3A_1498 = vector.shape_cast %add3A_1492 : vector<16xi32> to vector<1x16xi32>
      tpu.vector_store %arg6[%swap3A_1494, %swap3A_1495], %swap3A_1498 {strides = array<i32>} : memref<3x128xi32, #tpu.memory_space<vmem>>, vector<1x16xi32>,
      %dma_start3A_1499 = arith.constant 1 : i32
      %dma_start3A_1500 = arith.constant 0 : i32
      %dma_start3A_1501 = tpu.memref_slice %arg6[%dma_start3A_1499, %dma_start3A_1500] : memref<3x128xi32, #tpu.memory_space<vmem>> -> memref<1x128xi32, #tpu.memory_space<vmem>>
      %dma_start3A_1502 = tpu.memref_squeeze %dma_start3A_1501 : memref<1x128xi32, #tpu.memory_space<vmem>> -> memref<128xi32, #tpu.memory_space<vmem>>
      %dma_start3A_1503 = arith.constant 0 : i32
      %dma_start3A_1504 = arith.constant 0 : i32
      %dma_start3A_1505 = tpu.memref_slice %arg2[%dma_start3A_1503, %dma_start3A_1504] : memref<50000x128xf32, #tpu.memory_space<hbm>> -> memref<50000x128xf32, #tpu.memory_space<hbm>>
      tpu.enqueue_indirect_dma source(%dma_start3A_1505 : memref<50000x128xf32, #tpu.memory_space<hbm>>) target(%arg8 : memref<128x128xf32, #tpu.memory_space<vmem>>) offsets(%dma_start3A_1502 : memref<128xi32, #tpu.memory_space<vmem>>) semaphore(%arg11 : memref<!tpu.dma_semaphore, #tpu.memory_space<semaphore_mem>>)
      %mul3A_1506 = arith.constant 3 : i32
      %mul3A_1507 = arith.muli %mul3A_1506, %scan3A_992 : i32
      %add3A_1508 = arith.constant 1 : i32
      %add3A_1509 = arith.addi %mul3A_1507, %add3A_1508 : i32
      %add3A_1510 = arith.constant 2 : i32
      %add3A_1511 = arith.addi %add3A_1509, %add3A_1510 : i32
      %dma_wait3A_1512 = arith.constant 0 : i32
      %dma_wait3A_1513 = arith.constant 0 : i32
      %dma_wait3A_1514 = tpu.memref_slice %arg6[%dma_wait3A_1512, %dma_wait3A_1513] : memref<3x128xi32, #tpu.memory_space<vmem>> -> memref<1x128xi32, #tpu.memory_space<vmem>>
      %dma_wait3A_1515 = tpu.memref_squeeze %dma_wait3A_1514 : memref<1x128xi32, #tpu.memory_space<vmem>> -> memref<128xi32, #tpu.memory_space<vmem>>
      %dma_wait3A_1516 = arith.constant 0 : i32
      %dma_wait3A_1517 = arith.constant 0 : i32
      %dma_wait3A_1518 = tpu.memref_slice %arg2[%dma_wait3A_1516, %dma_wait3A_1517] : memref<50000x128xf32, #tpu.memory_space<hbm>> -> memref<50000x128xf32, #tpu.memory_space<hbm>>
      tpu.wait_indirect_dma semaphore(%arg10 : memref<!tpu.dma_semaphore, #tpu.memory_space<semaphore_mem>>) src(%dma_wait3A_1518 : memref<50000x128xf32, #tpu.memory_space<hbm>>) dst(%arg7 : memref<128x128xf32, #tpu.memory_space<vmem>>)
      %mul3A_1519 = arith.constant 49 : i32
      %mul3A_1520 = arith.muli %add3A, %mul3A_1519 : i32
      %add3A_1521 = arith.addi %mul3A_1520, %add3A_1511 : i32
      %mul3A_1522 = arith.constant 128 : i32
      %mul3A_1523 = arith.muli %add3A_1521, %mul3A_1522 : i32
      %lt3A_1524 = arith.constant 1562 : i32
      %lt3A_1525 = arith.cmpi slt, %add3A_1521, %lt3A_1524 : i32
      %convert_element_type3A_1526 = arith.extui %lt3A_1525 : i1 to i32
      %cond3A_1527 = arith.constant 0 : i32
      %cond3A_1528 = arith.cmpi ne, %convert_element_type3A_1526, %cond3A_1527 : i32
      scf.if %cond3A_1528 {
        %dma_start3A_1763 = arith.constant 0 : i32
        %dma_start3A_1764 = tpu.memref_slice %arg4[%mul3A_1523, %dma_start3A_1763] : memref<200000x128xf32, #tpu.memory_space<hbm>> -> memref<128x128xf32, #tpu.memory_space<hbm>>
        %dma_start3A_1765 = arith.constant 0 : i32
        %dma_start3A_1766 = tpu.memref_slice %arg4[%mul3A_1523, %dma_start3A_1765] : memref<200000x128xf32, #tpu.memory_space<hbm>> -> memref<128x128xf32, #tpu.memory_space<hbm>>
        tpu.enqueue_dma source(%arg7 : memref<128x128xf32, #tpu.memory_space<vmem>>) target(%dma_start3A_1766 : memref<128x128xf32, #tpu.memory_space<hbm>>) target_semaphore(%arg13 : memref<!tpu.dma_semaphore, #tpu.memory_space<semaphore_mem>>)
      } else {
      }
      %eq3A_1529 = arith.constant 1562 : i32
      %eq3A_1530 = arith.cmpi eq, %add3A_1521, %eq3A_1529 : i32
      %convert_element_type3A_1531 = arith.extui %eq3A_1530 : i1 to i32
      %cond3A_1532 = arith.constant 0 : i32
      %cond3A_1533 = arith.cmpi ne, %convert_element_type3A_1531, %cond3A_1532 : i32
      scf.if %cond3A_1533 {
        %dma_start3A_1763 = arith.constant 0 : i32
        %dma_start3A_1764 = arith.constant 0 : i32
        %dma_start3A_1765 = tpu.memref_slice %arg7[%dma_start3A_1763, %dma_start3A_1764] : memref<128x128xf32, #tpu.memory_space<vmem>> -> memref<64x128xf32, #tpu.memory_space<vmem>>
        %dma_start3A_1766 = arith.constant 199936 : i32
        %dma_start3A_1767 = arith.constant 0 : i32
        %dma_start3A_1768 = tpu.memref_slice %arg4[%dma_start3A_1766, %dma_start3A_1767] : memref<200000x128xf32, #tpu.memory_space<hbm>> -> memref<64x128xf32, #tpu.memory_space<hbm>>
        %dma_start3A_1769 = arith.constant 199936 : i32
        %dma_start3A_1770 = arith.constant 0 : i32
        %dma_start3A_1771 = tpu.memref_slice %arg4[%dma_start3A_1769, %dma_start3A_1770] : memref<200000x128xf32, #tpu.memory_space<hbm>> -> memref<64x128xf32, #tpu.memory_space<hbm>>
        %dma_start3A_1772 = arith.constant 0 : i32
        %dma_start3A_1773 = arith.constant 0 : i32
        %dma_start3A_1774 = tpu.memref_slice %arg7[%dma_start3A_1772, %dma_start3A_1773] : memref<128x128xf32, #tpu.memory_space<vmem>> -> memref<64x128xf32, #tpu.memory_space<vmem>>
        tpu.enqueue_dma source(%dma_start3A_1774 : memref<64x128xf32, #tpu.memory_space<vmem>>) target(%dma_start3A_1771 : memref<64x128xf32, #tpu.memory_space<hbm>>) target_semaphore(%arg13 : memref<!tpu.dma_semaphore, #tpu.memory_space<semaphore_mem>>)
      } else {
      }
      %sub3A_1534 = arith.constant 1 : i32
      %sub3A_1535 = arith.subi %add3A_1511, %sub3A_1534 : i32
      %mul3A_1536 = arith.constant 49 : i32
      %mul3A_1537 = arith.muli %add3A, %mul3A_1536 : i32
      %add3A_1538 = arith.addi %mul3A_1537, %sub3A_1535 : i32
      %mul3A_1539 = arith.constant 128 : i32
      %mul3A_1540 = arith.muli %add3A_1538, %mul3A_1539 : i32
      %lt3A_1541 = arith.constant 1562 : i32
      %lt3A_1542 = arith.cmpi slt, %add3A_1538, %lt3A_1541 : i32
      %convert_element_type3A_1543 = arith.extui %lt3A_1542 : i1 to i32
      %cond3A_1544 = arith.constant 0 : i32
      %cond3A_1545 = arith.cmpi ne, %convert_element_type3A_1543, %cond3A_1544 : i32
      scf.if %cond3A_1545 {
        %dma_wait3A_1763 = arith.constant 0 : i32
        %dma_wait3A_1764 = tpu.memref_slice %arg4[%mul3A_1540, %dma_wait3A_1763] : memref<200000x128xf32, #tpu.memory_space<hbm>> -> memref<128x128xf32, #tpu.memory_space<hbm>>
        %dma_wait3A_1765 = arith.constant 0 : i32
        %dma_wait3A_1766 = tpu.memref_slice %arg4[%mul3A_1540, %dma_wait3A_1765] : memref<200000x128xf32, #tpu.memory_space<hbm>> -> memref<128x128xf32, #tpu.memory_space<hbm>>
        tpu.wait_dma2 semaphore(%arg15 : memref<!tpu.dma_semaphore, #tpu.memory_space<semaphore_mem>>) src(%arg9 : memref<128x128xf32, #tpu.memory_space<vmem>>) dst(%dma_wait3A_1766 : memref<128x128xf32, #tpu.memory_space<hbm>>)
      } else {
      }
      %eq3A_1546 = arith.constant 1562 : i32
      %eq3A_1547 = arith.cmpi eq, %add3A_1538, %eq3A_1546 : i32
      %convert_element_type3A_1548 = arith.extui %eq3A_1547 : i1 to i32
      %cond3A_1549 = arith.constant 0 : i32
      %cond3A_1550 = arith.cmpi ne, %convert_element_type3A_1548, %cond3A_1549 : i32
      scf.if %cond3A_1550 {
        %dma_wait3A_1763 = arith.constant 0 : i32
        %dma_wait3A_1764 = arith.constant 0 : i32
        %dma_wait3A_1765 = tpu.memref_slice %arg9[%dma_wait3A_1763, %dma_wait3A_1764] : memref<128x128xf32, #tpu.memory_space<vmem>> -> memref<64x128xf32, #tpu.memory_space<vmem>>
        %dma_wait3A_1766 = arith.constant 199936 : i32
        %dma_wait3A_1767 = arith.constant 0 : i32
        %dma_wait3A_1768 = tpu.memref_slice %arg4[%dma_wait3A_1766, %dma_wait3A_1767] : memref<200000x128xf32, #tpu.memory_space<hbm>> -> memref<64x128xf32, #tpu.memory_space<hbm>>
        %dma_wait3A_1769 = arith.constant 199936 : i32
        %dma_wait3A_1770 = arith.constant 0 : i32
        %dma_wait3A_1771 = tpu.memref_slice %arg4[%dma_wait3A_1769, %dma_wait3A_1770] : memref<200000x128xf32, #tpu.memory_space<hbm>> -> memref<64x128xf32, #tpu.memory_space<hbm>>
        %dma_wait3A_1772 = arith.constant 0 : i32
        %dma_wait3A_1773 = arith.constant 0 : i32
        %dma_wait3A_1774 = tpu.memref_slice %arg9[%dma_wait3A_1772, %dma_wait3A_1773] : memref<128x128xf32, #tpu.memory_space<vmem>> -> memref<64x128xf32, #tpu.memory_space<vmem>>
        tpu.wait_dma2 semaphore(%arg15 : memref<!tpu.dma_semaphore, #tpu.memory_space<semaphore_mem>>) src(%dma_wait3A_1774 : memref<64x128xf32, #tpu.memory_space<vmem>>) dst(%dma_wait3A_1771 : memref<64x128xf32, #tpu.memory_space<hbm>>)
      } else {
      }
      %add3A_1551 = arith.constant 2 : i32
      %add3A_1552 = arith.addi %add3A_1511, %add3A_1551 : i32
      %mul3A_1553 = arith.constant 64 : i32
      %mul3A_1554 = arith.muli %add3A_1552, %mul3A_1553 : i32
      %multiple_of3A_1555 = tpu.assume_multiple %mul3A_1554, 64 : i32
      %add3A_1556 = arith.constant 0 : i32
      %add3A_1557 = arith.addi %multiple_of3A_1555, %add3A_1556 : i32
      %get3A_1558 = arith.index_cast %add3A_1557 : i32 to index
      %get3A_1559 = tpu.vector_load %arg5[%get3A_1558] {strides = array<i32>} : memref<3152xi32, #tpu.memory_space<vmem>>, vector<16xi32>,
      %get3A_1560 = vector.shape_cast %get3A_1559 : vector<16xi32> to vector<16xi32>
      %lt3A_1561 = arith.constant 0 : i32
      %lt3A_1562 = vector.broadcast %lt3A_1561 : i32 to vector<16xi32>
      %lt3A_1563 = arith.cmpi slt, %shift_right_arithmetic3A_4, %lt3A_1562 : vector<16xi32>
      %add3A_1564 = arith.constant 16 : i32
      %add3A_1565 = vector.broadcast %add3A_1564 : i32 to vector<16xi32>
      %add3A_1566 = arith.addi %shift_right_arithmetic3A_4, %add3A_1565 : vector<16xi32>
      %select_n3A_1567 = arith.select %lt3A_1563, %add3A_1566, %shift_right_arithmetic3A_4 : vector<16xi1>, vector<16xi32>
      %broadcast_in_dim3A_1568 = vector.shape_cast %select_n3A_1567 : vector<16xi32> to vector<16x1xi32>
      %gather3A_1569 = vector.shape_cast %broadcast_in_dim3A_1568 : vector<16x1xi32> to vector<16xi32>
      %gather3A_1570 = tpu.dynamic_gather %get3A_1560[%gather3A_1569] in [0] : vector<16xi32>, vector<16xi32> -> vector<16xi32>
      %mul3A_1571 = arith.constant 2 : i32
      %mul3A_1572 = vector.broadcast %mul3A_1571 : i32 to vector<16xi32>
      %mul3A_1573 = arith.muli %gather3A_1570, %mul3A_1572 : vector<16xi32>
      %add3A_1574 = arith.addi %mul3A_1573, %and3A_6 : vector<16xi32>
      %swap3A_1575 = arith.constant 2 : i32
      %swap3A_1576 = arith.index_cast %swap3A_1575 : i32 to index
      %swap3A_1577 = arith.constant 0 : index
      %swap3A_1578 = tpu.vector_load %arg6[%swap3A_1576, %swap3A_1577] {strides = array<i32>} : memref<3x128xi32, #tpu.memory_space<vmem>>, vector<1x16xi32>,
      %swap3A_1579 = vector.shape_cast %swap3A_1578 : vector<1x16xi32> to vector<16xi32>
      %swap3A_1580 = vector.shape_cast %add3A_1574 : vector<16xi32> to vector<1x16xi32>
      tpu.vector_store %arg6[%swap3A_1576, %swap3A_1577], %swap3A_1580 {strides = array<i32>} : memref<3x128xi32, #tpu.memory_space<vmem>>, vector<1x16xi32>,
      %add3A_1581 = arith.constant 8 : i32
      %add3A_1582 = arith.addi %multiple_of3A_1555, %add3A_1581 : i32
      %get3A_1583 = arith.index_cast %add3A_1582 : i32 to index
      %get3A_1584 = tpu.vector_load %arg5[%get3A_1583] {strides = array<i32>} : memref<3152xi32, #tpu.memory_space<vmem>>, vector<16xi32>,
      %get3A_1585 = vector.shape_cast %get3A_1584 : vector<16xi32> to vector<16xi32>
      %lt3A_1586 = arith.constant 0 : i32
      %lt3A_1587 = vector.broadcast %lt3A_1586 : i32 to vector<16xi32>
      %lt3A_1588 = arith.cmpi slt, %shift_right_arithmetic3A_4, %lt3A_1587 : vector<16xi32>
      %add3A_1589 = arith.constant 16 : i32
      %add3A_1590 = vector.broadcast %add3A_1589 : i32 to vector<16xi32>
      %add3A_1591 = arith.addi %shift_right_arithmetic3A_4, %add3A_1590 : vector<16xi32>
      %select_n3A_1592 = arith.select %lt3A_1588, %add3A_1591, %shift_right_arithmetic3A_4 : vector<16xi1>, vector<16xi32>
      %broadcast_in_dim3A_1593 = vector.shape_cast %select_n3A_1592 : vector<16xi32> to vector<16x1xi32>
      %gather3A_1594 = vector.shape_cast %broadcast_in_dim3A_1593 : vector<16x1xi32> to vector<16xi32>
      %gather3A_1595 = tpu.dynamic_gather %get3A_1585[%gather3A_1594] in [0] : vector<16xi32>, vector<16xi32> -> vector<16xi32>
      %mul3A_1596 = arith.constant 2 : i32
      %mul3A_1597 = vector.broadcast %mul3A_1596 : i32 to vector<16xi32>
      %mul3A_1598 = arith.muli %gather3A_1595, %mul3A_1597 : vector<16xi32>
      %add3A_1599 = arith.addi %mul3A_1598, %and3A_6 : vector<16xi32>
      %swap3A_1600 = arith.constant 2 : i32
      %swap3A_1601 = arith.index_cast %swap3A_1600 : i32 to index
      %swap3A_1602 = arith.constant 16 : index
      %swap3A_1603 = tpu.vector_load %arg6[%swap3A_1601, %swap3A_1602] {strides = array<i32>} : memref<3x128xi32, #tpu.memory_space<vmem>>, vector<1x16xi32>,
      %swap3A_1604 = vector.shape_cast %swap3A_1603 : vector<1x16xi32> to vector<16xi32>
      %swap3A_1605 = vector.shape_cast %add3A_1599 : vector<16xi32> to vector<1x16xi32>
      tpu.vector_store %arg6[%swap3A_1601, %swap3A_1602], %swap3A_1605 {strides = array<i32>} : memref<3x128xi32, #tpu.memory_space<vmem>>, vector<1x16xi32>,
      %add3A_1606 = arith.constant 16 : i32
      %add3A_1607 = arith.addi %multiple_of3A_1555, %add3A_1606 : i32
      %get3A_1608 = arith.index_cast %add3A_1607 : i32 to index
      %get3A_1609 = tpu.vector_load %arg5[%get3A_1608] {strides = array<i32>} : memref<3152xi32, #tpu.memory_space<vmem>>, vector<16xi32>,
      %get3A_1610 = vector.shape_cast %get3A_1609 : vector<16xi32> to vector<16xi32>
      %lt3A_1611 = arith.constant 0 : i32
      %lt3A_1612 = vector.broadcast %lt3A_1611 : i32 to vector<16xi32>
      %lt3A_1613 = arith.cmpi slt, %shift_right_arithmetic3A_4, %lt3A_1612 : vector<16xi32>
      %add3A_1614 = arith.constant 16 : i32
      %add3A_1615 = vector.broadcast %add3A_1614 : i32 to vector<16xi32>
      %add3A_1616 = arith.addi %shift_right_arithmetic3A_4, %add3A_1615 : vector<16xi32>
      %select_n3A_1617 = arith.select %lt3A_1613, %add3A_1616, %shift_right_arithmetic3A_4 : vector<16xi1>, vector<16xi32>
      %broadcast_in_dim3A_1618 = vector.shape_cast %select_n3A_1617 : vector<16xi32> to vector<16x1xi32>
      %gather3A_1619 = vector.shape_cast %broadcast_in_dim3A_1618 : vector<16x1xi32> to vector<16xi32>
      %gather3A_1620 = tpu.dynamic_gather %get3A_1610[%gather3A_1619] in [0] : vector<16xi32>, vector<16xi32> -> vector<16xi32>
      %mul3A_1621 = arith.constant 2 : i32
      %mul3A_1622 = vector.broadcast %mul3A_1621 : i32 to vector<16xi32>
      %mul3A_1623 = arith.muli %gather3A_1620, %mul3A_1622 : vector<16xi32>
      %add3A_1624 = arith.addi %mul3A_1623, %and3A_6 : vector<16xi32>
      %swap3A_1625 = arith.constant 2 : i32
      %swap3A_1626 = arith.index_cast %swap3A_1625 : i32 to index
      %swap3A_1627 = arith.constant 32 : index
      %swap3A_1628 = tpu.vector_load %arg6[%swap3A_1626, %swap3A_1627] {strides = array<i32>} : memref<3x128xi32, #tpu.memory_space<vmem>>, vector<1x16xi32>,
      %swap3A_1629 = vector.shape_cast %swap3A_1628 : vector<1x16xi32> to vector<16xi32>
      %swap3A_1630 = vector.shape_cast %add3A_1624 : vector<16xi32> to vector<1x16xi32>
      tpu.vector_store %arg6[%swap3A_1626, %swap3A_1627], %swap3A_1630 {strides = array<i32>} : memref<3x128xi32, #tpu.memory_space<vmem>>, vector<1x16xi32>,
      %add3A_1631 = arith.constant 24 : i32
      %add3A_1632 = arith.addi %multiple_of3A_1555, %add3A_1631 : i32
      %get3A_1633 = arith.index_cast %add3A_1632 : i32 to index
      %get3A_1634 = tpu.vector_load %arg5[%get3A_1633] {strides = array<i32>} : memref<3152xi32, #tpu.memory_space<vmem>>, vector<16xi32>,
      %get3A_1635 = vector.shape_cast %get3A_1634 : vector<16xi32> to vector<16xi32>
      %lt3A_1636 = arith.constant 0 : i32
      %lt3A_1637 = vector.broadcast %lt3A_1636 : i32 to vector<16xi32>
      %lt3A_1638 = arith.cmpi slt, %shift_right_arithmetic3A_4, %lt3A_1637 : vector<16xi32>
      %add3A_1639 = arith.constant 16 : i32
      %add3A_1640 = vector.broadcast %add3A_1639 : i32 to vector<16xi32>
      %add3A_1641 = arith.addi %shift_right_arithmetic3A_4, %add3A_1640 : vector<16xi32>
      %select_n3A_1642 = arith.select %lt3A_1638, %add3A_1641, %shift_right_arithmetic3A_4 : vector<16xi1>, vector<16xi32>
      %broadcast_in_dim3A_1643 = vector.shape_cast %select_n3A_1642 : vector<16xi32> to vector<16x1xi32>
      %gather3A_1644 = vector.shape_cast %broadcast_in_dim3A_1643 : vector<16x1xi32> to vector<16xi32>
      %gather3A_1645 = tpu.dynamic_gather %get3A_1635[%gather3A_1644] in [0] : vector<16xi32>, vector<16xi32> -> vector<16xi32>
      %mul3A_1646 = arith.constant 2 : i32
      %mul3A_1647 = vector.broadcast %mul3A_1646 : i32 to vector<16xi32>
      %mul3A_1648 = arith.muli %gather3A_1645, %mul3A_1647 : vector<16xi32>
      %add3A_1649 = arith.addi %mul3A_1648, %and3A_6 : vector<16xi32>
      %swap3A_1650 = arith.constant 2 : i32
      %swap3A_1651 = arith.index_cast %swap3A_1650 : i32 to index
      %swap3A_1652 = arith.constant 48 : index
      %swap3A_1653 = tpu.vector_load %arg6[%swap3A_1651, %swap3A_1652] {strides = array<i32>} : memref<3x128xi32, #tpu.memory_space<vmem>>, vector<1x16xi32>,
      %swap3A_1654 = vector.shape_cast %swap3A_1653 : vector<1x16xi32> to vector<16xi32>
      %swap3A_1655 = vector.shape_cast %add3A_1649 : vector<16xi32> to vector<1x16xi32>
      tpu.vector_store %arg6[%swap3A_1651, %swap3A_1652], %swap3A_1655 {strides = array<i32>} : memref<3x128xi32, #tpu.memory_space<vmem>>, vector<1x16xi32>,
      %add3A_1656 = arith.constant 32 : i32
      %add3A_1657 = arith.addi %multiple_of3A_1555, %add3A_1656 : i32
      %get3A_1658 = arith.index_cast %add3A_1657 : i32 to index
      %get3A_1659 = tpu.vector_load %arg5[%get3A_1658] {strides = array<i32>} : memref<3152xi32, #tpu.memory_space<vmem>>, vector<16xi32>,
      %get3A_1660 = vector.shape_cast %get3A_1659 : vector<16xi32> to vector<16xi32>
      %lt3A_1661 = arith.constant 0 : i32
      %lt3A_1662 = vector.broadcast %lt3A_1661 : i32 to vector<16xi32>
      %lt3A_1663 = arith.cmpi slt, %shift_right_arithmetic3A_4, %lt3A_1662 : vector<16xi32>
      %add3A_1664 = arith.constant 16 : i32
      %add3A_1665 = vector.broadcast %add3A_1664 : i32 to vector<16xi32>
      %add3A_1666 = arith.addi %shift_right_arithmetic3A_4, %add3A_1665 : vector<16xi32>
      %select_n3A_1667 = arith.select %lt3A_1663, %add3A_1666, %shift_right_arithmetic3A_4 : vector<16xi1>, vector<16xi32>
      %broadcast_in_dim3A_1668 = vector.shape_cast %select_n3A_1667 : vector<16xi32> to vector<16x1xi32>
      %gather3A_1669 = vector.shape_cast %broadcast_in_dim3A_1668 : vector<16x1xi32> to vector<16xi32>
      %gather3A_1670 = tpu.dynamic_gather %get3A_1660[%gather3A_1669] in [0] : vector<16xi32>, vector<16xi32> -> vector<16xi32>
      %mul3A_1671 = arith.constant 2 : i32
      %mul3A_1672 = vector.broadcast %mul3A_1671 : i32 to vector<16xi32>
      %mul3A_1673 = arith.muli %gather3A_1670, %mul3A_1672 : vector<16xi32>
      %add3A_1674 = arith.addi %mul3A_1673, %and3A_6 : vector<16xi32>
      %swap3A_1675 = arith.constant 2 : i32
      %swap3A_1676 = arith.index_cast %swap3A_1675 : i32 to index
      %swap3A_1677 = arith.constant 64 : index
      %swap3A_1678 = tpu.vector_load %arg6[%swap3A_1676, %swap3A_1677] {strides = array<i32>} : memref<3x128xi32, #tpu.memory_space<vmem>>, vector<1x16xi32>,
      %swap3A_1679 = vector.shape_cast %swap3A_1678 : vector<1x16xi32> to vector<16xi32>
      %swap3A_1680 = vector.shape_cast %add3A_1674 : vector<16xi32> to vector<1x16xi32>
      tpu.vector_store %arg6[%swap3A_1676, %swap3A_1677], %swap3A_1680 {strides = array<i32>} : memref<3x128xi32, #tpu.memory_space<vmem>>, vector<1x16xi32>,
      %add3A_1681 = arith.constant 40 : i32
      %add3A_1682 = arith.addi %multiple_of3A_1555, %add3A_1681 : i32
      %get3A_1683 = arith.index_cast %add3A_1682 : i32 to index
      %get3A_1684 = tpu.vector_load %arg5[%get3A_1683] {strides = array<i32>} : memref<3152xi32, #tpu.memory_space<vmem>>, vector<16xi32>,
      %get3A_1685 = vector.shape_cast %get3A_1684 : vector<16xi32> to vector<16xi32>
      %lt3A_1686 = arith.constant 0 : i32
      %lt3A_1687 = vector.broadcast %lt3A_1686 : i32 to vector<16xi32>
      %lt3A_1688 = arith.cmpi slt, %shift_right_arithmetic3A_4, %lt3A_1687 : vector<16xi32>
      %add3A_1689 = arith.constant 16 : i32
      %add3A_1690 = vector.broadcast %add3A_1689 : i32 to vector<16xi32>
      %add3A_1691 = arith.addi %shift_right_arithmetic3A_4, %add3A_1690 : vector<16xi32>
      %select_n3A_1692 = arith.select %lt3A_1688, %add3A_1691, %shift_right_arithmetic3A_4 : vector<16xi1>, vector<16xi32>
      %broadcast_in_dim3A_1693 = vector.shape_cast %select_n3A_1692 : vector<16xi32> to vector<16x1xi32>
      %gather3A_1694 = vector.shape_cast %broadcast_in_dim3A_1693 : vector<16x1xi32> to vector<16xi32>
      %gather3A_1695 = tpu.dynamic_gather %get3A_1685[%gather3A_1694] in [0] : vector<16xi32>, vector<16xi32> -> vector<16xi32>
      %mul3A_1696 = arith.constant 2 : i32
      %mul3A_1697 = vector.broadcast %mul3A_1696 : i32 to vector<16xi32>
      %mul3A_1698 = arith.muli %gather3A_1695, %mul3A_1697 : vector<16xi32>
      %add3A_1699 = arith.addi %mul3A_1698, %and3A_6 : vector<16xi32>
      %swap3A_1700 = arith.constant 2 : i32
      %swap3A_1701 = arith.index_cast %swap3A_1700 : i32 to index
      %swap3A_1702 = arith.constant 80 : index
      %swap3A_1703 = tpu.vector_load %arg6[%swap3A_1701, %swap3A_1702] {strides = array<i32>} : memref<3x128xi32, #tpu.memory_space<vmem>>, vector<1x16xi32>,
      %swap3A_1704 = vector.shape_cast %swap3A_1703 : vector<1x16xi32> to vector<16xi32>
      %swap3A_1705 = vector.shape_cast %add3A_1699 : vector<16xi32> to vector<1x16xi32>
      tpu.vector_store %arg6[%swap3A_1701, %swap3A_1702], %swap3A_1705 {strides = array<i32>} : memref<3x128xi32, #tpu.memory_space<vmem>>, vector<1x16xi32>,
      %add3A_1706 = arith.constant 48 : i32
      %add3A_1707 = arith.addi %multiple_of3A_1555, %add3A_1706 : i32
      %get3A_1708 = arith.index_cast %add3A_1707 : i32 to index
      %get3A_1709 = tpu.vector_load %arg5[%get3A_1708] {strides = array<i32>} : memref<3152xi32, #tpu.memory_space<vmem>>, vector<16xi32>,
      %get3A_1710 = vector.shape_cast %get3A_1709 : vector<16xi32> to vector<16xi32>
      %lt3A_1711 = arith.constant 0 : i32
      %lt3A_1712 = vector.broadcast %lt3A_1711 : i32 to vector<16xi32>
      %lt3A_1713 = arith.cmpi slt, %shift_right_arithmetic3A_4, %lt3A_1712 : vector<16xi32>
      %add3A_1714 = arith.constant 16 : i32
      %add3A_1715 = vector.broadcast %add3A_1714 : i32 to vector<16xi32>
      %add3A_1716 = arith.addi %shift_right_arithmetic3A_4, %add3A_1715 : vector<16xi32>
      %select_n3A_1717 = arith.select %lt3A_1713, %add3A_1716, %shift_right_arithmetic3A_4 : vector<16xi1>, vector<16xi32>
      %broadcast_in_dim3A_1718 = vector.shape_cast %select_n3A_1717 : vector<16xi32> to vector<16x1xi32>
      %gather3A_1719 = vector.shape_cast %broadcast_in_dim3A_1718 : vector<16x1xi32> to vector<16xi32>
      %gather3A_1720 = tpu.dynamic_gather %get3A_1710[%gather3A_1719] in [0] : vector<16xi32>, vector<16xi32> -> vector<16xi32>
      %mul3A_1721 = arith.constant 2 : i32
      %mul3A_1722 = vector.broadcast %mul3A_1721 : i32 to vector<16xi32>
      %mul3A_1723 = arith.muli %gather3A_1720, %mul3A_1722 : vector<16xi32>
      %add3A_1724 = arith.addi %mul3A_1723, %and3A_6 : vector<16xi32>
      %swap3A_1725 = arith.constant 2 : i32
      %swap3A_1726 = arith.index_cast %swap3A_1725 : i32 to index
      %swap3A_1727 = arith.constant 96 : index
      %swap3A_1728 = tpu.vector_load %arg6[%swap3A_1726, %swap3A_1727] {strides = array<i32>} : memref<3x128xi32, #tpu.memory_space<vmem>>, vector<1x16xi32>,
      %swap3A_1729 = vector.shape_cast %swap3A_1728 : vector<1x16xi32> to vector<16xi32>
      %swap3A_1730 = vector.shape_cast %add3A_1724 : vector<16xi32> to vector<1x16xi32>
      tpu.vector_store %arg6[%swap3A_1726, %swap3A_1727], %swap3A_1730 {strides = array<i32>} : memref<3x128xi32, #tpu.memory_space<vmem>>, vector<1x16xi32>,
      %add3A_1731 = arith.constant 56 : i32
      %add3A_1732 = arith.addi %multiple_of3A_1555, %add3A_1731 : i32
      %get3A_1733 = arith.index_cast %add3A_1732 : i32 to index
      %get3A_1734 = tpu.vector_load %arg5[%get3A_1733] {strides = array<i32>} : memref<3152xi32, #tpu.memory_space<vmem>>, vector<16xi32>,
      %get3A_1735 = vector.shape_cast %get3A_1734 : vector<16xi32> to vector<16xi32>
      %lt3A_1736 = arith.constant 0 : i32
      %lt3A_1737 = vector.broadcast %lt3A_1736 : i32 to vector<16xi32>
      %lt3A_1738 = arith.cmpi slt, %shift_right_arithmetic3A_4, %lt3A_1737 : vector<16xi32>
      %add3A_1739 = arith.constant 16 : i32
      %add3A_1740 = vector.broadcast %add3A_1739 : i32 to vector<16xi32>
      %add3A_1741 = arith.addi %shift_right_arithmetic3A_4, %add3A_1740 : vector<16xi32>
      %select_n3A_1742 = arith.select %lt3A_1738, %add3A_1741, %shift_right_arithmetic3A_4 : vector<16xi1>, vector<16xi32>
      %broadcast_in_dim3A_1743 = vector.shape_cast %select_n3A_1742 : vector<16xi32> to vector<16x1xi32>
      %gather3A_1744 = vector.shape_cast %broadcast_in_dim3A_1743 : vector<16x1xi32> to vector<16xi32>
      %gather3A_1745 = tpu.dynamic_gather %get3A_1735[%gather3A_1744] in [0] : vector<16xi32>, vector<16xi32> -> vector<16xi32>
      %mul3A_1746 = arith.constant 2 : i32
      %mul3A_1747 = vector.broadcast %mul3A_1746 : i32 to vector<16xi32>
      %mul3A_1748 = arith.muli %gather3A_1745, %mul3A_1747 : vector<16xi32>
      %add3A_1749 = arith.addi %mul3A_1748, %and3A_6 : vector<16xi32>
      %swap3A_1750 = arith.constant 2 : i32
      %swap3A_1751 = arith.index_cast %swap3A_1750 : i32 to index
      %swap3A_1752 = arith.constant 112 : index
      %swap3A_1753 = tpu.vector_load %arg6[%swap3A_1751, %swap3A_1752] {strides = array<i32>} : memref<3x128xi32, #tpu.memory_space<vmem>>, vector<1x16xi32>,
      %swap3A_1754 = vector.shape_cast %swap3A_1753 : vector<1x16xi32> to vector<16xi32>
      %swap3A_1755 = vector.shape_cast %add3A_1749 : vector<16xi32> to vector<1x16xi32>
      tpu.vector_store %arg6[%swap3A_1751, %swap3A_1752], %swap3A_1755 {strides = array<i32>} : memref<3x128xi32, #tpu.memory_space<vmem>>, vector<1x16xi32>,
      %dma_start3A_1756 = arith.constant 2 : i32
      %dma_start3A_1757 = arith.constant 0 : i32
      %dma_start3A_1758 = tpu.memref_slice %arg6[%dma_start3A_1756, %dma_start3A_1757] : memref<3x128xi32, #tpu.memory_space<vmem>> -> memref<1x128xi32, #tpu.memory_space<vmem>>
      %dma_start3A_1759 = tpu.memref_squeeze %dma_start3A_1758 : memref<1x128xi32, #tpu.memory_space<vmem>> -> memref<128xi32, #tpu.memory_space<vmem>>
      %dma_start3A_1760 = arith.constant 0 : i32
      %dma_start3A_1761 = arith.constant 0 : i32
      %dma_start3A_1762 = tpu.memref_slice %arg2[%dma_start3A_1760, %dma_start3A_1761] : memref<50000x128xf32, #tpu.memory_space<hbm>> -> memref<50000x128xf32, #tpu.memory_space<hbm>>
      tpu.enqueue_indirect_dma source(%dma_start3A_1762 : memref<50000x128xf32, #tpu.memory_space<hbm>>) target(%arg9 : memref<128x128xf32, #tpu.memory_space<vmem>>) offsets(%dma_start3A_1759 : memref<128xi32, #tpu.memory_space<vmem>>) semaphore(%arg12 : memref<!tpu.dma_semaphore, #tpu.memory_space<semaphore_mem>>)
    }
    %scan3A_649 = arith.constant 15 : i32
    %dma_wait3A_650 = arith.constant 1 : i32
    %dma_wait3A_651 = arith.constant 0 : i32
    %dma_wait3A_652 = tpu.memref_slice %arg6[%dma_wait3A_650, %dma_wait3A_651] : memref<3x128xi32, #tpu.memory_space<vmem>> -> memref<1x128xi32, #tpu.memory_space<vmem>>
    %dma_wait3A_653 = tpu.memref_squeeze %dma_wait3A_652 : memref<1x128xi32, #tpu.memory_space<vmem>> -> memref<128xi32, #tpu.memory_space<vmem>>
    %dma_wait3A_654 = arith.constant 0 : i32
    %dma_wait3A_655 = arith.constant 0 : i32
    %dma_wait3A_656 = tpu.memref_slice %arg2[%dma_wait3A_654, %dma_wait3A_655] : memref<50000x128xf32, #tpu.memory_space<hbm>> -> memref<50000x128xf32, #tpu.memory_space<hbm>>
    tpu.wait_indirect_dma semaphore(%arg11 : memref<!tpu.dma_semaphore, #tpu.memory_space<semaphore_mem>>) src(%dma_wait3A_656 : memref<50000x128xf32, #tpu.memory_space<hbm>>) dst(%arg8 : memref<128x128xf32, #tpu.memory_space<vmem>>)
    %mul3A_657 = arith.constant 49 : i32
    %mul3A_658 = arith.muli %add3A, %mul3A_657 : i32
    %add3A_659 = arith.constant 46 : i32
    %add3A_660 = arith.addi %mul3A_658, %add3A_659 : i32
    %mul3A_661 = arith.constant 128 : i32
    %mul3A_662 = arith.muli %add3A_660, %mul3A_661 : i32
    %lt3A_663 = arith.constant 1562 : i32
    %lt3A_664 = arith.cmpi slt, %add3A_660, %lt3A_663 : i32
    %convert_element_type3A_665 = arith.extui %lt3A_664 : i1 to i32
    %cond3A_666 = arith.constant 0 : i32
    %cond3A_667 = arith.cmpi ne, %convert_element_type3A_665, %cond3A_666 : i32
    scf.if %cond3A_667 {
      %dma_start3A_992 = arith.constant 0 : i32
      %dma_start3A_993 = tpu.memref_slice %arg4[%mul3A_662, %dma_start3A_992] : memref<200000x128xf32, #tpu.memory_space<hbm>> -> memref<128x128xf32, #tpu.memory_space<hbm>>
      %dma_start3A_994 = arith.constant 0 : i32
      %dma_start3A_995 = tpu.memref_slice %arg4[%mul3A_662, %dma_start3A_994] : memref<200000x128xf32, #tpu.memory_space<hbm>> -> memref<128x128xf32, #tpu.memory_space<hbm>>
      tpu.enqueue_dma source(%arg8 : memref<128x128xf32, #tpu.memory_space<vmem>>) target(%dma_start3A_995 : memref<128x128xf32, #tpu.memory_space<hbm>>) target_semaphore(%arg14 : memref<!tpu.dma_semaphore, #tpu.memory_space<semaphore_mem>>)
    } else {
    }
    %eq3A_668 = arith.constant 1562 : i32
    %eq3A_669 = arith.cmpi eq, %add3A_660, %eq3A_668 : i32
    %convert_element_type3A_670 = arith.extui %eq3A_669 : i1 to i32
    %cond3A_671 = arith.constant 0 : i32
    %cond3A_672 = arith.cmpi ne, %convert_element_type3A_670, %cond3A_671 : i32
    scf.if %cond3A_672 {
      %dma_start3A_992 = arith.constant 0 : i32
      %dma_start3A_993 = arith.constant 0 : i32
      %dma_start3A_994 = tpu.memref_slice %arg8[%dma_start3A_992, %dma_start3A_993] : memref<128x128xf32, #tpu.memory_space<vmem>> -> memref<64x128xf32, #tpu.memory_space<vmem>>
      %dma_start3A_995 = arith.constant 199936 : i32
      %dma_start3A_996 = arith.constant 0 : i32
      %dma_start3A_997 = tpu.memref_slice %arg4[%dma_start3A_995, %dma_start3A_996] : memref<200000x128xf32, #tpu.memory_space<hbm>> -> memref<64x128xf32, #tpu.memory_space<hbm>>
      %dma_start3A_998 = arith.constant 199936 : i32
      %dma_start3A_999 = arith.constant 0 : i32
      %dma_start3A_1000 = tpu.memref_slice %arg4[%dma_start3A_998, %dma_start3A_999] : memref<200000x128xf32, #tpu.memory_space<hbm>> -> memref<64x128xf32, #tpu.memory_space<hbm>>
      %dma_start3A_1001 = arith.constant 0 : i32
      %dma_start3A_1002 = arith.constant 0 : i32
      %dma_start3A_1003 = tpu.memref_slice %arg8[%dma_start3A_1001, %dma_start3A_1002] : memref<128x128xf32, #tpu.memory_space<vmem>> -> memref<64x128xf32, #tpu.memory_space<vmem>>
      tpu.enqueue_dma source(%dma_start3A_1003 : memref<64x128xf32, #tpu.memory_space<vmem>>) target(%dma_start3A_1000 : memref<64x128xf32, #tpu.memory_space<hbm>>) target_semaphore(%arg14 : memref<!tpu.dma_semaphore, #tpu.memory_space<semaphore_mem>>)
    } else {
    }
    %mul3A_673 = arith.constant 49 : i32
    %mul3A_674 = arith.muli %add3A, %mul3A_673 : i32
    %add3A_675 = arith.constant 45 : i32
    %add3A_676 = arith.addi %mul3A_674, %add3A_675 : i32
    %mul3A_677 = arith.constant 128 : i32
    %mul3A_678 = arith.muli %add3A_676, %mul3A_677 : i32
    %lt3A_679 = arith.constant 1562 : i32
    %lt3A_680 = arith.cmpi slt, %add3A_676, %lt3A_679 : i32
    %convert_element_type3A_681 = arith.extui %lt3A_680 : i1 to i32
    %cond3A_682 = arith.constant 0 : i32
    %cond3A_683 = arith.cmpi ne, %convert_element_type3A_681, %cond3A_682 : i32
    scf.if %cond3A_683 {
      %dma_wait3A_992 = arith.constant 0 : i32
      %dma_wait3A_993 = tpu.memref_slice %arg4[%mul3A_678, %dma_wait3A_992] : memref<200000x128xf32, #tpu.memory_space<hbm>> -> memref<128x128xf32, #tpu.memory_space<hbm>>
      %dma_wait3A_994 = arith.constant 0 : i32
      %dma_wait3A_995 = tpu.memref_slice %arg4[%mul3A_678, %dma_wait3A_994] : memref<200000x128xf32, #tpu.memory_space<hbm>> -> memref<128x128xf32, #tpu.memory_space<hbm>>
      tpu.wait_dma2 semaphore(%arg13 : memref<!tpu.dma_semaphore, #tpu.memory_space<semaphore_mem>>) src(%arg7 : memref<128x128xf32, #tpu.memory_space<vmem>>) dst(%dma_wait3A_995 : memref<128x128xf32, #tpu.memory_space<hbm>>)
    } else {
    }
    %eq3A_684 = arith.constant 1562 : i32
    %eq3A_685 = arith.cmpi eq, %add3A_676, %eq3A_684 : i32
    %convert_element_type3A_686 = arith.extui %eq3A_685 : i1 to i32
    %cond3A_687 = arith.constant 0 : i32
    %cond3A_688 = arith.cmpi ne, %convert_element_type3A_686, %cond3A_687 : i32
    scf.if %cond3A_688 {
      %dma_wait3A_992 = arith.constant 0 : i32
      %dma_wait3A_993 = arith.constant 0 : i32
      %dma_wait3A_994 = tpu.memref_slice %arg7[%dma_wait3A_992, %dma_wait3A_993] : memref<128x128xf32, #tpu.memory_space<vmem>> -> memref<64x128xf32, #tpu.memory_space<vmem>>
      %dma_wait3A_995 = arith.constant 199936 : i32
      %dma_wait3A_996 = arith.constant 0 : i32
      %dma_wait3A_997 = tpu.memref_slice %arg4[%dma_wait3A_995, %dma_wait3A_996] : memref<200000x128xf32, #tpu.memory_space<hbm>> -> memref<64x128xf32, #tpu.memory_space<hbm>>
      %dma_wait3A_998 = arith.constant 199936 : i32
      %dma_wait3A_999 = arith.constant 0 : i32
      %dma_wait3A_1000 = tpu.memref_slice %arg4[%dma_wait3A_998, %dma_wait3A_999] : memref<200000x128xf32, #tpu.memory_space<hbm>> -> memref<64x128xf32, #tpu.memory_space<hbm>>
      %dma_wait3A_1001 = arith.constant 0 : i32
      %dma_wait3A_1002 = arith.constant 0 : i32
      %dma_wait3A_1003 = tpu.memref_slice %arg7[%dma_wait3A_1001, %dma_wait3A_1002] : memref<128x128xf32, #tpu.memory_space<vmem>> -> memref<64x128xf32, #tpu.memory_space<vmem>>
      tpu.wait_dma2 semaphore(%arg13 : memref<!tpu.dma_semaphore, #tpu.memory_space<semaphore_mem>>) src(%dma_wait3A_1003 : memref<64x128xf32, #tpu.memory_space<vmem>>) dst(%dma_wait3A_1000 : memref<64x128xf32, #tpu.memory_space<hbm>>)
    } else {
    }
    %multiple_of3A_689 = arith.constant 3072 : i32
    %multiple_of3A_690 = tpu.assume_multiple %multiple_of3A_689, 64 : i32
    %add3A_691 = arith.constant 0 : i32
    %add3A_692 = arith.addi %multiple_of3A_690, %add3A_691 : i32
    %get3A_693 = arith.index_cast %add3A_692 : i32 to index
    %get3A_694 = tpu.vector_load %arg5[%get3A_693] {strides = array<i32>} : memref<3152xi32, #tpu.memory_space<vmem>>, vector<16xi32>,
    %get3A_695 = vector.shape_cast %get3A_694 : vector<16xi32> to vector<16xi32>
    %lt3A_696 = arith.constant 0 : i32
    %lt3A_697 = vector.broadcast %lt3A_696 : i32 to vector<16xi32>
    %lt3A_698 = arith.cmpi slt, %shift_right_arithmetic3A_4, %lt3A_697 : vector<16xi32>
    %add3A_699 = arith.constant 16 : i32
    %add3A_700 = vector.broadcast %add3A_699 : i32 to vector<16xi32>
    %add3A_701 = arith.addi %shift_right_arithmetic3A_4, %add3A_700 : vector<16xi32>
    %select_n3A_702 = arith.select %lt3A_698, %add3A_701, %shift_right_arithmetic3A_4 : vector<16xi1>, vector<16xi32>
    %broadcast_in_dim3A_703 = vector.shape_cast %select_n3A_702 : vector<16xi32> to vector<16x1xi32>
    %gather3A_704 = vector.shape_cast %broadcast_in_dim3A_703 : vector<16x1xi32> to vector<16xi32>
    %gather3A_705 = tpu.dynamic_gather %get3A_695[%gather3A_704] in [0] : vector<16xi32>, vector<16xi32> -> vector<16xi32>
    %mul3A_706 = arith.constant 2 : i32
    %mul3A_707 = vector.broadcast %mul3A_706 : i32 to vector<16xi32>
    %mul3A_708 = arith.muli %gather3A_705, %mul3A_707 : vector<16xi32>
    %add3A_709 = arith.addi %mul3A_708, %and3A_6 : vector<16xi32>
    %swap3A_710 = arith.constant 0 : i32
    %swap3A_711 = arith.index_cast %swap3A_710 : i32 to index
    %swap3A_712 = arith.constant 0 : index
    %swap3A_713 = tpu.vector_load %arg6[%swap3A_711, %swap3A_712] {strides = array<i32>} : memref<3x128xi32, #tpu.memory_space<vmem>>, vector<1x16xi32>,
    %swap3A_714 = vector.shape_cast %swap3A_713 : vector<1x16xi32> to vector<16xi32>
    %swap3A_715 = vector.shape_cast %add3A_709 : vector<16xi32> to vector<1x16xi32>
    tpu.vector_store %arg6[%swap3A_711, %swap3A_712], %swap3A_715 {strides = array<i32>} : memref<3x128xi32, #tpu.memory_space<vmem>>, vector<1x16xi32>,
    %add3A_716 = arith.constant 8 : i32
    %add3A_717 = arith.addi %multiple_of3A_690, %add3A_716 : i32
    %get3A_718 = arith.index_cast %add3A_717 : i32 to index
    %get3A_719 = tpu.vector_load %arg5[%get3A_718] {strides = array<i32>} : memref<3152xi32, #tpu.memory_space<vmem>>, vector<16xi32>,
    %get3A_720 = vector.shape_cast %get3A_719 : vector<16xi32> to vector<16xi32>
    %lt3A_721 = arith.constant 0 : i32
    %lt3A_722 = vector.broadcast %lt3A_721 : i32 to vector<16xi32>
    %lt3A_723 = arith.cmpi slt, %shift_right_arithmetic3A_4, %lt3A_722 : vector<16xi32>
    %add3A_724 = arith.constant 16 : i32
    %add3A_725 = vector.broadcast %add3A_724 : i32 to vector<16xi32>
    %add3A_726 = arith.addi %shift_right_arithmetic3A_4, %add3A_725 : vector<16xi32>
    %select_n3A_727 = arith.select %lt3A_723, %add3A_726, %shift_right_arithmetic3A_4 : vector<16xi1>, vector<16xi32>
    %broadcast_in_dim3A_728 = vector.shape_cast %select_n3A_727 : vector<16xi32> to vector<16x1xi32>
    %gather3A_729 = vector.shape_cast %broadcast_in_dim3A_728 : vector<16x1xi32> to vector<16xi32>
    %gather3A_730 = tpu.dynamic_gather %get3A_720[%gather3A_729] in [0] : vector<16xi32>, vector<16xi32> -> vector<16xi32>
    %mul3A_731 = arith.constant 2 : i32
    %mul3A_732 = vector.broadcast %mul3A_731 : i32 to vector<16xi32>
    %mul3A_733 = arith.muli %gather3A_730, %mul3A_732 : vector<16xi32>
    %add3A_734 = arith.addi %mul3A_733, %and3A_6 : vector<16xi32>
    %swap3A_735 = arith.constant 0 : i32
    %swap3A_736 = arith.index_cast %swap3A_735 : i32 to index
    %swap3A_737 = arith.constant 16 : index
    %swap3A_738 = tpu.vector_load %arg6[%swap3A_736, %swap3A_737] {strides = array<i32>} : memref<3x128xi32, #tpu.memory_space<vmem>>, vector<1x16xi32>,
    %swap3A_739 = vector.shape_cast %swap3A_738 : vector<1x16xi32> to vector<16xi32>
    %swap3A_740 = vector.shape_cast %add3A_734 : vector<16xi32> to vector<1x16xi32>
    tpu.vector_store %arg6[%swap3A_736, %swap3A_737], %swap3A_740 {strides = array<i32>} : memref<3x128xi32, #tpu.memory_space<vmem>>, vector<1x16xi32>,
    %add3A_741 = arith.constant 16 : i32
    %add3A_742 = arith.addi %multiple_of3A_690, %add3A_741 : i32
    %get3A_743 = arith.index_cast %add3A_742 : i32 to index
    %get3A_744 = tpu.vector_load %arg5[%get3A_743] {strides = array<i32>} : memref<3152xi32, #tpu.memory_space<vmem>>, vector<16xi32>,
    %get3A_745 = vector.shape_cast %get3A_744 : vector<16xi32> to vector<16xi32>
    %lt3A_746 = arith.constant 0 : i32
    %lt3A_747 = vector.broadcast %lt3A_746 : i32 to vector<16xi32>
    %lt3A_748 = arith.cmpi slt, %shift_right_arithmetic3A_4, %lt3A_747 : vector<16xi32>
    %add3A_749 = arith.constant 16 : i32
    %add3A_750 = vector.broadcast %add3A_749 : i32 to vector<16xi32>
    %add3A_751 = arith.addi %shift_right_arithmetic3A_4, %add3A_750 : vector<16xi32>
    %select_n3A_752 = arith.select %lt3A_748, %add3A_751, %shift_right_arithmetic3A_4 : vector<16xi1>, vector<16xi32>
    %broadcast_in_dim3A_753 = vector.shape_cast %select_n3A_752 : vector<16xi32> to vector<16x1xi32>
    %gather3A_754 = vector.shape_cast %broadcast_in_dim3A_753 : vector<16x1xi32> to vector<16xi32>
    %gather3A_755 = tpu.dynamic_gather %get3A_745[%gather3A_754] in [0] : vector<16xi32>, vector<16xi32> -> vector<16xi32>
    %mul3A_756 = arith.constant 2 : i32
    %mul3A_757 = vector.broadcast %mul3A_756 : i32 to vector<16xi32>
    %mul3A_758 = arith.muli %gather3A_755, %mul3A_757 : vector<16xi32>
    %add3A_759 = arith.addi %mul3A_758, %and3A_6 : vector<16xi32>
    %swap3A_760 = arith.constant 0 : i32
    %swap3A_761 = arith.index_cast %swap3A_760 : i32 to index
    %swap3A_762 = arith.constant 32 : index
    %swap3A_763 = tpu.vector_load %arg6[%swap3A_761, %swap3A_762] {strides = array<i32>} : memref<3x128xi32, #tpu.memory_space<vmem>>, vector<1x16xi32>,
    %swap3A_764 = vector.shape_cast %swap3A_763 : vector<1x16xi32> to vector<16xi32>
    %swap3A_765 = vector.shape_cast %add3A_759 : vector<16xi32> to vector<1x16xi32>
    tpu.vector_store %arg6[%swap3A_761, %swap3A_762], %swap3A_765 {strides = array<i32>} : memref<3x128xi32, #tpu.memory_space<vmem>>, vector<1x16xi32>,
    %add3A_766 = arith.constant 24 : i32
    %add3A_767 = arith.addi %multiple_of3A_690, %add3A_766 : i32
    %get3A_768 = arith.index_cast %add3A_767 : i32 to index
    %get3A_769 = tpu.vector_load %arg5[%get3A_768] {strides = array<i32>} : memref<3152xi32, #tpu.memory_space<vmem>>, vector<16xi32>,
    %get3A_770 = vector.shape_cast %get3A_769 : vector<16xi32> to vector<16xi32>
    %lt3A_771 = arith.constant 0 : i32
    %lt3A_772 = vector.broadcast %lt3A_771 : i32 to vector<16xi32>
    %lt3A_773 = arith.cmpi slt, %shift_right_arithmetic3A_4, %lt3A_772 : vector<16xi32>
    %add3A_774 = arith.constant 16 : i32
    %add3A_775 = vector.broadcast %add3A_774 : i32 to vector<16xi32>
    %add3A_776 = arith.addi %shift_right_arithmetic3A_4, %add3A_775 : vector<16xi32>
    %select_n3A_777 = arith.select %lt3A_773, %add3A_776, %shift_right_arithmetic3A_4 : vector<16xi1>, vector<16xi32>
    %broadcast_in_dim3A_778 = vector.shape_cast %select_n3A_777 : vector<16xi32> to vector<16x1xi32>
    %gather3A_779 = vector.shape_cast %broadcast_in_dim3A_778 : vector<16x1xi32> to vector<16xi32>
    %gather3A_780 = tpu.dynamic_gather %get3A_770[%gather3A_779] in [0] : vector<16xi32>, vector<16xi32> -> vector<16xi32>
    %mul3A_781 = arith.constant 2 : i32
    %mul3A_782 = vector.broadcast %mul3A_781 : i32 to vector<16xi32>
    %mul3A_783 = arith.muli %gather3A_780, %mul3A_782 : vector<16xi32>
    %add3A_784 = arith.addi %mul3A_783, %and3A_6 : vector<16xi32>
    %swap3A_785 = arith.constant 0 : i32
    %swap3A_786 = arith.index_cast %swap3A_785 : i32 to index
    %swap3A_787 = arith.constant 48 : index
    %swap3A_788 = tpu.vector_load %arg6[%swap3A_786, %swap3A_787] {strides = array<i32>} : memref<3x128xi32, #tpu.memory_space<vmem>>, vector<1x16xi32>,
    %swap3A_789 = vector.shape_cast %swap3A_788 : vector<1x16xi32> to vector<16xi32>
    %swap3A_790 = vector.shape_cast %add3A_784 : vector<16xi32> to vector<1x16xi32>
    tpu.vector_store %arg6[%swap3A_786, %swap3A_787], %swap3A_790 {strides = array<i32>} : memref<3x128xi32, #tpu.memory_space<vmem>>, vector<1x16xi32>,
    %add3A_791 = arith.constant 32 : i32
    %add3A_792 = arith.addi %multiple_of3A_690, %add3A_791 : i32
    %get3A_793 = arith.index_cast %add3A_792 : i32 to index
    %get3A_794 = tpu.vector_load %arg5[%get3A_793] {strides = array<i32>} : memref<3152xi32, #tpu.memory_space<vmem>>, vector<16xi32>,
    %get3A_795 = vector.shape_cast %get3A_794 : vector<16xi32> to vector<16xi32>
    %lt3A_796 = arith.constant 0 : i32
    %lt3A_797 = vector.broadcast %lt3A_796 : i32 to vector<16xi32>
    %lt3A_798 = arith.cmpi slt, %shift_right_arithmetic3A_4, %lt3A_797 : vector<16xi32>
    %add3A_799 = arith.constant 16 : i32
    %add3A_800 = vector.broadcast %add3A_799 : i32 to vector<16xi32>
    %add3A_801 = arith.addi %shift_right_arithmetic3A_4, %add3A_800 : vector<16xi32>
    %select_n3A_802 = arith.select %lt3A_798, %add3A_801, %shift_right_arithmetic3A_4 : vector<16xi1>, vector<16xi32>
    %broadcast_in_dim3A_803 = vector.shape_cast %select_n3A_802 : vector<16xi32> to vector<16x1xi32>
    %gather3A_804 = vector.shape_cast %broadcast_in_dim3A_803 : vector<16x1xi32> to vector<16xi32>
    %gather3A_805 = tpu.dynamic_gather %get3A_795[%gather3A_804] in [0] : vector<16xi32>, vector<16xi32> -> vector<16xi32>
    %mul3A_806 = arith.constant 2 : i32
    %mul3A_807 = vector.broadcast %mul3A_806 : i32 to vector<16xi32>
    %mul3A_808 = arith.muli %gather3A_805, %mul3A_807 : vector<16xi32>
    %add3A_809 = arith.addi %mul3A_808, %and3A_6 : vector<16xi32>
    %swap3A_810 = arith.constant 0 : i32
    %swap3A_811 = arith.index_cast %swap3A_810 : i32 to index
    %swap3A_812 = arith.constant 64 : index
    %swap3A_813 = tpu.vector_load %arg6[%swap3A_811, %swap3A_812] {strides = array<i32>} : memref<3x128xi32, #tpu.memory_space<vmem>>, vector<1x16xi32>,
    %swap3A_814 = vector.shape_cast %swap3A_813 : vector<1x16xi32> to vector<16xi32>
    %swap3A_815 = vector.shape_cast %add3A_809 : vector<16xi32> to vector<1x16xi32>
    tpu.vector_store %arg6[%swap3A_811, %swap3A_812], %swap3A_815 {strides = array<i32>} : memref<3x128xi32, #tpu.memory_space<vmem>>, vector<1x16xi32>,
    %add3A_816 = arith.constant 40 : i32
    %add3A_817 = arith.addi %multiple_of3A_690, %add3A_816 : i32
    %get3A_818 = arith.index_cast %add3A_817 : i32 to index
    %get3A_819 = tpu.vector_load %arg5[%get3A_818] {strides = array<i32>} : memref<3152xi32, #tpu.memory_space<vmem>>, vector<16xi32>,
    %get3A_820 = vector.shape_cast %get3A_819 : vector<16xi32> to vector<16xi32>
    %lt3A_821 = arith.constant 0 : i32
    %lt3A_822 = vector.broadcast %lt3A_821 : i32 to vector<16xi32>
    %lt3A_823 = arith.cmpi slt, %shift_right_arithmetic3A_4, %lt3A_822 : vector<16xi32>
    %add3A_824 = arith.constant 16 : i32
    %add3A_825 = vector.broadcast %add3A_824 : i32 to vector<16xi32>
    %add3A_826 = arith.addi %shift_right_arithmetic3A_4, %add3A_825 : vector<16xi32>
    %select_n3A_827 = arith.select %lt3A_823, %add3A_826, %shift_right_arithmetic3A_4 : vector<16xi1>, vector<16xi32>
    %broadcast_in_dim3A_828 = vector.shape_cast %select_n3A_827 : vector<16xi32> to vector<16x1xi32>
    %gather3A_829 = vector.shape_cast %broadcast_in_dim3A_828 : vector<16x1xi32> to vector<16xi32>
    %gather3A_830 = tpu.dynamic_gather %get3A_820[%gather3A_829] in [0] : vector<16xi32>, vector<16xi32> -> vector<16xi32>
    %mul3A_831 = arith.constant 2 : i32
    %mul3A_832 = vector.broadcast %mul3A_831 : i32 to vector<16xi32>
    %mul3A_833 = arith.muli %gather3A_830, %mul3A_832 : vector<16xi32>
    %add3A_834 = arith.addi %mul3A_833, %and3A_6 : vector<16xi32>
    %swap3A_835 = arith.constant 0 : i32
    %swap3A_836 = arith.index_cast %swap3A_835 : i32 to index
    %swap3A_837 = arith.constant 80 : index
    %swap3A_838 = tpu.vector_load %arg6[%swap3A_836, %swap3A_837] {strides = array<i32>} : memref<3x128xi32, #tpu.memory_space<vmem>>, vector<1x16xi32>,
    %swap3A_839 = vector.shape_cast %swap3A_838 : vector<1x16xi32> to vector<16xi32>
    %swap3A_840 = vector.shape_cast %add3A_834 : vector<16xi32> to vector<1x16xi32>
    tpu.vector_store %arg6[%swap3A_836, %swap3A_837], %swap3A_840 {strides = array<i32>} : memref<3x128xi32, #tpu.memory_space<vmem>>, vector<1x16xi32>,
    %add3A_841 = arith.constant 48 : i32
    %add3A_842 = arith.addi %multiple_of3A_690, %add3A_841 : i32
    %get3A_843 = arith.index_cast %add3A_842 : i32 to index
    %get3A_844 = tpu.vector_load %arg5[%get3A_843] {strides = array<i32>} : memref<3152xi32, #tpu.memory_space<vmem>>, vector<16xi32>,
    %get3A_845 = vector.shape_cast %get3A_844 : vector<16xi32> to vector<16xi32>
    %lt3A_846 = arith.constant 0 : i32
    %lt3A_847 = vector.broadcast %lt3A_846 : i32 to vector<16xi32>
    %lt3A_848 = arith.cmpi slt, %shift_right_arithmetic3A_4, %lt3A_847 : vector<16xi32>
    %add3A_849 = arith.constant 16 : i32
    %add3A_850 = vector.broadcast %add3A_849 : i32 to vector<16xi32>
    %add3A_851 = arith.addi %shift_right_arithmetic3A_4, %add3A_850 : vector<16xi32>
    %select_n3A_852 = arith.select %lt3A_848, %add3A_851, %shift_right_arithmetic3A_4 : vector<16xi1>, vector<16xi32>
    %broadcast_in_dim3A_853 = vector.shape_cast %select_n3A_852 : vector<16xi32> to vector<16x1xi32>
    %gather3A_854 = vector.shape_cast %broadcast_in_dim3A_853 : vector<16x1xi32> to vector<16xi32>
    %gather3A_855 = tpu.dynamic_gather %get3A_845[%gather3A_854] in [0] : vector<16xi32>, vector<16xi32> -> vector<16xi32>
    %mul3A_856 = arith.constant 2 : i32
    %mul3A_857 = vector.broadcast %mul3A_856 : i32 to vector<16xi32>
    %mul3A_858 = arith.muli %gather3A_855, %mul3A_857 : vector<16xi32>
    %add3A_859 = arith.addi %mul3A_858, %and3A_6 : vector<16xi32>
    %swap3A_860 = arith.constant 0 : i32
    %swap3A_861 = arith.index_cast %swap3A_860 : i32 to index
    %swap3A_862 = arith.constant 96 : index
    %swap3A_863 = tpu.vector_load %arg6[%swap3A_861, %swap3A_862] {strides = array<i32>} : memref<3x128xi32, #tpu.memory_space<vmem>>, vector<1x16xi32>,
    %swap3A_864 = vector.shape_cast %swap3A_863 : vector<1x16xi32> to vector<16xi32>
    %swap3A_865 = vector.shape_cast %add3A_859 : vector<16xi32> to vector<1x16xi32>
    tpu.vector_store %arg6[%swap3A_861, %swap3A_862], %swap3A_865 {strides = array<i32>} : memref<3x128xi32, #tpu.memory_space<vmem>>, vector<1x16xi32>,
    %add3A_866 = arith.constant 56 : i32
    %add3A_867 = arith.addi %multiple_of3A_690, %add3A_866 : i32
    %get3A_868 = arith.index_cast %add3A_867 : i32 to index
    %get3A_869 = tpu.vector_load %arg5[%get3A_868] {strides = array<i32>} : memref<3152xi32, #tpu.memory_space<vmem>>, vector<16xi32>,
    %get3A_870 = vector.shape_cast %get3A_869 : vector<16xi32> to vector<16xi32>
    %lt3A_871 = arith.constant 0 : i32
    %lt3A_872 = vector.broadcast %lt3A_871 : i32 to vector<16xi32>
    %lt3A_873 = arith.cmpi slt, %shift_right_arithmetic3A_4, %lt3A_872 : vector<16xi32>
    %add3A_874 = arith.constant 16 : i32
    %add3A_875 = vector.broadcast %add3A_874 : i32 to vector<16xi32>
    %add3A_876 = arith.addi %shift_right_arithmetic3A_4, %add3A_875 : vector<16xi32>
    %select_n3A_877 = arith.select %lt3A_873, %add3A_876, %shift_right_arithmetic3A_4 : vector<16xi1>, vector<16xi32>
    %broadcast_in_dim3A_878 = vector.shape_cast %select_n3A_877 : vector<16xi32> to vector<16x1xi32>
    %gather3A_879 = vector.shape_cast %broadcast_in_dim3A_878 : vector<16x1xi32> to vector<16xi32>
    %gather3A_880 = tpu.dynamic_gather %get3A_870[%gather3A_879] in [0] : vector<16xi32>, vector<16xi32> -> vector<16xi32>
    %mul3A_881 = arith.constant 2 : i32
    %mul3A_882 = vector.broadcast %mul3A_881 : i32 to vector<16xi32>
    %mul3A_883 = arith.muli %gather3A_880, %mul3A_882 : vector<16xi32>
    %add3A_884 = arith.addi %mul3A_883, %and3A_6 : vector<16xi32>
    %swap3A_885 = arith.constant 0 : i32
    %swap3A_886 = arith.index_cast %swap3A_885 : i32 to index
    %swap3A_887 = arith.constant 112 : index
    %swap3A_888 = tpu.vector_load %arg6[%swap3A_886, %swap3A_887] {strides = array<i32>} : memref<3x128xi32, #tpu.memory_space<vmem>>, vector<1x16xi32>,
    %swap3A_889 = vector.shape_cast %swap3A_888 : vector<1x16xi32> to vector<16xi32>
    %swap3A_890 = vector.shape_cast %add3A_884 : vector<16xi32> to vector<1x16xi32>
    tpu.vector_store %arg6[%swap3A_886, %swap3A_887], %swap3A_890 {strides = array<i32>} : memref<3x128xi32, #tpu.memory_space<vmem>>, vector<1x16xi32>,
    %dma_start3A_891 = arith.constant 0 : i32
    %dma_start3A_892 = arith.constant 0 : i32
    %dma_start3A_893 = tpu.memref_slice %arg6[%dma_start3A_891, %dma_start3A_892] : memref<3x128xi32, #tpu.memory_space<vmem>> -> memref<1x128xi32, #tpu.memory_space<vmem>>
    %dma_start3A_894 = tpu.memref_squeeze %dma_start3A_893 : memref<1x128xi32, #tpu.memory_space<vmem>> -> memref<128xi32, #tpu.memory_space<vmem>>
    %dma_start3A_895 = arith.constant 0 : i32
    %dma_start3A_896 = arith.constant 0 : i32
    %dma_start3A_897 = tpu.memref_slice %arg2[%dma_start3A_895, %dma_start3A_896] : memref<50000x128xf32, #tpu.memory_space<hbm>> -> memref<50000x128xf32, #tpu.memory_space<hbm>>
    tpu.enqueue_indirect_dma source(%dma_start3A_897 : memref<50000x128xf32, #tpu.memory_space<hbm>>) target(%arg7 : memref<128x128xf32, #tpu.memory_space<vmem>>) offsets(%dma_start3A_894 : memref<128xi32, #tpu.memory_space<vmem>>) semaphore(%arg10 : memref<!tpu.dma_semaphore, #tpu.memory_space<semaphore_mem>>)
    %dma_wait3A_898 = arith.constant 2 : i32
    %dma_wait3A_899 = arith.constant 0 : i32
    %dma_wait3A_900 = tpu.memref_slice %arg6[%dma_wait3A_898, %dma_wait3A_899] : memref<3x128xi32, #tpu.memory_space<vmem>> -> memref<1x128xi32, #tpu.memory_space<vmem>>
    %dma_wait3A_901 = tpu.memref_squeeze %dma_wait3A_900 : memref<1x128xi32, #tpu.memory_space<vmem>> -> memref<128xi32, #tpu.memory_space<vmem>>
    %dma_wait3A_902 = arith.constant 0 : i32
    %dma_wait3A_903 = arith.constant 0 : i32
    %dma_wait3A_904 = tpu.memref_slice %arg2[%dma_wait3A_902, %dma_wait3A_903] : memref<50000x128xf32, #tpu.memory_space<hbm>> -> memref<50000x128xf32, #tpu.memory_space<hbm>>
    tpu.wait_indirect_dma semaphore(%arg12 : memref<!tpu.dma_semaphore, #tpu.memory_space<semaphore_mem>>) src(%dma_wait3A_904 : memref<50000x128xf32, #tpu.memory_space<hbm>>) dst(%arg9 : memref<128x128xf32, #tpu.memory_space<vmem>>)
    %mul3A_905 = arith.constant 49 : i32
    %mul3A_906 = arith.muli %add3A, %mul3A_905 : i32
    %add3A_907 = arith.constant 47 : i32
    %add3A_908 = arith.addi %mul3A_906, %add3A_907 : i32
    %mul3A_909 = arith.constant 128 : i32
    %mul3A_910 = arith.muli %add3A_908, %mul3A_909 : i32
    %lt3A_911 = arith.constant 1562 : i32
    %lt3A_912 = arith.cmpi slt, %add3A_908, %lt3A_911 : i32
    %convert_element_type3A_913 = arith.extui %lt3A_912 : i1 to i32
    %cond3A_914 = arith.constant 0 : i32
    %cond3A_915 = arith.cmpi ne, %convert_element_type3A_913, %cond3A_914 : i32
    scf.if %cond3A_915 {
      %dma_start3A_992 = arith.constant 0 : i32
      %dma_start3A_993 = tpu.memref_slice %arg4[%mul3A_910, %dma_start3A_992] : memref<200000x128xf32, #tpu.memory_space<hbm>> -> memref<128x128xf32, #tpu.memory_space<hbm>>
      %dma_start3A_994 = arith.constant 0 : i32
      %dma_start3A_995 = tpu.memref_slice %arg4[%mul3A_910, %dma_start3A_994] : memref<200000x128xf32, #tpu.memory_space<hbm>> -> memref<128x128xf32, #tpu.memory_space<hbm>>
      tpu.enqueue_dma source(%arg9 : memref<128x128xf32, #tpu.memory_space<vmem>>) target(%dma_start3A_995 : memref<128x128xf32, #tpu.memory_space<hbm>>) target_semaphore(%arg15 : memref<!tpu.dma_semaphore, #tpu.memory_space<semaphore_mem>>)
    } else {
    }
    %eq3A_916 = arith.constant 1562 : i32
    %eq3A_917 = arith.cmpi eq, %add3A_908, %eq3A_916 : i32
    %convert_element_type3A_918 = arith.extui %eq3A_917 : i1 to i32
    %cond3A_919 = arith.constant 0 : i32
    %cond3A_920 = arith.cmpi ne, %convert_element_type3A_918, %cond3A_919 : i32
    scf.if %cond3A_920 {
      %dma_start3A_992 = arith.constant 0 : i32
      %dma_start3A_993 = arith.constant 0 : i32
      %dma_start3A_994 = tpu.memref_slice %arg9[%dma_start3A_992, %dma_start3A_993] : memref<128x128xf32, #tpu.memory_space<vmem>> -> memref<64x128xf32, #tpu.memory_space<vmem>>
      %dma_start3A_995 = arith.constant 199936 : i32
      %dma_start3A_996 = arith.constant 0 : i32
      %dma_start3A_997 = tpu.memref_slice %arg4[%dma_start3A_995, %dma_start3A_996] : memref<200000x128xf32, #tpu.memory_space<hbm>> -> memref<64x128xf32, #tpu.memory_space<hbm>>
      %dma_start3A_998 = arith.constant 199936 : i32
      %dma_start3A_999 = arith.constant 0 : i32
      %dma_start3A_1000 = tpu.memref_slice %arg4[%dma_start3A_998, %dma_start3A_999] : memref<200000x128xf32, #tpu.memory_space<hbm>> -> memref<64x128xf32, #tpu.memory_space<hbm>>
      %dma_start3A_1001 = arith.constant 0 : i32
      %dma_start3A_1002 = arith.constant 0 : i32
      %dma_start3A_1003 = tpu.memref_slice %arg9[%dma_start3A_1001, %dma_start3A_1002] : memref<128x128xf32, #tpu.memory_space<vmem>> -> memref<64x128xf32, #tpu.memory_space<vmem>>
      tpu.enqueue_dma source(%dma_start3A_1003 : memref<64x128xf32, #tpu.memory_space<vmem>>) target(%dma_start3A_1000 : memref<64x128xf32, #tpu.memory_space<hbm>>) target_semaphore(%arg15 : memref<!tpu.dma_semaphore, #tpu.memory_space<semaphore_mem>>)
    } else {
    }
    %mul3A_921 = arith.constant 49 : i32
    %mul3A_922 = arith.muli %add3A, %mul3A_921 : i32
    %add3A_923 = arith.constant 46 : i32
    %add3A_924 = arith.addi %mul3A_922, %add3A_923 : i32
    %mul3A_925 = arith.constant 128 : i32
    %mul3A_926 = arith.muli %add3A_924, %mul3A_925 : i32
    %lt3A_927 = arith.constant 1562 : i32
    %lt3A_928 = arith.cmpi slt, %add3A_924, %lt3A_927 : i32
    %convert_element_type3A_929 = arith.extui %lt3A_928 : i1 to i32
    %cond3A_930 = arith.constant 0 : i32
    %cond3A_931 = arith.cmpi ne, %convert_element_type3A_929, %cond3A_930 : i32
    scf.if %cond3A_931 {
      %dma_wait3A_992 = arith.constant 0 : i32
      %dma_wait3A_993 = tpu.memref_slice %arg4[%mul3A_926, %dma_wait3A_992] : memref<200000x128xf32, #tpu.memory_space<hbm>> -> memref<128x128xf32, #tpu.memory_space<hbm>>
      %dma_wait3A_994 = arith.constant 0 : i32
      %dma_wait3A_995 = tpu.memref_slice %arg4[%mul3A_926, %dma_wait3A_994] : memref<200000x128xf32, #tpu.memory_space<hbm>> -> memref<128x128xf32, #tpu.memory_space<hbm>>
      tpu.wait_dma2 semaphore(%arg14 : memref<!tpu.dma_semaphore, #tpu.memory_space<semaphore_mem>>) src(%arg8 : memref<128x128xf32, #tpu.memory_space<vmem>>) dst(%dma_wait3A_995 : memref<128x128xf32, #tpu.memory_space<hbm>>)
    } else {
    }
    %eq3A_932 = arith.constant 1562 : i32
    %eq3A_933 = arith.cmpi eq, %add3A_924, %eq3A_932 : i32
    %convert_element_type3A_934 = arith.extui %eq3A_933 : i1 to i32
    %cond3A_935 = arith.constant 0 : i32
    %cond3A_936 = arith.cmpi ne, %convert_element_type3A_934, %cond3A_935 : i32
    scf.if %cond3A_936 {
      %dma_wait3A_992 = arith.constant 0 : i32
      %dma_wait3A_993 = arith.constant 0 : i32
      %dma_wait3A_994 = tpu.memref_slice %arg8[%dma_wait3A_992, %dma_wait3A_993] : memref<128x128xf32, #tpu.memory_space<vmem>> -> memref<64x128xf32, #tpu.memory_space<vmem>>
      %dma_wait3A_995 = arith.constant 199936 : i32
      %dma_wait3A_996 = arith.constant 0 : i32
      %dma_wait3A_997 = tpu.memref_slice %arg4[%dma_wait3A_995, %dma_wait3A_996] : memref<200000x128xf32, #tpu.memory_space<hbm>> -> memref<64x128xf32, #tpu.memory_space<hbm>>
      %dma_wait3A_998 = arith.constant 199936 : i32
      %dma_wait3A_999 = arith.constant 0 : i32
      %dma_wait3A_1000 = tpu.memref_slice %arg4[%dma_wait3A_998, %dma_wait3A_999] : memref<200000x128xf32, #tpu.memory_space<hbm>> -> memref<64x128xf32, #tpu.memory_space<hbm>>
      %dma_wait3A_1001 = arith.constant 0 : i32
      %dma_wait3A_1002 = arith.constant 0 : i32
      %dma_wait3A_1003 = tpu.memref_slice %arg8[%dma_wait3A_1001, %dma_wait3A_1002] : memref<128x128xf32, #tpu.memory_space<vmem>> -> memref<64x128xf32, #tpu.memory_space<vmem>>
      tpu.wait_dma2 semaphore(%arg14 : memref<!tpu.dma_semaphore, #tpu.memory_space<semaphore_mem>>) src(%dma_wait3A_1003 : memref<64x128xf32, #tpu.memory_space<vmem>>) dst(%dma_wait3A_1000 : memref<64x128xf32, #tpu.memory_space<hbm>>)
    } else {
    }
    %dma_wait3A_937 = arith.constant 0 : i32
    %dma_wait3A_938 = arith.constant 0 : i32
    %dma_wait3A_939 = tpu.memref_slice %arg6[%dma_wait3A_937, %dma_wait3A_938] : memref<3x128xi32, #tpu.memory_space<vmem>> -> memref<1x128xi32, #tpu.memory_space<vmem>>
    %dma_wait3A_940 = tpu.memref_squeeze %dma_wait3A_939 : memref<1x128xi32, #tpu.memory_space<vmem>> -> memref<128xi32, #tpu.memory_space<vmem>>
    %dma_wait3A_941 = arith.constant 0 : i32
    %dma_wait3A_942 = arith.constant 0 : i32
    %dma_wait3A_943 = tpu.memref_slice %arg2[%dma_wait3A_941, %dma_wait3A_942] : memref<50000x128xf32, #tpu.memory_space<hbm>> -> memref<50000x128xf32, #tpu.memory_space<hbm>>
    tpu.wait_indirect_dma semaphore(%arg10 : memref<!tpu.dma_semaphore, #tpu.memory_space<semaphore_mem>>) src(%dma_wait3A_943 : memref<50000x128xf32, #tpu.memory_space<hbm>>) dst(%arg7 : memref<128x128xf32, #tpu.memory_space<vmem>>)
    %mul3A_944 = arith.constant 49 : i32
    %mul3A_945 = arith.muli %add3A, %mul3A_944 : i32
    %add3A_946 = arith.constant 48 : i32
    %add3A_947 = arith.addi %mul3A_945, %add3A_946 : i32
    %mul3A_948 = arith.constant 128 : i32
    %mul3A_949 = arith.muli %add3A_947, %mul3A_948 : i32
    %lt3A_950 = arith.constant 1562 : i32
    %lt3A_951 = arith.cmpi slt, %add3A_947, %lt3A_950 : i32
    %convert_element_type3A_952 = arith.extui %lt3A_951 : i1 to i32
    %cond3A_953 = arith.constant 0 : i32
    %cond3A_954 = arith.cmpi ne, %convert_element_type3A_952, %cond3A_953 : i32
    scf.if %cond3A_954 {
      %dma_start3A_992 = arith.constant 0 : i32
      %dma_start3A_993 = tpu.memref_slice %arg4[%mul3A_949, %dma_start3A_992] : memref<200000x128xf32, #tpu.memory_space<hbm>> -> memref<128x128xf32, #tpu.memory_space<hbm>>
      %dma_start3A_994 = arith.constant 0 : i32
      %dma_start3A_995 = tpu.memref_slice %arg4[%mul3A_949, %dma_start3A_994] : memref<200000x128xf32, #tpu.memory_space<hbm>> -> memref<128x128xf32, #tpu.memory_space<hbm>>
      tpu.enqueue_dma source(%arg7 : memref<128x128xf32, #tpu.memory_space<vmem>>) target(%dma_start3A_995 : memref<128x128xf32, #tpu.memory_space<hbm>>) target_semaphore(%arg13 : memref<!tpu.dma_semaphore, #tpu.memory_space<semaphore_mem>>)
    } else {
    }
    %eq3A_955 = arith.constant 1562 : i32
    %eq3A_956 = arith.cmpi eq, %add3A_947, %eq3A_955 : i32
    %convert_element_type3A_957 = arith.extui %eq3A_956 : i1 to i32
    %cond3A_958 = arith.constant 0 : i32
    %cond3A_959 = arith.cmpi ne, %convert_element_type3A_957, %cond3A_958 : i32
    scf.if %cond3A_959 {
      %dma_start3A_992 = arith.constant 0 : i32
      %dma_start3A_993 = arith.constant 0 : i32
      %dma_start3A_994 = tpu.memref_slice %arg7[%dma_start3A_992, %dma_start3A_993] : memref<128x128xf32, #tpu.memory_space<vmem>> -> memref<64x128xf32, #tpu.memory_space<vmem>>
      %dma_start3A_995 = arith.constant 199936 : i32
      %dma_start3A_996 = arith.constant 0 : i32
      %dma_start3A_997 = tpu.memref_slice %arg4[%dma_start3A_995, %dma_start3A_996] : memref<200000x128xf32, #tpu.memory_space<hbm>> -> memref<64x128xf32, #tpu.memory_space<hbm>>
      %dma_start3A_998 = arith.constant 199936 : i32
      %dma_start3A_999 = arith.constant 0 : i32
      %dma_start3A_1000 = tpu.memref_slice %arg4[%dma_start3A_998, %dma_start3A_999] : memref<200000x128xf32, #tpu.memory_space<hbm>> -> memref<64x128xf32, #tpu.memory_space<hbm>>
      %dma_start3A_1001 = arith.constant 0 : i32
      %dma_start3A_1002 = arith.constant 0 : i32
      %dma_start3A_1003 = tpu.memref_slice %arg7[%dma_start3A_1001, %dma_start3A_1002] : memref<128x128xf32, #tpu.memory_space<vmem>> -> memref<64x128xf32, #tpu.memory_space<vmem>>
      tpu.enqueue_dma source(%dma_start3A_1003 : memref<64x128xf32, #tpu.memory_space<vmem>>) target(%dma_start3A_1000 : memref<64x128xf32, #tpu.memory_space<hbm>>) target_semaphore(%arg13 : memref<!tpu.dma_semaphore, #tpu.memory_space<semaphore_mem>>)
    } else {
    }
    %mul3A_960 = arith.constant 49 : i32
    %mul3A_961 = arith.muli %add3A, %mul3A_960 : i32
    %add3A_962 = arith.constant 47 : i32
    %add3A_963 = arith.addi %mul3A_961, %add3A_962 : i32
    %mul3A_964 = arith.constant 128 : i32
    %mul3A_965 = arith.muli %add3A_963, %mul3A_964 : i32
    %lt3A_966 = arith.constant 1562 : i32
    %lt3A_967 = arith.cmpi slt, %add3A_963, %lt3A_966 : i32
    %convert_element_type3A_968 = arith.extui %lt3A_967 : i1 to i32
    %cond3A_969 = arith.constant 0 : i32
    %cond3A_970 = arith.cmpi ne, %convert_element_type3A_968, %cond3A_969 : i32
    scf.if %cond3A_970 {
      %dma_wait3A_992 = arith.constant 0 : i32
      %dma_wait3A_993 = tpu.memref_slice %arg4[%mul3A_965, %dma_wait3A_992] : memref<200000x128xf32, #tpu.memory_space<hbm>> -> memref<128x128xf32, #tpu.memory_space<hbm>>
      %dma_wait3A_994 = arith.constant 0 : i32
      %dma_wait3A_995 = tpu.memref_slice %arg4[%mul3A_965, %dma_wait3A_994] : memref<200000x128xf32, #tpu.memory_space<hbm>> -> memref<128x128xf32, #tpu.memory_space<hbm>>
      tpu.wait_dma2 semaphore(%arg15 : memref<!tpu.dma_semaphore, #tpu.memory_space<semaphore_mem>>) src(%arg9 : memref<128x128xf32, #tpu.memory_space<vmem>>) dst(%dma_wait3A_995 : memref<128x128xf32, #tpu.memory_space<hbm>>)
    } else {
    }
    %eq3A_971 = arith.constant 1562 : i32
    %eq3A_972 = arith.cmpi eq, %add3A_963, %eq3A_971 : i32
    %convert_element_type3A_973 = arith.extui %eq3A_972 : i1 to i32
    %cond3A_974 = arith.constant 0 : i32
    %cond3A_975 = arith.cmpi ne, %convert_element_type3A_973, %cond3A_974 : i32
    scf.if %cond3A_975 {
      %dma_wait3A_992 = arith.constant 0 : i32
      %dma_wait3A_993 = arith.constant 0 : i32
      %dma_wait3A_994 = tpu.memref_slice %arg9[%dma_wait3A_992, %dma_wait3A_993] : memref<128x128xf32, #tpu.memory_space<vmem>> -> memref<64x128xf32, #tpu.memory_space<vmem>>
      %dma_wait3A_995 = arith.constant 199936 : i32
      %dma_wait3A_996 = arith.constant 0 : i32
      %dma_wait3A_997 = tpu.memref_slice %arg4[%dma_wait3A_995, %dma_wait3A_996] : memref<200000x128xf32, #tpu.memory_space<hbm>> -> memref<64x128xf32, #tpu.memory_space<hbm>>
      %dma_wait3A_998 = arith.constant 199936 : i32
      %dma_wait3A_999 = arith.constant 0 : i32
      %dma_wait3A_1000 = tpu.memref_slice %arg4[%dma_wait3A_998, %dma_wait3A_999] : memref<200000x128xf32, #tpu.memory_space<hbm>> -> memref<64x128xf32, #tpu.memory_space<hbm>>
      %dma_wait3A_1001 = arith.constant 0 : i32
      %dma_wait3A_1002 = arith.constant 0 : i32
      %dma_wait3A_1003 = tpu.memref_slice %arg9[%dma_wait3A_1001, %dma_wait3A_1002] : memref<128x128xf32, #tpu.memory_space<vmem>> -> memref<64x128xf32, #tpu.memory_space<vmem>>
      tpu.wait_dma2 semaphore(%arg15 : memref<!tpu.dma_semaphore, #tpu.memory_space<semaphore_mem>>) src(%dma_wait3A_1003 : memref<64x128xf32, #tpu.memory_space<vmem>>) dst(%dma_wait3A_1000 : memref<64x128xf32, #tpu.memory_space<hbm>>)
    } else {
    }
    %mul3A_976 = arith.constant 49 : i32
    %mul3A_977 = arith.muli %add3A, %mul3A_976 : i32
    %add3A_978 = arith.constant 48 : i32
    %add3A_979 = arith.addi %mul3A_977, %add3A_978 : i32
    %mul3A_980 = arith.constant 128 : i32
    %mul3A_981 = arith.muli %add3A_979, %mul3A_980 : i32
    %lt3A_982 = arith.constant 1562 : i32
    %lt3A_983 = arith.cmpi slt, %add3A_979, %lt3A_982 : i32
    %convert_element_type3A_984 = arith.extui %lt3A_983 : i1 to i32
    %cond3A_985 = arith.constant 0 : i32
    %cond3A_986 = arith.cmpi ne, %convert_element_type3A_984, %cond3A_985 : i32
    scf.if %cond3A_986 {
      %dma_wait3A_992 = arith.constant 0 : i32
      %dma_wait3A_993 = tpu.memref_slice %arg4[%mul3A_981, %dma_wait3A_992] : memref<200000x128xf32, #tpu.memory_space<hbm>> -> memref<128x128xf32, #tpu.memory_space<hbm>>
      %dma_wait3A_994 = arith.constant 0 : i32
      %dma_wait3A_995 = tpu.memref_slice %arg4[%mul3A_981, %dma_wait3A_994] : memref<200000x128xf32, #tpu.memory_space<hbm>> -> memref<128x128xf32, #tpu.memory_space<hbm>>
      tpu.wait_dma2 semaphore(%arg13 : memref<!tpu.dma_semaphore, #tpu.memory_space<semaphore_mem>>) src(%arg7 : memref<128x128xf32, #tpu.memory_space<vmem>>) dst(%dma_wait3A_995 : memref<128x128xf32, #tpu.memory_space<hbm>>)
    } else {
    }
    %eq3A_987 = arith.constant 1562 : i32
    %eq3A_988 = arith.cmpi eq, %add3A_979, %eq3A_987 : i32
    %convert_element_type3A_989 = arith.extui %eq3A_988 : i1 to i32
    %cond3A_990 = arith.constant 0 : i32
    %cond3A_991 = arith.cmpi ne, %convert_element_type3A_989, %cond3A_990 : i32
    scf.if %cond3A_991 {
      %dma_wait3A_992 = arith.constant 0 : i32
      %dma_wait3A_993 = arith.constant 0 : i32
      %dma_wait3A_994 = tpu.memref_slice %arg7[%dma_wait3A_992, %dma_wait3A_993] : memref<128x128xf32, #tpu.memory_space<vmem>> -> memref<64x128xf32, #tpu.memory_space<vmem>>
      %dma_wait3A_995 = arith.constant 199936 : i32
      %dma_wait3A_996 = arith.constant 0 : i32
      %dma_wait3A_997 = tpu.memref_slice %arg4[%dma_wait3A_995, %dma_wait3A_996] : memref<200000x128xf32, #tpu.memory_space<hbm>> -> memref<64x128xf32, #tpu.memory_space<hbm>>
      %dma_wait3A_998 = arith.constant 199936 : i32
      %dma_wait3A_999 = arith.constant 0 : i32
      %dma_wait3A_1000 = tpu.memref_slice %arg4[%dma_wait3A_998, %dma_wait3A_999] : memref<200000x128xf32, #tpu.memory_space<hbm>> -> memref<64x128xf32, #tpu.memory_space<hbm>>
      %dma_wait3A_1001 = arith.constant 0 : i32
      %dma_wait3A_1002 = arith.constant 0 : i32
      %dma_wait3A_1003 = tpu.memref_slice %arg7[%dma_wait3A_1001, %dma_wait3A_1002] : memref<128x128xf32, #tpu.memory_space<vmem>> -> memref<64x128xf32, #tpu.memory_space<vmem>>
      tpu.wait_dma2 semaphore(%arg13 : memref<!tpu.dma_semaphore, #tpu.memory_space<semaphore_mem>>) src(%dma_wait3A_1003 : memref<64x128xf32, #tpu.memory_space<vmem>>) dst(%dma_wait3A_1000 : memref<64x128xf32, #tpu.memory_space<hbm>>)
    } else {
    }
    return
  }
}

module attributes {stable_mosaic.version = 14 : i64} {
  func.func @_transform_body(%arg0: i32, %arg1: memref<10000x128xf32, #tpu.memory_space<vmem>>, %arg2: memref<128x128xf32, #tpu.memory_space<vmem>>, %arg3: memref<1x128xf32, #tpu.memory_space<vmem>>, %arg4: memref<1x128xf32, #tpu.memory_space<vmem>>, %arg5: memref<1x128xf32, #tpu.memory_space<vmem>>, %arg6: memref<10000x128xf32, #tpu.memory_space<vmem>>) attributes {dimension_semantics = [#tpu.dimension_semantics<arbitrary>], iteration_bounds = array<i64: 5>, scalar_prefetch = 0 : i64, scratch_operands = 0 : i64, tpu.core_type = #tpu.core_type<tc>, window_params = [{transform_indices = @transform_0, window_bounds = array<i64: 10000, 128>}, {pipeline_mode = #tpu.pipeline_mode<synchronous>, transform_indices = @transform_1, window_bounds = array<i64: 128, 128>}, {pipeline_mode = #tpu.pipeline_mode<synchronous>, transform_indices = @transform_2, window_bounds = array<i64: 1, 128>}, {pipeline_mode = #tpu.pipeline_mode<synchronous>, transform_indices = @transform_3, window_bounds = array<i64: 1, 128>}, {pipeline_mode = #tpu.pipeline_mode<synchronous>, transform_indices = @transform_4, window_bounds = array<i64: 1, 128>}, {transform_indices = @transform_5, window_bounds = array<i64: 10000, 128>}]} {
    %get3A = arith.constant 0 : index
    %get3A_0 = arith.constant 0 : index
    %get3A_1 = vector.load %arg1[%get3A, %get3A_0] : memref<10000x128xf32, #tpu.memory_space<vmem>>, vector<10000x128xf32>
    %get3A_2 = arith.constant 0 : index
    %get3A_3 = arith.constant 0 : index
    %get3A_4 = vector.load %arg2[%get3A_2, %get3A_3] : memref<128x128xf32, #tpu.memory_space<vmem>>, vector<128x128xf32>
    %dot_general3A = arith.constant dense<0.000000e+00> : vector<10000x128xf32>
    %dot_general3A_5 = tpu.matmul %get3A_1, %get3A_4, %dot_general3A {dimension_numbers = #tpu.dot_dimension_numbers<[1], [0], [0], [1], [0, 0, 1, 1], [], []>, transpose_lhs_hint = false} : vector<10000x128xf32>, vector<128x128xf32>, vector<10000x128xf32> -> vector<10000x128xf32>
    %get3A_6 = arith.constant 0 : index
    %get3A_7 = arith.constant 0 : index
    %get3A_8 = vector.load %arg3[%get3A_6, %get3A_7] : memref<1x128xf32, #tpu.memory_space<vmem>>, vector<1x128xf32>
    %add3A = vector.broadcast %get3A_8 : vector<1x128xf32> to vector<10000x128xf32>
    %add3A_9 = arith.addf %dot_general3A_5, %add3A : vector<10000x128xf32>
    %reduce_sum3A = arith.constant dense<0.000000e+00> : vector<10000xf32>
    %reduce_sum3A_10 = vector.multi_reduction <add>, %add3A_9, %reduce_sum3A [1] : vector<10000x128xf32> to vector<10000xf32>
    %broadcast_in_dim3A = vector.shape_cast %reduce_sum3A_10 : vector<10000xf32> to vector<10000x1xf32>
    %div3A = arith.constant 1.280000e+02 : f32
    %div3A_11 = vector.broadcast %div3A : f32 to vector<10000x1xf32>
    %div3A_12 = arith.divf %broadcast_in_dim3A, %div3A_11 : vector<10000x1xf32>
    %sub3A = vector.broadcast %div3A_12 : vector<10000x1xf32> to vector<10000x128xf32>
    %sub3A_13 = arith.subf %add3A_9, %sub3A : vector<10000x128xf32>
    %square3A = arith.mulf %sub3A_13, %sub3A_13 : vector<10000x128xf32>
    %reduce_sum3A_14 = arith.constant dense<0.000000e+00> : vector<10000xf32>
    %reduce_sum3A_15 = vector.multi_reduction <add>, %square3A, %reduce_sum3A_14 [1] : vector<10000x128xf32> to vector<10000xf32>
    %broadcast_in_dim3A_16 = vector.shape_cast %reduce_sum3A_15 : vector<10000xf32> to vector<10000x1xf32>
    %div3A_17 = arith.constant 1.280000e+02 : f32
    %div3A_18 = vector.broadcast %div3A_17 : f32 to vector<10000x1xf32>
    %div3A_19 = arith.divf %broadcast_in_dim3A_16, %div3A_18 : vector<10000x1xf32>
    %sub3A_20 = vector.broadcast %div3A_12 : vector<10000x1xf32> to vector<10000x128xf32>
    %sub3A_21 = arith.subf %add3A_9, %sub3A_20 : vector<10000x128xf32>
    %add3A_22 = arith.constant 9.99999974E-6 : f32
    %add3A_23 = vector.broadcast %add3A_22 : f32 to vector<10000x1xf32>
    %add3A_24 = arith.addf %div3A_19, %add3A_23 : vector<10000x1xf32>
    %rsqrt3A = math.rsqrt %add3A_24 : vector<10000x1xf32>
    %mul3A = vector.broadcast %rsqrt3A : vector<10000x1xf32> to vector<10000x128xf32>
    %mul3A_25 = arith.mulf %sub3A_21, %mul3A : vector<10000x128xf32>
    %get3A_26 = arith.constant 0 : index
    %get3A_27 = arith.constant 0 : index
    %get3A_28 = vector.load %arg4[%get3A_26, %get3A_27] : memref<1x128xf32, #tpu.memory_space<vmem>>, vector<1x128xf32>
    %mul3A_29 = vector.broadcast %get3A_28 : vector<1x128xf32> to vector<10000x128xf32>
    %mul3A_30 = arith.mulf %mul3A_25, %mul3A_29 : vector<10000x128xf32>
    %get3A_31 = arith.constant 0 : index
    %get3A_32 = arith.constant 0 : index
    %get3A_33 = vector.load %arg5[%get3A_31, %get3A_32] : memref<1x128xf32, #tpu.memory_space<vmem>>, vector<1x128xf32>
    %add3A_34 = vector.broadcast %get3A_33 : vector<1x128xf32> to vector<10000x128xf32>
    %add3A_35 = arith.addf %mul3A_30, %add3A_34 : vector<10000x128xf32>
    %logistic3A = arith.negf %add3A_35 : vector<10000x128xf32>
    %logistic3A_36 = math.exp %logistic3A : vector<10000x128xf32>
    %logistic3A_37 = arith.constant 1.000000e+00 : f32
    %logistic3A_38 = vector.broadcast %logistic3A_37 : f32 to vector<10000x128xf32>
    %logistic3A_39 = arith.addf %logistic3A_38, %logistic3A_36 : vector<10000x128xf32>
    %logistic3A_40 = arith.divf %logistic3A_38, %logistic3A_39 : vector<10000x128xf32>
    %mul3A_41 = arith.mulf %add3A_35, %logistic3A_40 : vector<10000x128xf32>
    %swap3A = arith.constant 0 : index
    %swap3A_42 = arith.constant 0 : index
    %swap3A_43 = vector.load %arg6[%swap3A, %swap3A_42] : memref<10000x128xf32, #tpu.memory_space<vmem>>, vector<10000x128xf32>
    tpu.vector_store %arg6[%swap3A, %swap3A_42], %mul3A_41 {strides = array<i32>} : memref<10000x128xf32, #tpu.memory_space<vmem>>, vector<10000x128xf32>,
    return
  }
  func.func @transform_0(%arg0: i32) -> (i32, i32) {
    %c0_i32 = arith.constant 0 : i32
    %c0_i32_0 = arith.constant 0 : i32
    return %arg0, %c0_i32 : i32, i32
  }
  func.func @transform_1(%arg0: i32) -> (i32, i32) {
    %c0_i32 = arith.constant 0 : i32
    %c0_i32_0 = arith.constant 0 : i32
    %c0_i32_1 = arith.constant 0 : i32
    return %c0_i32, %c0_i32_0 : i32, i32
  }
  func.func @transform_2(%arg0: i32) -> (i32, i32) {
    %c0_i32 = arith.constant 0 : i32
    %c0_i32_0 = arith.constant 0 : i32
    %c0_i32_1 = arith.constant 0 : i32
    return %c0_i32, %c0_i32_0 : i32, i32
  }
  func.func @transform_3(%arg0: i32) -> (i32, i32) {
    %c0_i32 = arith.constant 0 : i32
    %c0_i32_0 = arith.constant 0 : i32
    %c0_i32_1 = arith.constant 0 : i32
    return %c0_i32, %c0_i32_0 : i32, i32
  }
  func.func @transform_4(%arg0: i32) -> (i32, i32) {
    %c0_i32 = arith.constant 0 : i32
    %c0_i32_0 = arith.constant 0 : i32
    %c0_i32_1 = arith.constant 0 : i32
    return %c0_i32, %c0_i32_0 : i32, i32
  }
  func.func @transform_5(%arg0: i32) -> (i32, i32) {
    %c0_i32 = arith.constant 0 : i32
    %c0_i32_0 = arith.constant 0 : i32
    return %arg0, %c0_i32 : i32, i32
  }
}

</mosaic_0001>

<sc_bundles>
// kernel: kernel.4.cloned.1.call-start
scs
__scs_entry_jumppad:
0x0: {  	(pc) =	sbr.rel $0x88, $3  }
0x1: {  	(tag) =	ssettag $0x0;
	lr =	simm.s32 $0x1  }
0x2: {  	[smem:$0x3F9B] =	sst lr;
	_ =	strace $0xD0000000  }
0x3: {  	_ = 	snop  }
0x4: {  	_ = 	snop  }
0x5: {  	_ = 	snop  }
0x6: {  	_ = 	snop  }
0x7: {  	_ = 	snop  }
__scs_overlays_trampoline_lowered:
0x8: {  	[smem:$0x3FAA] =	sst s0  }
0x9: {  	[smem:$0x3FAB] =	sst s1  }
0xa: {  	[smem:$0x3FAC] =	sst s2  }
0xb: {  	[smem:$0x3FAD] =	sst s3  }
0xc: {  	[smem:$0x3FAE] =	sst s4  }
0xd: {  	[smem:$0x3FAF] =	sst s5  }
0xe: {  	[smem:$0x3FB0] =	sst s6  }
0xf: {  	[smem:$0x3FB1] =	sst s7  }
0x10: {  	[smem:$0x3FB2] =	sst s8  }
0x11: {  	[smem:$0x3FB3] =	sst s9;
	s0 =	simm.s32 @!p0 $0x0  }
0x12: {  	s1 =	sld [smem:$0x3F99];
	s0 =	simm.s32 @p0 $0x1  }
0x13: {  	[smem:$0x3FB4] =	sst s0;
	s0 =	simm.s32 @!p1 $0x0  }
0x14: {  	s2 =	sld [smem:$0x3F98];
	s0 =	simm.s32 @p1 $0x1  }
0x15: {  	[smem:$0x3FB5] =	sst s0;
	s0 =	simm.s32 @!p2 $0x0  }
0x16: {  	s3 =	sld [smem:$0x3FDB];
	s0 =	simm.s32 @p2 $0x1  }
0x17: {  	s4 =	simm.s32 $0x1BF5;
	[smem:$0x3FB7] =	sst s0  }
0x18: {  	s0 =	sld [smem:$0x3F9A];
	_ =	swait.ge [sflag:s4], $0x0  }
0x19: {  	s7 =	sld [smem:$0x3F9B]  }
0x1a: {  	s8 =	sadd.s32 $0xFFFFE003, lr  }
0x1b: {  	s9 =	sadd.s32 $0xFFFFFEF7, lr;
	s5 =	simm.s32 $0xFFFFFFFF;
	p2 =	slt.u32 s8, $0xFFFFF086  }
0x1c: {  	p1 =	slt.u32 s9, $0xF7A;
	s5 =	simm.s32 @!p2 $0x0  }
0x1d: {  	s5 =	simm.s32 @p1 $0x1;
	p0 =	seq.s32 s7, s2  }
0x1e: {  	s7 =	smul.u32 @!p0 $0xF7A, s2;
	p2 =	seq.s32 @!p0 s5, $0x0  }
0x1f: {  	s9 =	smul.u32 $0xF7A, s1;
	s8 =	simm.s32 @!p0 $0x1BF5;
	p2 =	por !p2, p0  }
0x20: {  	[sflag:s8] =	ssyncset.s32 @!p0 $0xFFFFF086;
	s6 =	sadd.s32 @!p0 s3, s7;
	s7 =	simm.s32 @!p0 $0x108  }
0x21: {  	s3 =	sadd.s32 s3, s9;
	s6 =	sadd.s32 @!p0 $0x88, s6;
	s7 =	simm.s32 @p2 $0x1082  }
0x22: {  	[simem:s7], [sflag:s8] =	dma.local @!p0 [hbm:s6], $0xF7A  }
0x23: {  	s9 =	sor.u32 $0xD0000000, s2;
	s6 =	simm.s32 $0x108;
	_ =	swait.ge @!p0 [sflag:s8], $0x0  }
0x24: {  	s3 =	sadd.s32 $0x88, s3;
	s6 =	simm.s32 @!p1 $0x1082;
	[sflag:s4] =	ssyncset.s32 $0xFFFFF086  }
0x25: {  	[simem:s6], [sflag:s4] =	dma.local [hbm:s3], $0xF7A  }
0x26: {  	[smem:$0x3F9B] =	sst s1;
	(tag) =	ssettag s2;
	_ =	strace s9  }
0x27: {  	s1 =	sld [smem:$0x3FAB]  }
0x28: {  	s2 =	sld [smem:$0x3FAC]  }
0x29: {  	s4 =	sld [smem:$0x3FAE]  }
0x2a: {  	p0 =	seq.s32 s5, $0x0;
	s5 =	sld [smem:$0x3FAF]  }
0x2b: {  	s6 =	sld [smem:$0x3FB0]  }
0x2c: {  	s7 =	sld [smem:$0x3FB1]  }
0x2d: {  	s3 =	simm.s32 $0x108;
	s8 =	sld [smem:$0x3FB2]  }
0x2e: {  	s3 =	simm.s32 @!p0 $0x1082;
	s9 =	sld [smem:$0x3FB3]  }
0x2f: {  	lr =	sadd.s32 s0, s3;
	s0 =	sld [smem:$0x3FAA]  }
0x30: {  	s3 =	sld [smem:$0x3FAD]  }
0x31: {  	[smem:$0x3FB6] =	sst s10  }
0x32: {  	s10 =	sld [smem:$0x3FB4];
	_ =	sdelay $0x3  }
0x33: {  	p0 =	seq.s32 s10, $0x1;
	s10 =	sld [smem:$0x3FB6];
	_ =	sdelay $0x3  }
0x34: {  	[smem:$0x3FB6] =	sst s10  }
0x35: {  	s10 =	sld [smem:$0x3FB5];
	_ =	sdelay $0x3  }
0x36: {  	p1 =	seq.s32 s10, $0x1;
	s10 =	sld [smem:$0x3FB6];
	_ =	sdelay $0x3  }
0x37: {  	[smem:$0x3FB6] =	sst s10  }
0x38: {  	s10 =	sld [smem:$0x3FB7]  }
0x39: {  	_ = 	snop;
	(pc) =	sbr.ind lr, $3  }
0x3a: {  	_ = 	snop  }
0x3b: {  	_ = 	snop  }
0x3c: {  	p2 =	seq.s32 s10, $0x1;
	s10 =	sld [smem:$0x3FB6]  }
0x3d: {  	_ =	shalt  }
0x3e: {  	_ =	shalt  }
0x3f: {  	_ =	shalt  }
0x40: {  	_ =	shalt  }
0x41: {  	_ =	shalt  }
0x42: {  	_ =	shalt  }
0x43: {  	_ =	shalt  }
0x44: {  	_ =	shalt  }
0x45: {  	_ =	shalt  }
0x46: {  	_ =	shalt  }
0x47: {  	_ =	shalt  }
0x48: {  	_ =	shalt  }
0x49: {  	_ =	shalt  }
0x4a: {  	_ =	shalt  }
0x4b: {  	_ =	shalt  }
0x4c: {  	_ =	shalt  }
0x4d: {  	_ =	shalt  }
0x4e: {  	_ =	shalt  }
0x4f: {  	_ =	shalt  }
0x50: {  	_ =	shalt  }
0x51: {  	_ =	shalt  }
0x52: {  	_ =	shalt  }
0x53: {  	_ =	shalt  }
0x54: {  	_ =	shalt  }
0x55: {  	_ =	shalt  }
0x56: {  	_ =	shalt  }
0x57: {  	_ =	shalt  }
0x58: {  	_ =	shalt  }
0x59: {  	_ =	shalt  }
0x5a: {  	_ =	shalt  }
0x5b: {  	_ =	shalt  }
0x5c: {  	_ =	shalt  }
0x5d: {  	_ =	shalt  }
0x5e: {  	_ =	shalt  }
0x5f: {  	_ =	shalt  }
0x60: {  	_ =	shalt  }
0x61: {  	_ =	shalt  }
0x62: {  	_ =	shalt  }
0x63: {  	_ =	shalt  }
0x64: {  	_ =	shalt  }
0x65: {  	_ =	shalt  }
0x66: {  	_ =	shalt  }
0x67: {  	_ =	shalt  }
0x68: {  	_ =	shalt  }
0x69: {  	_ =	shalt  }
0x6a: {  	_ =	shalt  }
0x6b: {  	_ =	shalt  }
0x6c: {  	_ =	shalt  }
0x6d: {  	_ =	shalt  }
0x6e: {  	_ =	shalt  }
0x6f: {  	_ =	shalt  }
0x70: {  	_ =	shalt  }
0x71: {  	_ =	shalt  }
0x72: {  	_ =	shalt  }
0x73: {  	_ =	shalt  }
0x74: {  	_ =	shalt  }
0x75: {  	_ =	shalt  }
0x76: {  	_ =	shalt  }
0x77: {  	_ =	shalt  }
0x78: {  	_ =	shalt  }
0x79: {  	_ =	shalt  }
0x7a: {  	_ =	shalt  }
0x7b: {  	_ =	shalt  }
0x7c: {  	_ =	shalt  }
0x7d: {  	_ =	shalt  }
0x7e: {  	_ =	shalt  }
0x7f: {  	_ =	shalt  }
0x80: {  	_ =	shalt  }
0x81: {  	_ =	shalt  }
0x82: {  	_ =	shalt  }
0x83: {  	_ =	shalt  }
0x84: {  	_ =	shalt  }
0x85: {  	_ =	shalt  }
0x86: {  	_ =	shalt  }
0x87: {  	_ =	shalt  }
.Lfunc_end0:
.L_simem_size_0:
called_computation_lowered:
.L_overlay_start_0:
0x88: {  	s2 =	sld [smem:$0x3FD9]  }
0x89: {  	s3 =	sld [smem:$0x3FFE];
	_ =	sdelay $0x1  }
0x8a: {  	s1 =	srdreg.scid  }
0x8b: {  	s0 =	sand.u32 $0x1, s1  }
0x8c: {  	s17 =	sshll.u32 s0, $0xA;
	s2 =	sadd.s32 s3, s2  }
0x8d: {  	s2 =	sadd.s32 s2, s17  }
0x8e: {  	[smem:$0x3FC2] =	sst s2  }
0x8f: {  	_ = 	snop  }
0x90: {  	s2 =	sld [smem:$0x3FD0];
	(tm) =	ssettm $0x1  }
0x91: {  	s18 =	sld [smem:$0x3FFB];
	_ =	sdelay $0x3  }
0x92: {  	_ =	strace s18  }
0x93: {  	s3 =	sld [smem:$0x3FFC];
	_ =	sdelay $0x3  }
0x94: {  	_ =	strace s3  }
0x95: {  	s3 =	sld [smem:$0x3FFD];
	_ =	sdelay $0x3  }
0x96: {  	_ =	strace s3  }
0x97: {  	_ =	strace $0x8FFFFFFF  }
0x98: {  	s19 =	sld [smem:$0x3FDB];
	_ =	sdelay $0x1  }
0x99: {  	s4 =	simm.s32 $_scs_section_size  }
0x9a: {  	s5 =	simm.s32 $_size__tile_overlayer_lowered;
	s6 =	simm.s32 $_tile_overlayer_lowered  }
0x9b: {  	s22 =	simm.s32 $0x1BFF;
	s21 =	sshll.u32 s6, $0x1;
	s3 =	sadd.s32 s4, s19  }
0x9c: {  	s7 =	simm.s32 $0x0;
	s20 =	sshll.u32 s5, $0x1;
	s5 =	sadd.s32 s21, s3  }
0x9d: {  	[timem:s7], [sflag:s22] =	dma.local [hbm:s5], s20  }
0x9e: {  	_ =	swait.ge [sflag:s22], s20  }
0x9f: {  	s4 =	ssub.s32 $0x0, s20;
	[sflag:s22] =	ssyncset.done $0x0  }
0xa0: {  	[sflag:s22] =	ssyncadd.s32 s4;
	_ =	sdelay $0x1  }
0xa1: {  	s23 =	simm.s32 $0x1B8B  }
0xa2: {  	_ =	swait.ge [sflag:s23], $0x1  }
0xa3: {  	[sflag:s23] =	ssyncset.done $0x0  }
0xa4: {  	s25 =	simm.s32 $0x1B8E;
	s24 =	sld [smem:$0x3FFE];
	[sflag:s23] =	ssyncadd.s32 $0xFFFFFFFF  }
0xa5: {  	s26 =	simm.s32 $execute0_lowered;
	[smem:$0x3FD2] =	sst s25  }
0xa6: {  	s5 =	sshll.u32 s26, $0x1;
	_ =	strace $0x80000046;
	[dreg:$0x1] =	wrdreg $0xFFFFFFFF  }
0xa7: {  	s28 =	simm.s32 $_size_execute0_lowered;
	s3 =	sadd.s32 s3, s5;
	[dreg:$0x0] =	wrdreg $0x0  }
0xa8: {  	s5 =	sshll.u32 s28, $0x1;
	[dreg:$0x2] =	wrdreg s3  }
0xa9: {  	[dreg:$0x3] =	wrdreg s5  }
0xaa: {  	[dreg:$0x4] =	wrdreg $0xC0  }
0xab: {  	_ =	task [dreg:s7], $0x5FFFF  }
0xac: {  	[dreg:$0x1] =	wrdreg $0xFFFFFFFF  }
0xad: {  	[dreg:$0x0] =	wrdreg $0x60  }
0xae: {  	[dreg:$0x2] =	wrdreg s24  }
0xaf: {  	[dreg:$0x3] =	wrdreg s2  }
0xb0: {  	[dreg:$0x4] =	wrdreg $0x9  }
0xb1: {  	_ =	task.clear_ibuf [dreg:s7], $0x5FFFF;
	_ =	strace $0x90000046  }
0xb2: {  	s29 =	simm.s32 $0x9;
	_ =	strace $0x80000048  }
0xb3: {  	_ =	swait.ge [sflag:s29], $0x1  }
0xb4: {  	[sflag:s29] =	ssyncadd.s32 $0xFFFFFFFF  }
0xb5: {  	_ =	strace $0x90000048  }
0xb6: {  	_ =	sfence  }
0xb7: {  	s30 =	sld [smem:$0x0];
	_ =	sdelay $0x2  }
0xb8: {  	s31 =	sshll.u32 s1, $0xD;
	s1 =	sshrl.u32 s1, $0x2  }
0xb9: {  	s3 =	sand.u32 $0x4000, s31;
	s1 =	sadd.s32 s1, s30  }
0xba: {  	s0 =	sor.u32 s3, s0;
	s1 =	sshll.u32 s1, $0x11  }
0xbb: {  	s0 =	sor.u32 s1, s0  }
0xbc: {  	s0 =	sadd.s32 $0x8F2B, s0  }
0xbd: {  	[sflag:s0] =	ssyncadd.remote.s32 $0x1  }
0xbe: {  	_ =	sfence.sel $0xFFFF  }
0xbf: {  	[dreg:$0x0] =	wrdreg $0xFFFFFFFF;
	(pc) =	sbr.abs _section_cstart, $3  }
0xc0: {  	[dreg:$0x1] =	wrdreg $0xFFFFFFFF  }
0xc1: {  	_ =	task.clear_ibuf [dreg:s7], $0x2FFFF;
	_ =	strace $0x9FFFFFFF  }
0xc2: {  	(tm) =	ssettm $0x7FFFFFFF  }
0xc3: {  	_ =	shalt  }
tec
execute0_lowered:
.L_overlay_start_1:
0x0: {  	(tag) =	ssettag $0x1  }
0x1: {  	s0 =	rddreg [dreg:$0x0]  }
0x2: {  	s1 =	rddreg [dreg:$0x1]  }
0x3: {  	s3 =	srdreg.scid;
	s9 =	stileid.u32;
	s2 =	simm.s32 $0x0  }
0x4: {  	s14 =	simm.s32 $0x7;
	s15 =	simm.s32 $0x80;
	s16 =	simm.s32 $0xC80  }
0x5: {  	s17 =	simm.s32 $0xE80;
	s18 =	simm.s32 $0xD00;
	s11 =	smul.u32 $0x62, s9  }
0x6: {  	s19 =	simm.s32 $0x4E80;
	s4 =	sand.u32 $0x1, s3;
	s13 =	smul.u32 $0x31000, s9  }
0x7: {  	s20 =	sshll.u32 s9, $0x1;
	[smem:$0x7FF] =	sst s2;
	s12 =	smul.u32 $0x31, s4  }
0x8: {  	s22 =	sor.u32 s4, s20;
	s6 =	ssub.s32 $0x2, s4;
	s4 =	smul.u32 $0x18800, s4  }
0x9: {  	s3 =	sadd.s32 $0x3E00, s0;
	_ =	strace $0x80000047;
	s5 =	smul.u32 $0x188, s22  }
0xa: {  	s20 =	simm.s32 $0x1;
	s8 =	smul.u32 $0x31, s22;
	s21 =	sshrl.u32 s6, $0x1  }
0xb: {  	s7 =	smul.u32 $0x18800, s22;
	p0 =	seq.s32 s22, $0x1F;
	s0 =	sadd.s32 s5, s0  }
0xc: {  	s22 =	simm.s32 $0x8E80;
	s10 =	ssub.s32 s6, s21;
	s0 =	sadd.s32 $0xC00, s0  }
0xd: {  	s6 =	sadd.s32 $0x30D000, s1;
	[dreg:$0x3] =	wrdreg s0;
	s0 =	sadd.s32 $0x2E, s8  }
0xe: {  	s11 =	sadd.s32 s12, s11;
	s12 =	sadd.s32 s4, s13;
	s24 =	sshll.u32 s0, $0xB  }
0xf: {  	s23 =	sadd.s32 s1, s7;
	s31 =	smax.u32 s10, $0x1;
	s25 =	sadd.s32 s1, s24  }
0x10: {  	s24 =	sadd.s32 $0x2F, s8;
	[dreg:$0x5] =	wrdreg s25;
	s25 =	sadd.s32 $0x30, s8  }
0x11: {  	s13 =	sadd.s32 s1, s12;
	s26 =	sshll.u32 s24, $0xB;
	s28 =	sshll.u32 s25, $0xB  }
0x12: {  	s29 =	sadd.s32 s1, s26;
	s30 =	sadd.s32 s1, s28;
	s1 =	simm.s32 @!p0 $0x0  }
0x13: {  	[dreg:$0x4] =	wrdreg s23;
	s1 =	simm.s32 @p0 $0x1;
	p0 =	sne.s32 s0, $0x61A  }
0x14: {  	s21 =	simm.s32 $0xD80;
	[dreg:$0x8] =	wrdreg s31;
	s0 =	simm.s32 @!p0 $0x0  }
0x15: {  	[dreg:$0x6] =	wrdreg s29;
	s0 =	simm.s32 @p0 $0x1;
	p0 =	sne.s32 s24, $0x61A  }
0x16: {  	s11 =	sadd.s32 $0x3, s11;
	[smem:$0x7FB] =	sst s0;
	s0 =	simm.s32 @!p0 $0x0  }
0x17: {  	[dreg:$0x7] =	wrdreg s30;
	s0 =	simm.s32 @p0 $0x1;
	p0 =	sne.s32 s25, $0x61A  }
0x18: {  	s23 =	simm.s32 $0x2;
	[smem:$0x7FC] =	sst s0;
	s0 =	simm.s32 @!p0 $0x0  }
0x19: {  	v1 =	vlaneseq.u32;
	s26 =	simm.s32 $0x0;
	[smem:$0x7FA] =	sst s1;
	s0 =	simm.s32 @p0 $0x1  }
0x1a: {  	v0 =	vshrl.u32 v1, $0x1;
	v1 =	vand.u32 $0x1, v1;
	s24 =	simm.s32 $0x4;
	s25 =	simm.s32 $0x3;
	[smem:$0x7FD] =	sst s0  }
.LBB2_1:
0x1b: {  	s0 =	rddreg [dreg:$0x3]  }
0x1c: {  	[tilespmem:s2], [sflag:$0x7] =	stream.linear.gather [hbm4b:s0+s2], $0xC40, $0x38;
	[tilespmem:$0xCE80] =	vst v63  }
0x1d: {  	_ =	swait.ge [sflag:s14], $0xC40  }
0x1e: {  	[sflag:s14] =	ssyncset.done $0x0  }
0x1f: {  	[sflag:s14] =	ssyncadd.s32 $0xFFFFF3C0  }
0x20: {  	v2 =	vld [tilespmem:$0x0]  }
0x21: {  	v3 =	vld [tilespmem:$0x8]  }
0x22: {  	v4 =	vld [tilespmem:$0x10]  }
0x23: {  	v5 =	vld [tilespmem:$0x18]  }
0x24: {  	v6 =	vld [tilespmem:$0x20]  }
0x25: {  	v7 =	vld [tilespmem:$0x28];
	v2 =	vperm.xlane v2, v0  }
0x26: {  	v8 =	vld [tilespmem:$0x30];
	v3 =	vperm.xlane v3, v0  }
0x27: {  	v9 =	vld [tilespmem:$0x38];
	v4 =	vperm.xlane v4, v0;
	v2 =	vshll.u32 v2, $0x1  }
0x28: {  	v5 =	vperm.xlane v5, v0;
	v3 =	vshll.u32 v3, $0x1;
	v2 =	vor.u32 v1, v2  }
0x29: {  	v40 =	vperm.xlane v6, v0;
	[tilespmem:$0xC80] =	vst v2;
	v2 =	vor.u32 v1, v3;
	v3 =	vshll.u32 v4, $0x1  }
0x2a: {  	v41 =	vperm.xlane v7, v0;
	[tilespmem:$0xC90] =	vst v2;
	v2 =	vor.u32 v1, v3;
	v3 =	vshll.u32 v5, $0x1  }
0x2b: {  	v42 =	vperm.xlane v8, v0;
	[tilespmem:$0xCA0] =	vst v2;
	v2 =	vor.u32 v1, v3;
	v3 =	vshll.u32 v40, $0x1  }
0x2c: {  	v43 =	vperm.xlane v9, v0;
	[tilespmem:$0xCB0] =	vst v2;
	v2 =	vor.u32 v1, v3;
	v3 =	vshll.u32 v41, $0x1  }
0x2d: {  	[tilespmem:$0xCC0] =	vst v2;
	v2 =	vor.u32 v1, v3;
	v3 =	vshll.u32 v42, $0x1  }
0x2e: {  	[tilespmem:$0xCD0] =	vst v2;
	v2 =	vor.u32 v1, v3;
	v3 =	vshll.u32 v43, $0x1  }
0x2f: {  	[tilespmem:$0xCE0] =	vst v2;
	v2 =	vor.u32 v1, v3  }
0x30: {  	[tilespmem:$0xCF0] =	vst v2  }
0x31: {  	[tilespmem:s17], [sflag:$0x1] =	stream.indirect.gather [hbm4b:s3+s15], $0x80, s16, s15, $0xb8;
	[tilespmem:$0xCE80] =	vst v63  }
0x32: {  	v2 =	vld [tilespmem:$0x40]  }
0x33: {  	v3 =	vld [tilespmem:$0x48]  }
0x34: {  	v44 =	vld [tilespmem:$0x50]  }
0x35: {  	v45 =	vld [tilespmem:$0x58]  }
0x36: {  	v46 =	vld [tilespmem:$0x60]  }
0x37: {  	v47 =	vld [tilespmem:$0x68];
	v2 =	vperm.xlane v2, v0  }
0x38: {  	v48 =	vld [tilespmem:$0x70];
	v3 =	vperm.xlane v3, v0  }
0x39: {  	v49 =	vld [tilespmem:$0x78];
	v4 =	vperm.xlane v44, v0;
	v2 =	vshll.u32 v2, $0x1  }
0x3a: {  	v5 =	vperm.xlane v45, v0;
	v3 =	vshll.u32 v3, $0x1;
	v2 =	vor.u32 v1, v2  }
0x3b: {  	v50 =	vperm.xlane v46, v0;
	[tilespmem:$0xD00] =	vst v2;
	v2 =	vor.u32 v1, v3;
	v3 =	vshll.u32 v4, $0x1  }
0x3c: {  	v51 =	vperm.xlane v47, v0;
	[tilespmem:$0xD10] =	vst v2;
	v2 =	vor.u32 v1, v3;
	v3 =	vshll.u32 v5, $0x1  }
0x3d: {  	v52 =	vperm.xlane v48, v0;
	[tilespmem:$0xD20] =	vst v2;
	v2 =	vor.u32 v1, v3;
	v3 =	vshll.u32 v50, $0x1  }
0x3e: {  	v53 =	vperm.xlane v49, v0;
	[tilespmem:$0xD30] =	vst v2;
	v2 =	vor.u32 v1, v3;
	v3 =	vshll.u32 v51, $0x1  }
0x3f: {  	[tilespmem:$0xD40] =	vst v2;
	v2 =	vor.u32 v1, v3;
	v3 =	vshll.u32 v52, $0x1  }
0x40: {  	[tilespmem:$0xD50] =	vst v2;
	v2 =	vor.u32 v1, v3;
	v3 =	vshll.u32 v53, $0x1  }
0x41: {  	[tilespmem:$0xD60] =	vst v2;
	v2 =	vor.u32 v1, v3  }
0x42: {  	[tilespmem:$0xD70] =	vst v2  }
0x43: {  	[tilespmem:s19], [sflag:$0x2] =	stream.indirect.gather [hbm4b:s3+s15], $0x80, s18, s15, $0xb8;
	[tilespmem:$0xCE80] =	vst v63  }
0x44: {  	_ =	swait.ge [sflag:s20], $0x4000  }
0x45: {  	[sflag:s20] =	ssyncset.done $0x0  }
0x46: {  	s7 =	rddreg [dreg:$0x4];
	[sflag:s20] =	ssyncadd.s32 $0xFFFFC000  }
0x47: {  	[hbm4b:s7+s2] =	stream.linear.scatter [tilespmem:s17], [sflag:$0x4], $0x4000, $0x38;
	[tilespmem:$0xCE80] =	vst v63  }
0x48: {  	v2 =	vld [tilespmem:$0x80]  }
0x49: {  	v3 =	vld [tilespmem:$0x88]  }
0x4a: {  	v54 =	vld [tilespmem:$0x90]  }
0x4b: {  	v55 =	vld [tilespmem:$0x98]  }
0x4c: {  	v56 =	vld [tilespmem:$0xA0]  }
0x4d: {  	v57 =	vld [tilespmem:$0xA8];
	v2 =	vperm.xlane v2, v0  }
0x4e: {  	v58 =	vld [tilespmem:$0xB0];
	v3 =	vperm.xlane v3, v0  }
0x4f: {  	v59 =	vld [tilespmem:$0xB8];
	v4 =	vperm.xlane v54, v0;
	v2 =	vshll.u32 v2, $0x1  }
0x50: {  	v5 =	vperm.xlane v55, v0;
	v3 =	vshll.u32 v3, $0x1;
	v2 =	vor.u32 v1, v2  }
0x51: {  	v60 =	vperm.xlane v56, v0;
	[tilespmem:$0xD80] =	vst v2;
	v2 =	vor.u32 v1, v3;
	v3 =	vshll.u32 v4, $0x1  }
0x52: {  	v61 =	vperm.xlane v57, v0;
	[tilespmem:$0xD90] =	vst v2;
	v2 =	vor.u32 v1, v3;
	v3 =	vshll.u32 v5, $0x1  }
0x53: {  	v62 =	vperm.xlane v58, v0;
	[tilespmem:$0xDA0] =	vst v2;
	v2 =	vor.u32 v1, v3;
	v3 =	vshll.u32 v60, $0x1  }
0x54: {  	v63 =	vperm.xlane v59, v0;
	[tilespmem:$0xDB0] =	vst v2;
	v2 =	vor.u32 v1, v3;
	v3 =	vshll.u32 v61, $0x1  }
0x55: {  	[tilespmem:$0xDC0] =	vst v2;
	v2 =	vor.u32 v1, v3;
	v3 =	vshll.u32 v62, $0x1  }
0x56: {  	[tilespmem:$0xDD0] =	vst v2;
	v2 =	vor.u32 v1, v3;
	v3 =	vshll.u32 v63, $0x1  }
0x57: {  	s1 =	sadd.s32 $0xFFFFFFFE, s11;
	s8 =	sadd.s32 $0x0, s12;
	[tilespmem:$0xDE0] =	vst v2;
	v2 =	vor.u32 v1, v3  }
0x58: {  	s4 =	sadd.s32 $0xFFCF3800, s8;
	p2 =	sgt.u32 s1, $0x619;
	[tilespmem:$0xDF0] =	vst v2  }
0x59: {  	[tilespmem:s22], [sflag:$0x3] =	stream.indirect.gather [hbm4b:s3+s15], $0x80, s21, s15, $0xb8;
	[tilespmem:$0xCE80] =	vst v63  }
0x5a: {  	p3 =	sne.s32 @p2 s4, $0x0;
	_ =	swait.ge [sflag:s23], $0x4000  }
0x5b: {  	s1 =	sadd.s32 @!p2 $0x0, s13;
	p1 =	por p3, !p2;
	[sflag:s23] =	ssyncset.done $0x0  }
0x5c: {  	s4 =	simm.s32 @!p1 $0x0;
	s28 =	simm.s32 @!p1 $0x4E80;
	[sflag:s23] =	ssyncadd.s32 $0xFFFFC000  }
0x5d: {  	[hbm4b:s6+s4] =	stream.linear.scatter @!p1 [tilespmem:s28], [sflag:$0x5], $0x2000, $0x38;
	[tilespmem:$0xCE80] =	vst v63  }
0x5e: {  	s1 =	sadd.s32 @!p2 $0x800, s1;
	s4 =	simm.s32 @!p2 $0x0;
	s28 =	simm.s32 @!p2 $0x4E80  }
0x5f: {  	[hbm4b:s1+s4] =	stream.linear.scatter @!p2 [tilespmem:s28], [sflag:$0x5], $0x4000, $0x38;
	[tilespmem:$0xCE80] =	vst v63  }
0x60: {  	_ =	swait.ge [sflag:s24], $0x4000  }
0x61: {  	[sflag:s24] =	ssyncset.done $0x0  }
0x62: {  	s9 =	simm.s32 $0x178;
	[sflag:s24] =	ssyncadd.s32 $0xFFFFC000  }
0x63: {  	v2 =	vld [tilespmem:s9+$0xFFFFFF48];
	_ =	sdelay $0x4  }
0x64: {  	v2 =	vperm.xlane v2, v0;
	_ =	sdelay $0x1  }
0x65: {  	v2 =	vshll.u32 v2, $0x1  }
0x66: {  	v2 =	vor.u32 v1, v2  }
0x67: {  	[tilespmem:$0xC80] =	vst v2  }
0x68: {  	v2 =	vld [tilespmem:s9+$0xFFFFFF50];
	_ =	sdelay $0x4  }
0x69: {  	v2 =	vperm.xlane v2, v0;
	_ =	sdelay $0x1  }
0x6a: {  	v2 =	vshll.u32 v2, $0x1  }
0x6b: {  	v2 =	vor.u32 v1, v2  }
0x6c: {  	[tilespmem:$0xC90] =	vst v2  }
0x6d: {  	v2 =	vld [tilespmem:s9+$0xFFFFFF58];
	_ =	sdelay $0x4  }
0x6e: {  	v2 =	vperm.xlane v2, v0;
	_ =	sdelay $0x1  }
0x6f: {  	v2 =	vshll.u32 v2, $0x1  }
0x70: {  	v2 =	vor.u32 v1, v2  }
0x71: {  	[tilespmem:$0xCA0] =	vst v2  }
0x72: {  	v2 =	vld [tilespmem:s9+$0xFFFFFF60];
	_ =	sdelay $0x4  }
0x73: {  	v2 =	vperm.xlane v2, v0;
	_ =	sdelay $0x1  }
0x74: {  	v2 =	vshll.u32 v2, $0x1  }
0x75: {  	v2 =	vor.u32 v1, v2  }
0x76: {  	[tilespmem:$0xCB0] =	vst v2  }
0x77: {  	v2 =	vld [tilespmem:s9+$0xFFFFFF68];
	_ =	sdelay $0x4  }
0x78: {  	v2 =	vperm.xlane v2, v0;
	_ =	sdelay $0x1  }
0x79: {  	v2 =	vshll.u32 v2, $0x1  }
0x7a: {  	v2 =	vor.u32 v1, v2  }
0x7b: {  	[tilespmem:$0xCC0] =	vst v2  }
0x7c: {  	v2 =	vld [tilespmem:s9+$0xFFFFFF70];
	_ =	sdelay $0x4  }
0x7d: {  	v2 =	vperm.xlane v2, v0;
	_ =	sdelay $0x1  }
0x7e: {  	v2 =	vshll.u32 v2, $0x1  }
0x7f: {  	v2 =	vor.u32 v1, v2  }
0x80: {  	[tilespmem:$0xCD0] =	vst v2  }
0x81: {  	v2 =	vld [tilespmem:s9+$0xFFFFFF78];
	_ =	sdelay $0x4  }
0x82: {  	v2 =	vperm.xlane v2, v0;
	_ =	sdelay $0x1  }
0x83: {  	v2 =	vshll.u32 v2, $0x1  }
0x84: {  	v2 =	vor.u32 v1, v2  }
0x85: {  	[tilespmem:$0xCE0] =	vst v2  }
0x86: {  	v2 =	vld [tilespmem:s9+$0xFFFFFF80];
	_ =	sdelay $0x4  }
0x87: {  	v2 =	vperm.xlane v2, v0;
	_ =	sdelay $0x1  }
0x88: {  	v2 =	vshll.u32 v2, $0x1  }
0x89: {  	s10 =	sadd.s32 $0xFFFFFFFF, s11;
	p0 =	por @p2 $0x0, $0x0;
	p6 =	por !p3, !p2;
	v2 =	vor.u32 v1, v2  }
0x8a: {  	p5 =	por @!p1 $0x1, $0x1;
	p1 =	sgt.u32 s10, $0x619;
	s28 =	sadd.s32 $0xFFCF4000, s8;
	[tilespmem:$0xCF0] =	vst v2  }
0x8b: {  	[tilespmem:s17], [sflag:$0x1] =	stream.indirect.gather [hbm4b:s3+s15], $0x80, s16, s15, $0xb8;
	[tilespmem:$0xCE80] =	vst v63  }
0x8c: {  	s4 =	sadd.s32 @!p1 $0x0, s13;
	p3 =	sne.s32 @p1 s28, $0x0;
	_ =	swait.ge [sflag:s25], $0x4000  }
0x8d: {  	s28 =	simm.s32 @!p1 $0x0;
	p4 =	por p3, !p1;
	[sflag:s25] =	ssyncset.done $0x0  }
0x8e: {  	s29 =	simm.s32 @!p4 $0x0;
	s30 =	simm.s32 @!p4 $0x8E80;
	[sflag:s25] =	ssyncadd.s32 $0xFFFFC000  }
0x8f: {  	[hbm4b:s6+s29] =	stream.linear.scatter @!p4 [tilespmem:s30], [sflag:$0x6], $0x2000, $0x38;
	[tilespmem:$0xCE80] =	vst v63  }
0x90: {  	s4 =	sadd.s32 @!p1 $0x1000, s4;
	s29 =	simm.s32 @!p1 $0x8E80;
	s30 =	simm.s32 @!p2 $0x5  }
0x91: {  	[hbm4b:s4+s28] =	stream.linear.scatter @!p1 [tilespmem:s29], [sflag:$0x6], $0x4000, $0x38;
	[tilespmem:$0xCE80] =	vst v63  }
0x92: {  	p5 =	por @!p6 p0, p0;
	p0 =	por @!p2 $0x0, $0x0;
	_ =	swait.ge @!p2 [sflag:s30], $0x4000  }
0x93: {  	p5 =	por @!p2 p0, p0;
	[sflag:s30] =	ssyncset.done @!p2 $0x0  }
0x94: {  	s4 =	simm.s32 @p5 $0x5;
	[sflag:s30] =	ssyncadd.s32 @!p2 $0xFFFFC000  }
0x95: {  	_ =	swait.ge @p5 [sflag:s4], $0x2000  }
0x96: {  	[sflag:s4] =	ssyncset.done @p5 $0x0  }
0x97: {  	s28 =	sand.u32 $0xFC0, s2;
	[sflag:s4] =	ssyncadd.s32 @p5 $0xFFFFE000  }
0x98: {  	v2 =	vld [tilespmem:s28+$0x100];
	_ =	sdelay $0x4  }
0x99: {  	v2 =	vperm.xlane v2, v0;
	_ =	sdelay $0x1  }
0x9a: {  	v2 =	vshll.u32 v2, $0x1  }
0x9b: {  	v2 =	vor.u32 v1, v2  }
0x9c: {  	[tilespmem:$0xD00] =	vst v2  }
0x9d: {  	v2 =	vld [tilespmem:s9+$0xFFFFFF90];
	_ =	sdelay $0x4  }
0x9e: {  	v2 =	vperm.xlane v2, v0;
	_ =	sdelay $0x1  }
0x9f: {  	v2 =	vshll.u32 v2, $0x1  }
0xa0: {  	v2 =	vor.u32 v1, v2  }
0xa1: {  	[tilespmem:$0xD10] =	vst v2  }
0xa2: {  	v2 =	vld [tilespmem:s9+$0xFFFFFF98];
	_ =	sdelay $0x4  }
0xa3: {  	v2 =	vperm.xlane v2, v0;
	_ =	sdelay $0x1  }
0xa4: {  	v2 =	vshll.u32 v2, $0x1  }
0xa5: {  	v2 =	vor.u32 v1, v2  }
0xa6: {  	[tilespmem:$0xD20] =	vst v2  }
0xa7: {  	v2 =	vld [tilespmem:s9+$0xFFFFFFA0];
	_ =	sdelay $0x4  }
0xa8: {  	v2 =	vperm.xlane v2, v0;
	_ =	sdelay $0x1  }
0xa9: {  	v2 =	vshll.u32 v2, $0x1  }
0xaa: {  	v2 =	vor.u32 v1, v2  }
0xab: {  	[tilespmem:$0xD30] =	vst v2  }
0xac: {  	v2 =	vld [tilespmem:s9+$0xFFFFFFA8];
	_ =	sdelay $0x4  }
0xad: {  	v2 =	vperm.xlane v2, v0;
	_ =	sdelay $0x1  }
0xae: {  	v2 =	vshll.u32 v2, $0x1  }
0xaf: {  	v2 =	vor.u32 v1, v2  }
0xb0: {  	[tilespmem:$0xD40] =	vst v2  }
0xb1: {  	v2 =	vld [tilespmem:s9+$0xFFFFFFB0];
	_ =	sdelay $0x4  }
0xb2: {  	v2 =	vperm.xlane v2, v0;
	_ =	sdelay $0x1  }
0xb3: {  	v2 =	vshll.u32 v2, $0x1  }
0xb4: {  	v2 =	vor.u32 v1, v2  }
0xb5: {  	[tilespmem:$0xD50] =	vst v2  }
0xb6: {  	v2 =	vld [tilespmem:s9+$0xFFFFFFB8];
	_ =	sdelay $0x4  }
0xb7: {  	v2 =	vperm.xlane v2, v0;
	_ =	sdelay $0x1  }
0xb8: {  	v2 =	vshll.u32 v2, $0x1  }
0xb9: {  	v2 =	vor.u32 v1, v2  }
0xba: {  	[tilespmem:$0xD60] =	vst v2  }
0xbb: {  	v2 =	vld [tilespmem:s9+$0xFFFFFFC0];
	_ =	sdelay $0x4  }
0xbc: {  	v2 =	vperm.xlane v2, v0;
	_ =	sdelay $0x1  }
0xbd: {  	v2 =	vshll.u32 v2, $0x1  }
0xbe: {  	s0 =	sadd.s32 $0xFFCF4800, s8;
	p0 =	por @p1 $0x0, $0x0;
	v2 =	vor.u32 v1, v2  }
0xbf: {  	p3 =	por !p3, !p1;
	p2 =	por @!p4 $0x1, $0x1;
	p4 =	sgt.u32 s11, $0x619;
	[tilespmem:$0xD70] =	vst v2  }
0xc0: {  	[tilespmem:s19], [sflag:$0x2] =	stream.indirect.gather [hbm4b:s3+s15], $0x80, s18, s15, $0xb8;
	[tilespmem:$0xCE80] =	vst v63  }
0xc1: {  	s29 =	simm.s32 @!p1 $0x6;
	p5 =	sne.s32 @p4 s0, $0x0;
	_ =	swait.ge [sflag:s20], $0x4000  }
0xc2: {  	s0 =	sadd.s32 @!p4 $0x0, s13;
	p5 =	por p5, !p4;
	[sflag:s20] =	ssyncset.done $0x0  }
0xc3: {  	s4 =	simm.s32 @!p5 $0x0;
	s28 =	simm.s32 @!p5 $0xE80;
	[sflag:s20] =	ssyncadd.s32 $0xFFFFC000  }
0xc4: {  	[hbm4b:s6+s4] =	stream.linear.scatter @!p5 [tilespmem:s28], [sflag:$0x4], $0x2000, $0x38;
	[tilespmem:$0xCE80] =	vst v63  }
0xc5: {  	s0 =	sadd.s32 @!p4 $0x1800, s0;
	s4 =	simm.s32 @!p4 $0x0;
	s28 =	simm.s32 @!p4 $0xE80  }
0xc6: {  	[hbm4b:s0+s4] =	stream.linear.scatter @!p4 [tilespmem:s28], [sflag:$0x4], $0x4000, $0x38;
	[tilespmem:$0xCE80] =	vst v63  }
0xc7: {  	p2 =	por @!p3 p0, p0;
	p0 =	por @!p1 $0x0, $0x0;
	_ =	swait.ge @!p1 [sflag:s29], $0x4000  }
0xc8: {  	p2 =	por @!p1 p0, p0;
	[sflag:s29] =	ssyncset.done @!p1 $0x0  }
0xc9: {  	s0 =	simm.s32 @p2 $0x6;
	[sflag:s29] =	ssyncadd.s32 @!p1 $0xFFFFC000  }
0xca: {  	_ =	swait.ge @p2 [sflag:s0], $0x2000  }
0xcb: {  	[sflag:s0] =	ssyncset.done @p2 $0x0  }
0xcc: {  	[sflag:s0] =	ssyncadd.s32 @p2 $0xFFFFE000  }
0xcd: {  	v2 =	vld [tilespmem:s9+$0xFFFFFFC8];
	_ =	sdelay $0x4  }
0xce: {  	v2 =	vperm.xlane v2, v0;
	_ =	sdelay $0x1  }
0xcf: {  	v2 =	vshll.u32 v2, $0x1  }
0xd0: {  	v2 =	vor.u32 v1, v2  }
0xd1: {  	[tilespmem:$0xD80] =	vst v2  }
0xd2: {  	v2 =	vld [tilespmem:s9+$0xFFFFFFD0];
	_ =	sdelay $0x4  }
0xd3: {  	v2 =	vperm.xlane v2, v0;
	_ =	sdelay $0x1  }
0xd4: {  	v2 =	vshll.u32 v2, $0x1  }
0xd5: {  	v2 =	vor.u32 v1, v2  }
0xd6: {  	[tilespmem:$0xD90] =	vst v2  }
0xd7: {  	v2 =	vld [tilespmem:s9+$0xFFFFFFD8];
	_ =	sdelay $0x4  }
0xd8: {  	v2 =	vperm.xlane v2, v0;
	_ =	sdelay $0x1  }
0xd9: {  	v2 =	vshll.u32 v2, $0x1  }
0xda: {  	v2 =	vor.u32 v1, v2  }
0xdb: {  	[tilespmem:$0xDA0] =	vst v2  }
0xdc: {  	v2 =	vld [tilespmem:s9+$0xFFFFFFE0];
	_ =	sdelay $0x4  }
0xdd: {  	v2 =	vperm.xlane v2, v0;
	_ =	sdelay $0x1  }
0xde: {  	v2 =	vshll.u32 v2, $0x1  }
0xdf: {  	v2 =	vor.u32 v1, v2  }
0xe0: {  	[tilespmem:$0xDB0] =	vst v2  }
0xe1: {  	v2 =	vld [tilespmem:s9+$0xFFFFFFE8];
	_ =	sdelay $0x4  }
0xe2: {  	v2 =	vperm.xlane v2, v0;
	_ =	sdelay $0x1  }
0xe3: {  	v2 =	vshll.u32 v2, $0x1  }
0xe4: {  	v2 =	vor.u32 v1, v2  }
0xe5: {  	[tilespmem:$0xDC0] =	vst v2  }
0xe6: {  	v2 =	vld [tilespmem:s9+$0xFFFFFFF0];
	_ =	sdelay $0x4  }
0xe7: {  	v2 =	vperm.xlane v2, v0;
	_ =	sdelay $0x1  }
0xe8: {  	v2 =	vshll.u32 v2, $0x1  }
0xe9: {  	v2 =	vor.u32 v1, v2  }
0xea: {  	[tilespmem:$0xDD0] =	vst v2  }
0xeb: {  	v2 =	vld [tilespmem:s9+$0xFFFFFFF8];
	_ =	sdelay $0x4  }
0xec: {  	v2 =	vperm.xlane v2, v0;
	_ =	sdelay $0x1  }
0xed: {  	v2 =	vshll.u32 v2, $0x1  }
0xee: {  	s31 =	simm.s32 $0xC0;
	v2 =	vor.u32 v1, v2  }
0xef: {  	s1 =	sadd.s32 $0x1800, s12;
	s30 =	sadd.s32 $0x3, s11;
	s28 =	simm.s32 $0x238;
	[tilespmem:$0xDE0] =	vst v2  }
0xf0: {  	s4 =	sadd.s32 $0xFFFFFFFE, s30;
	s29 =	simm.s32 $0x1800;
	s0 =	simm.s32 $0x3000;
	v2 =	vld [tilespmem:s9+$0x0]  }
.LBB2_2:
0xf1: {  	_ =	sdelay $0x3  }
0xf2: {  	p5 =	sgt.u32 s4, $0x619;
	s4 =	smov.u32 s0;
	s0 =	sadd.s32 $0x1800, s0;
	v2 =	vperm.xlane v2, v0  }
0xf3: {  	p0 =	sne.s32 s0, $0x16800  }
0xf4: {  	s7 =	simm.s32 @!p0 $0x0;
	v2 =	vshll.u32 v2, $0x1  }
0xf5: {  	s7 =	simm.s32 @p0 $0x1;
	v2 =	vor.u32 v1, v2  }
0xf6: {  	s5 =	sadd.s32 $0xFFCF3800, s1;
	[smem:$0x7F9] =	sst s7;
	[tilespmem:$0xDF0] =	vst v2  }
0xf7: {  	[tilespmem:s22], [sflag:$0x3] =	stream.indirect.gather [hbm4b:s3+s15], $0x80, s21, s15, $0xb8;
	[tilespmem:$0xCE80] =	vst v63  }
0xf8: {  	p0 =	sne.s32 @p5 s5, $0x0;
	_ =	swait.ge [sflag:s23], $0x4000  }
0xf9: {  	s5 =	sadd.s32 @!p5 s29, s13;
	p2 =	por p0, !p5;
	[sflag:s23] =	ssyncset.done $0x0  }
0xfa: {  	s7 =	simm.s32 @!p2 $0x0;
	s8 =	simm.s32 @!p2 $0x4E80;
	[sflag:s23] =	ssyncadd.s32 $0xFFFFC000  }
0xfb: {  	[hbm4b:s6+s7] =	stream.linear.scatter @!p2 [tilespmem:s8], [sflag:$0x5], $0x2000, $0x38;
	[tilespmem:$0xCE80] =	vst v63  }
0xfc: {  	s5 =	sadd.s32 @!p5 $0x800, s5;
	s7 =	simm.s32 @!p5 $0x0;
	s8 =	simm.s32 @!p5 $0x4E80  }
0xfd: {  	[hbm4b:s5+s7] =	stream.linear.scatter @!p5 [tilespmem:s8], [sflag:$0x5], $0x4000, $0x38;
	[tilespmem:$0xCE80] =	vst v63  }
0xfe: {  	_ =	swait.ge [sflag:s24], $0x4000  }
0xff: {  	[sflag:s24] =	ssyncset.done $0x0  }
0x100: {  	[sflag:s24] =	ssyncadd.s32 $0xFFFFC000  }
0x101: {  	v2 =	vld [tilespmem:s28+$0xFFFFFF48];
	_ =	sdelay $0x4  }
0x102: {  	v2 =	vperm.xlane v2, v0;
	_ =	sdelay $0x1  }
0x103: {  	v2 =	vshll.u32 v2, $0x1  }
0x104: {  	v2 =	vor.u32 v1, v2  }
0x105: {  	[tilespmem:$0xC80] =	vst v2  }
0x106: {  	v2 =	vld [tilespmem:s28+$0xFFFFFF50];
	_ =	sdelay $0x4  }
0x107: {  	v2 =	vperm.xlane v2, v0;
	_ =	sdelay $0x1  }
0x108: {  	v2 =	vshll.u32 v2, $0x1  }
0x109: {  	v2 =	vor.u32 v1, v2  }
0x10a: {  	[tilespmem:$0xC90] =	vst v2  }
0x10b: {  	v2 =	vld [tilespmem:s28+$0xFFFFFF58];
	_ =	sdelay $0x4  }
0x10c: {  	v2 =	vperm.xlane v2, v0;
	_ =	sdelay $0x1  }
0x10d: {  	v2 =	vshll.u32 v2, $0x1  }
0x10e: {  	v2 =	vor.u32 v1, v2  }
0x10f: {  	[tilespmem:$0xCA0] =	vst v2  }
0x110: {  	v2 =	vld [tilespmem:s28+$0xFFFFFF60];
	_ =	sdelay $0x4  }
0x111: {  	v2 =	vperm.xlane v2, v0;
	_ =	sdelay $0x1  }
0x112: {  	v2 =	vshll.u32 v2, $0x1  }
0x113: {  	v2 =	vor.u32 v1, v2  }
0x114: {  	[tilespmem:$0xCB0] =	vst v2  }
0x115: {  	v2 =	vld [tilespmem:s28+$0xFFFFFF68];
	_ =	sdelay $0x4  }
0x116: {  	v2 =	vperm.xlane v2, v0;
	_ =	sdelay $0x1  }
0x117: {  	v2 =	vshll.u32 v2, $0x1  }
0x118: {  	v2 =	vor.u32 v1, v2  }
0x119: {  	[tilespmem:$0xCC0] =	vst v2  }
0x11a: {  	v2 =	vld [tilespmem:s28+$0xFFFFFF70];
	_ =	sdelay $0x4  }
0x11b: {  	v2 =	vperm.xlane v2, v0;
	_ =	sdelay $0x1  }
0x11c: {  	v2 =	vshll.u32 v2, $0x1  }
0x11d: {  	v2 =	vor.u32 v1, v2  }
0x11e: {  	[tilespmem:$0xCD0] =	vst v2  }
0x11f: {  	v2 =	vld [tilespmem:s28+$0xFFFFFF78];
	_ =	sdelay $0x4  }
0x120: {  	v2 =	vperm.xlane v2, v0;
	_ =	sdelay $0x1  }
0x121: {  	v2 =	vshll.u32 v2, $0x1  }
0x122: {  	v2 =	vor.u32 v1, v2  }
0x123: {  	[tilespmem:$0xCE0] =	vst v2  }
0x124: {  	v2 =	vld [tilespmem:s28+$0xFFFFFF80];
	_ =	sdelay $0x4  }
0x125: {  	v2 =	vperm.xlane v2, v0;
	_ =	sdelay $0x1  }
0x126: {  	p1 =	por @p5 $0x0, $0x0;
	p0 =	por !p0, !p5;
	s8 =	sadd.s32 $0xFFFFFFFF, s30;
	v2 =	vshll.u32 v2, $0x1  }
0x127: {  	p3 =	por @!p2 $0x1, $0x1;
	s7 =	sadd.s32 $0xFFCF4000, s1;
	p6 =	sgt.u32 s8, $0x619;
	v2 =	vor.u32 v1, v2  }
0x128: {  	p3 =	por @!p0 p1, p1;
	p2 =	sne.s32 @p6 s7, $0x0;
	[tilespmem:$0xCF0] =	vst v2  }
0x129: {  	[tilespmem:s17], [sflag:$0x1] =	stream.indirect.gather [hbm4b:s3+s15], $0x80, s16, s15, $0xb8;
	[tilespmem:$0xCE80] =	vst v63  }
0x12a: {  	s5 =	sadd.s32 @!p6 s29, s13;
	s7 =	simm.s32 @!p6 $0x0;
	_ =	swait.ge [sflag:s25], $0x4000  }
0x12b: {  	s10 =	simm.s32 @!p6 $0x8E80;
	p0 =	por p2, !p6;
	[sflag:s25] =	ssyncset.done $0x0  }
0x12c: {  	s8 =	simm.s32 @!p0 $0x0;
	s9 =	simm.s32 @!p0 $0x8E80;
	[sflag:s25] =	ssyncadd.s32 $0xFFFFC000  }
0x12d: {  	[hbm4b:s6+s8] =	stream.linear.scatter @!p0 [tilespmem:s9], [sflag:$0x6], $0x2000, $0x38;
	[tilespmem:$0xCE80] =	vst v63  }
0x12e: {  	p1 =	por !p2, !p6;
	s5 =	sadd.s32 @!p6 $0x1000, s5;
	s8 =	simm.s32 @!p5 $0x5  }
0x12f: {  	[hbm4b:s5+s7] =	stream.linear.scatter @!p6 [tilespmem:s10], [sflag:$0x6], $0x4000, $0x38;
	[tilespmem:$0xCE80] =	vst v63  }
0x130: {  	p2 =	por @!p0 $0x1, $0x1;
	p0 =	por @!p5 $0x0, $0x0;
	_ =	swait.ge @!p5 [sflag:s8], $0x4000  }
0x131: {  	p3 =	por @!p5 p0, p0;
	[sflag:s8] =	ssyncset.done @!p5 $0x0  }
0x132: {  	s5 =	simm.s32 @p3 $0x5;
	[sflag:s8] =	ssyncadd.s32 @!p5 $0xFFFFC000  }
0x133: {  	_ =	swait.ge @p3 [sflag:s5], $0x2000  }
0x134: {  	[sflag:s5] =	ssyncset.done @p3 $0x0  }
0x135: {  	s9 =	sand.u32 $0xFC0, s31;
	[sflag:s5] =	ssyncadd.s32 @p3 $0xFFFFE000  }
0x136: {  	v2 =	vld [tilespmem:s9+$0x100];
	_ =	sdelay $0x4  }
0x137: {  	v2 =	vperm.xlane v2, v0;
	_ =	sdelay $0x1  }
0x138: {  	v2 =	vshll.u32 v2, $0x1  }
0x139: {  	v2 =	vor.u32 v1, v2  }
0x13a: {  	[tilespmem:$0xD00] =	vst v2  }
0x13b: {  	v2 =	vld [tilespmem:s28+$0xFFFFFF90];
	_ =	sdelay $0x4  }
0x13c: {  	v2 =	vperm.xlane v2, v0;
	_ =	sdelay $0x1  }
0x13d: {  	v2 =	vshll.u32 v2, $0x1  }
0x13e: {  	v2 =	vor.u32 v1, v2  }
0x13f: {  	[tilespmem:$0xD10] =	vst v2  }
0x140: {  	v2 =	vld [tilespmem:s28+$0xFFFFFF98];
	_ =	sdelay $0x4  }
0x141: {  	v2 =	vperm.xlane v2, v0;
	_ =	sdelay $0x1  }
0x142: {  	v2 =	vshll.u32 v2, $0x1  }
0x143: {  	v2 =	vor.u32 v1, v2  }
0x144: {  	[tilespmem:$0xD20] =	vst v2  }
0x145: {  	v2 =	vld [tilespmem:s28+$0xFFFFFFA0];
	_ =	sdelay $0x4  }
0x146: {  	v2 =	vperm.xlane v2, v0;
	_ =	sdelay $0x1  }
0x147: {  	v2 =	vshll.u32 v2, $0x1  }
0x148: {  	v2 =	vor.u32 v1, v2  }
0x149: {  	[tilespmem:$0xD30] =	vst v2  }
0x14a: {  	v2 =	vld [tilespmem:s28+$0xFFFFFFA8];
	_ =	sdelay $0x4  }
0x14b: {  	v2 =	vperm.xlane v2, v0;
	_ =	sdelay $0x1  }
0x14c: {  	v2 =	vshll.u32 v2, $0x1  }
0x14d: {  	v2 =	vor.u32 v1, v2  }
0x14e: {  	[tilespmem:$0xD40] =	vst v2  }
0x14f: {  	v2 =	vld [tilespmem:s28+$0xFFFFFFB0];
	_ =	sdelay $0x4  }
0x150: {  	v2 =	vperm.xlane v2, v0;
	_ =	sdelay $0x1  }
0x151: {  	v2 =	vshll.u32 v2, $0x1  }
0x152: {  	v2 =	vor.u32 v1, v2  }
0x153: {  	[tilespmem:$0xD50] =	vst v2  }
0x154: {  	v2 =	vld [tilespmem:s28+$0xFFFFFFB8];
	_ =	sdelay $0x4  }
0x155: {  	v2 =	vperm.xlane v2, v0;
	_ =	sdelay $0x1  }
0x156: {  	v2 =	vshll.u32 v2, $0x1  }
0x157: {  	v2 =	vor.u32 v1, v2  }
0x158: {  	[tilespmem:$0xD60] =	vst v2  }
0x159: {  	v2 =	vld [tilespmem:s28+$0xFFFFFFC0];
	_ =	sdelay $0x4  }
0x15a: {  	v2 =	vperm.xlane v2, v0;
	_ =	sdelay $0x1  }
0x15b: {  	p4 =	por @p6 $0x0, $0x0;
	v2 =	vshll.u32 v2, $0x1  }
0x15c: {  	s1 =	sadd.s32 $0xFFCF4800, s1;
	p2 =	por @!p1 p4, p4;
	p1 =	sgt.u32 s30, $0x619;
	v2 =	vor.u32 v1, v2  }
0x15d: {  	p0 =	sne.s32 @p1 s1, $0x0;
	[tilespmem:$0xD70] =	vst v2  }
0x15e: {  	[tilespmem:s19], [sflag:$0x2] =	stream.indirect.gather [hbm4b:s3+s15], $0x80, s18, s15, $0xb8;
	[tilespmem:$0xCE80] =	vst v63  }
0x15f: {  	s1 =	sadd.s32 @!p1 s29, s13;
	s29 =	smov.u32 s4;
	_ =	swait.ge [sflag:s20], $0x4000  }
0x160: {  	s4 =	simm.s32 @!p1 $0x0;
	p0 =	por p0, !p1;
	[sflag:s20] =	ssyncset.done $0x0  }
0x161: {  	s7 =	simm.s32 @!p0 $0x0;
	s8 =	simm.s32 @!p0 $0xE80;
	[sflag:s20] =	ssyncadd.s32 $0xFFFFC000  }
0x162: {  	[hbm4b:s6+s7] =	stream.linear.scatter @!p0 [tilespmem:s8], [sflag:$0x4], $0x2000, $0x38;
	[tilespmem:$0xCE80] =	vst v63  }
0x163: {  	s1 =	sadd.s32 @!p1 $0x1800, s1;
	s5 =	simm.s32 @!p1 $0xE80;
	s7 =	simm.s32 @!p6 $0x6  }
0x164: {  	[hbm4b:s1+s4] =	stream.linear.scatter @!p1 [tilespmem:s5], [sflag:$0x4], $0x4000, $0x38;
	[tilespmem:$0xCE80] =	vst v63  }
0x165: {  	p0 =	por @!p6 $0x0, $0x0;
	_ =	swait.ge @!p6 [sflag:s7], $0x4000  }
0x166: {  	p2 =	por @!p6 p0, p0;
	[sflag:s7] =	ssyncset.done @!p6 $0x0  }
0x167: {  	s1 =	simm.s32 @p2 $0x6;
	[sflag:s7] =	ssyncadd.s32 @!p6 $0xFFFFC000  }
0x168: {  	_ =	swait.ge @p2 [sflag:s1], $0x2000  }
0x169: {  	[sflag:s1] =	ssyncset.done @p2 $0x0  }
0x16a: {  	[sflag:s1] =	ssyncadd.s32 @p2 $0xFFFFE000  }
0x16b: {  	v2 =	vld [tilespmem:s28+$0xFFFFFFC8];
	_ =	sdelay $0x4  }
0x16c: {  	v2 =	vperm.xlane v2, v0;
	_ =	sdelay $0x1  }
0x16d: {  	v2 =	vshll.u32 v2, $0x1  }
0x16e: {  	v2 =	vor.u32 v1, v2  }
0x16f: {  	[tilespmem:$0xD80] =	vst v2  }
0x170: {  	v2 =	vld [tilespmem:s28+$0xFFFFFFD0];
	_ =	sdelay $0x4  }
0x171: {  	v2 =	vperm.xlane v2, v0;
	_ =	sdelay $0x1  }
0x172: {  	v2 =	vshll.u32 v2, $0x1  }
0x173: {  	v2 =	vor.u32 v1, v2  }
0x174: {  	[tilespmem:$0xD90] =	vst v2  }
0x175: {  	v2 =	vld [tilespmem:s28+$0xFFFFFFD8];
	_ =	sdelay $0x4  }
0x176: {  	v2 =	vperm.xlane v2, v0;
	_ =	sdelay $0x1  }
0x177: {  	v2 =	vshll.u32 v2, $0x1  }
0x178: {  	v2 =	vor.u32 v1, v2  }
0x179: {  	[tilespmem:$0xDA0] =	vst v2  }
0x17a: {  	v2 =	vld [tilespmem:s28+$0xFFFFFFE0];
	_ =	sdelay $0x4  }
0x17b: {  	v2 =	vperm.xlane v2, v0;
	_ =	sdelay $0x1  }
0x17c: {  	v2 =	vshll.u32 v2, $0x1  }
0x17d: {  	v2 =	vor.u32 v1, v2  }
0x17e: {  	[tilespmem:$0xDB0] =	vst v2  }
0x17f: {  	v2 =	vld [tilespmem:s28+$0xFFFFFFE8];
	_ =	sdelay $0x4  }
0x180: {  	v2 =	vperm.xlane v2, v0;
	_ =	sdelay $0x1  }
0x181: {  	v2 =	vshll.u32 v2, $0x1  }
0x182: {  	v2 =	vor.u32 v1, v2  }
0x183: {  	[tilespmem:$0xDC0] =	vst v2  }
0x184: {  	v2 =	vld [tilespmem:s28+$0xFFFFFFF0];
	_ =	sdelay $0x4  }
0x185: {  	v2 =	vperm.xlane v2, v0;
	_ =	sdelay $0x1  }
0x186: {  	v2 =	vshll.u32 v2, $0x1  }
0x187: {  	v2 =	vor.u32 v1, v2  }
0x188: {  	[tilespmem:$0xDD0] =	vst v2  }
0x189: {  	v2 =	vld [tilespmem:s28+$0xFFFFFFF8];
	_ =	sdelay $0x1  }
0x18a: {  	s10 =	sld [smem:$0x7F9];
	_ =	sdelay $0x2  }
0x18b: {  	p0 =	seq.s32 s10, $0x1;
	v2 =	vperm.xlane v2, v0  }
.Ltmp0:
0x18c: {  	_ = 	snop;
	(pc) =	sbr.rel @p0 .LBB2_2-.Ltmp0, $4  }
0x18d: {  	v2 =	vshll.u32 v2, $0x1  }
0x18e: {  	v2 =	vor.u32 v1, v2  }
0x18f: {  	s30 =	sadd.s32 $0x3, s30;
	s31 =	sadd.s32 $0xC0, s31;
	[tilespmem:$0xDE0] =	vst v2  }
0x190: {  	s4 =	sadd.s32 $0xFFFFFFFE, s30;
	s1 =	sadd.s32 s29, s12;
	v2 =	vld [tilespmem:s28+$0x0];
	s28 =	sadd.s32 $0xC0, s28  }
0x191: {  	_ =	sdelay $0x3  }
0x192: {  	v2 =	vperm.xlane v2, v0;
	_ =	sdelay $0x1  }
0x193: {  	v2 =	vshll.u32 v2, $0x1  }
0x194: {  	v2 =	vor.u32 v1, v2  }
0x195: {  	s0 =	sadd.s32 $0xFFCF3800, s1;
	p2 =	sgt.u32 s4, $0x619;
	[tilespmem:$0xDF0] =	vst v2  }
0x196: {  	[tilespmem:s22], [sflag:$0x3] =	stream.indirect.gather [hbm4b:s3+s15], $0x80, s21, s15, $0xb8;
	[tilespmem:$0xCE80] =	vst v63  }
0x197: {  	p6 =	sne.s32 @p2 s0, $0x0;
	_ =	swait.ge [sflag:s23], $0x4000  }
0x198: {  	s0 =	sadd.s32 @!p2 s29, s13;
	p3 =	por p6, !p2;
	[sflag:s23] =	ssyncset.done $0x0  }
0x199: {  	s4 =	simm.s32 @!p3 $0x0;
	s5 =	simm.s32 @!p3 $0x4E80;
	[sflag:s23] =	ssyncadd.s32 $0xFFFFC000  }
0x19a: {  	[hbm4b:s6+s4] =	stream.linear.scatter @!p3 [tilespmem:s5], [sflag:$0x5], $0x2000, $0x38;
	[tilespmem:$0xCE80] =	vst v63  }
0x19b: {  	s0 =	sadd.s32 @!p2 $0x800, s0;
	s4 =	simm.s32 @!p2 $0x0;
	s5 =	simm.s32 @!p2 $0x4E80  }
0x19c: {  	[hbm4b:s0+s4] =	stream.linear.scatter @!p2 [tilespmem:s5], [sflag:$0x5], $0x4000, $0x38;
	[tilespmem:$0xCE80] =	vst v63  }
0x19d: {  	_ =	swait.ge [sflag:s24], $0x4000  }
0x19e: {  	[sflag:s24] =	ssyncset.done $0x0  }
0x19f: {  	[sflag:s24] =	ssyncadd.s32 $0xFFFFC000  }
0x1a0: {  	v2 =	vld [tilespmem:s28+$0xFFFFFF48];
	_ =	sdelay $0x4  }
0x1a1: {  	v2 =	vperm.xlane v2, v0;
	_ =	sdelay $0x1  }
0x1a2: {  	v2 =	vshll.u32 v2, $0x1  }
0x1a3: {  	v2 =	vor.u32 v1, v2  }
0x1a4: {  	[tilespmem:$0xC80] =	vst v2  }
0x1a5: {  	v2 =	vld [tilespmem:s28+$0xFFFFFF50];
	_ =	sdelay $0x4  }
0x1a6: {  	v2 =	vperm.xlane v2, v0;
	_ =	sdelay $0x1  }
0x1a7: {  	v2 =	vshll.u32 v2, $0x1  }
0x1a8: {  	v2 =	vor.u32 v1, v2  }
0x1a9: {  	[tilespmem:$0xC90] =	vst v2  }
0x1aa: {  	v2 =	vld [tilespmem:s28+$0xFFFFFF58];
	_ =	sdelay $0x4  }
0x1ab: {  	v2 =	vperm.xlane v2, v0;
	_ =	sdelay $0x1  }
0x1ac: {  	v2 =	vshll.u32 v2, $0x1  }
0x1ad: {  	v2 =	vor.u32 v1, v2  }
0x1ae: {  	[tilespmem:$0xCA0] =	vst v2  }
0x1af: {  	v2 =	vld [tilespmem:s28+$0xFFFFFF60];
	_ =	sdelay $0x4  }
0x1b0: {  	v2 =	vperm.xlane v2, v0;
	_ =	sdelay $0x1  }
0x1b1: {  	v2 =	vshll.u32 v2, $0x1  }
0x1b2: {  	v2 =	vor.u32 v1, v2  }
0x1b3: {  	[tilespmem:$0xCB0] =	vst v2  }
0x1b4: {  	v2 =	vld [tilespmem:s28+$0xFFFFFF68];
	_ =	sdelay $0x4  }
0x1b5: {  	v2 =	vperm.xlane v2, v0;
	_ =	sdelay $0x1  }
0x1b6: {  	v2 =	vshll.u32 v2, $0x1  }
0x1b7: {  	v2 =	vor.u32 v1, v2  }
0x1b8: {  	[tilespmem:$0xCC0] =	vst v2  }
0x1b9: {  	v2 =	vld [tilespmem:s28+$0xFFFFFF70];
	_ =	sdelay $0x4  }
0x1ba: {  	v2 =	vperm.xlane v2, v0;
	_ =	sdelay $0x1  }
0x1bb: {  	v2 =	vshll.u32 v2, $0x1  }
0x1bc: {  	v2 =	vor.u32 v1, v2  }
0x1bd: {  	[tilespmem:$0xCD0] =	vst v2  }
0x1be: {  	v2 =	vld [tilespmem:s28+$0xFFFFFF78];
	_ =	sdelay $0x4  }
0x1bf: {  	v2 =	vperm.xlane v2, v0;
	_ =	sdelay $0x1  }
0x1c0: {  	v2 =	vshll.u32 v2, $0x1  }
0x1c1: {  	v2 =	vor.u32 v1, v2  }
0x1c2: {  	[tilespmem:$0xCE0] =	vst v2  }
0x1c3: {  	v2 =	vld [tilespmem:s28+$0xFFFFFF80];
	_ =	sdelay $0x4  }
0x1c4: {  	v2 =	vperm.xlane v2, v0;
	_ =	sdelay $0x1  }
0x1c5: {  	v2 =	vshll.u32 v2, $0x1  }
0x1c6: {  	s8 =	sadd.s32 $0xFFFFFFFF, s30;
	v2 =	vor.u32 v1, v2  }
0x1c7: {  	p1 =	sgt.u32 s8, $0x619;
	s4 =	sadd.s32 $0xFFCF4000, s1;
	[tilespmem:$0xCF0] =	vst v2  }
0x1c8: {  	[tilespmem:s17], [sflag:$0x1] =	stream.indirect.gather [hbm4b:s3+s15], $0x80, s16, s15, $0xb8;
	[tilespmem:$0xCE80] =	vst v63  }
0x1c9: {  	p0 =	por !p6, !p2;
	p4 =	sne.s32 @p1 s4, $0x0;
	_ =	swait.ge [sflag:s25], $0x4000  }
0x1ca: {  	s0 =	sadd.s32 @!p1 s29, s13;
	p5 =	por p4, !p1;
	[sflag:s25] =	ssyncset.done $0x0  }
0x1cb: {  	s4 =	simm.s32 @!p5 $0x0;
	s5 =	simm.s32 @!p5 $0x8E80;
	[sflag:s25] =	ssyncadd.s32 $0xFFFFC000  }
0x1cc: {  	[hbm4b:s6+s4] =	stream.linear.scatter @!p5 [tilespmem:s5], [sflag:$0x6], $0x2000, $0x38;
	[tilespmem:$0xCE80] =	vst v63  }
0x1cd: {  	s0 =	sadd.s32 @!p1 $0x1000, s0;
	s4 =	simm.s32 @!p1 $0x0;
	s5 =	simm.s32 @!p1 $0x8E80  }
0x1ce: {  	[hbm4b:s0+s4] =	stream.linear.scatter @!p1 [tilespmem:s5], [sflag:$0x6], $0x4000, $0x38;
	[tilespmem:$0xCE80] =	vst v63  }
0x1cf: {  	p6 =	por @p2 $0x0, $0x0;
	p3 =	por @!p3 $0x1, $0x1;
	s0 =	simm.s32 @!p2 $0x5  }
0x1d0: {  	p3 =	por @!p0 p6, p6;
	p0 =	por @!p2 $0x0, $0x0;
	_ =	swait.ge @!p2 [sflag:s0], $0x4000  }
0x1d1: {  	p3 =	por @!p2 p0, p0;
	[sflag:s0] =	ssyncset.done @!p2 $0x0  }
0x1d2: {  	[sflag:s0] =	ssyncadd.s32 @!p2 $0xFFFFC000;
	s0 =	simm.s32 @p3 $0x5  }
0x1d3: {  	_ =	swait.ge @p3 [sflag:s0], $0x2000  }
0x1d4: {  	[sflag:s0] =	ssyncset.done @p3 $0x0  }
0x1d5: {  	s9 =	sand.u32 $0xFC0, s31;
	[sflag:s0] =	ssyncadd.s32 @p3 $0xFFFFE000  }
0x1d6: {  	v2 =	vld [tilespmem:s9+$0x100];
	_ =	sdelay $0x4  }
0x1d7: {  	v2 =	vperm.xlane v2, v0;
	_ =	sdelay $0x1  }
0x1d8: {  	v2 =	vshll.u32 v2, $0x1  }
0x1d9: {  	v2 =	vor.u32 v1, v2  }
0x1da: {  	[tilespmem:$0xD00] =	vst v2  }
0x1db: {  	v2 =	vld [tilespmem:s28+$0xFFFFFF90];
	_ =	sdelay $0x4  }
0x1dc: {  	v2 =	vperm.xlane v2, v0;
	_ =	sdelay $0x1  }
0x1dd: {  	v2 =	vshll.u32 v2, $0x1  }
0x1de: {  	v2 =	vor.u32 v1, v2  }
0x1df: {  	[tilespmem:$0xD10] =	vst v2  }
0x1e0: {  	v2 =	vld [tilespmem:s28+$0xFFFFFF98];
	_ =	sdelay $0x4  }
0x1e1: {  	v2 =	vperm.xlane v2, v0;
	_ =	sdelay $0x1  }
0x1e2: {  	v2 =	vshll.u32 v2, $0x1  }
0x1e3: {  	v2 =	vor.u32 v1, v2  }
0x1e4: {  	[tilespmem:$0xD20] =	vst v2  }
0x1e5: {  	v2 =	vld [tilespmem:s28+$0xFFFFFFA0];
	_ =	sdelay $0x4  }
0x1e6: {  	v2 =	vperm.xlane v2, v0;
	_ =	sdelay $0x1  }
0x1e7: {  	v2 =	vshll.u32 v2, $0x1  }
0x1e8: {  	v2 =	vor.u32 v1, v2  }
0x1e9: {  	[tilespmem:$0xD30] =	vst v2  }
0x1ea: {  	v2 =	vld [tilespmem:s28+$0xFFFFFFA8];
	_ =	sdelay $0x4  }
0x1eb: {  	v2 =	vperm.xlane v2, v0;
	_ =	sdelay $0x1  }
0x1ec: {  	v2 =	vshll.u32 v2, $0x1  }
0x1ed: {  	v2 =	vor.u32 v1, v2  }
0x1ee: {  	[tilespmem:$0xD40] =	vst v2  }
0x1ef: {  	v2 =	vld [tilespmem:s28+$0xFFFFFFB0];
	_ =	sdelay $0x4  }
0x1f0: {  	v2 =	vperm.xlane v2, v0;
	_ =	sdelay $0x1  }
0x1f1: {  	v2 =	vshll.u32 v2, $0x1  }
0x1f2: {  	v2 =	vor.u32 v1, v2  }
0x1f3: {  	[tilespmem:$0xD50] =	vst v2  }
0x1f4: {  	v2 =	vld [tilespmem:s28+$0xFFFFFFB8];
	_ =	sdelay $0x4  }
0x1f5: {  	v2 =	vperm.xlane v2, v0;
	_ =	sdelay $0x1  }
0x1f6: {  	v2 =	vshll.u32 v2, $0x1  }
0x1f7: {  	v2 =	vor.u32 v1, v2  }
0x1f8: {  	[tilespmem:$0xD60] =	vst v2  }
0x1f9: {  	v2 =	vld [tilespmem:s28+$0xFFFFFFC0];
	_ =	sdelay $0x4  }
0x1fa: {  	v2 =	vperm.xlane v2, v0;
	_ =	sdelay $0x1  }
0x1fb: {  	v2 =	vshll.u32 v2, $0x1  }
0x1fc: {  	v2 =	vor.u32 v1, v2  }
0x1fd: {  	p0 =	sgt.u32 s30, $0x619;
	s0 =	sadd.s32 $0xFFCF4800, s1;
	[tilespmem:$0xD70] =	vst v2  }
0x1fe: {  	[tilespmem:s19], [sflag:$0x2] =	stream.indirect.gather [hbm4b:s3+s15], $0x80, s18, s15, $0xb8;
	[tilespmem:$0xCE80] =	vst v63  }
0x1ff: {  	p2 =	sne.s32 @p0 s0, $0x0;
	_ =	swait.ge [sflag:s20], $0x4000  }
0x200: {  	p2 =	por p2, !p0;
	[sflag:s20] =	ssyncset.done $0x0  }
0x201: {  	s0 =	simm.s32 @!p2 $0x0;
	s1 =	simm.s32 @!p2 $0xE80;
	[sflag:s20] =	ssyncadd.s32 $0xFFFFC000  }
0x202: {  	[hbm4b:s6+s0] =	stream.linear.scatter @!p2 [tilespmem:s1], [sflag:$0x4], $0x2000, $0x38;
	[tilespmem:$0xCE80] =	vst v63  }
0x203: {  	s4 =	simm.s32 @!p0 $0xE80;
	s0 =	sadd.s32 @!p0 s29, s13  }
0x204: {  	p3 =	por @!p5 $0x1, $0x1;
	s1 =	simm.s32 @!p0 $0x0;
	s0 =	sadd.s32 @!p0 $0x1800, s0  }
0x205: {  	[hbm4b:s0+s1] =	stream.linear.scatter @!p0 [tilespmem:s4], [sflag:$0x4], $0x4000, $0x38;
	[tilespmem:$0xCE80] =	vst v63  }
0x206: {  	p2 =	por !p4, !p1;
	p0 =	por @p1 $0x0, $0x0;
	s0 =	simm.s32 @!p1 $0x6  }
0x207: {  	p3 =	por @!p2 p0, p0;
	p0 =	por @!p1 $0x0, $0x0;
	_ =	swait.ge @!p1 [sflag:s0], $0x4000  }
0x208: {  	p3 =	por @!p1 p0, p0;
	[sflag:s0] =	ssyncset.done @!p1 $0x0  }
0x209: {  	[sflag:s0] =	ssyncadd.s32 @!p1 $0xFFFFC000;
	s0 =	simm.s32 @p3 $0x6  }
0x20a: {  	_ =	swait.ge @p3 [sflag:s0], $0x2000  }
0x20b: {  	[sflag:s0] =	ssyncset.done @p3 $0x0  }
0x20c: {  	[sflag:s0] =	ssyncadd.s32 @p3 $0xFFFFE000  }
0x20d: {  	v2 =	vld [tilespmem:s28+$0xFFFFFFC8];
	_ =	sdelay $0x4  }
0x20e: {  	v2 =	vperm.xlane v2, v0;
	_ =	sdelay $0x1  }
0x20f: {  	v2 =	vshll.u32 v2, $0x1  }
0x210: {  	v2 =	vor.u32 v1, v2  }
0x211: {  	[tilespmem:$0xD80] =	vst v2  }
0x212: {  	v2 =	vld [tilespmem:s28+$0xFFFFFFD0];
	_ =	sdelay $0x4  }
0x213: {  	v2 =	vperm.xlane v2, v0;
	_ =	sdelay $0x1  }
0x214: {  	v2 =	vshll.u32 v2, $0x1  }
0x215: {  	v2 =	vor.u32 v1, v2  }
0x216: {  	[tilespmem:$0xD90] =	vst v2  }
0x217: {  	v2 =	vld [tilespmem:s28+$0xFFFFFFD8];
	_ =	sdelay $0x4  }
0x218: {  	v2 =	vperm.xlane v2, v0;
	_ =	sdelay $0x1  }
0x219: {  	v2 =	vshll.u32 v2, $0x1  }
0x21a: {  	v2 =	vor.u32 v1, v2  }
0x21b: {  	[tilespmem:$0xDA0] =	vst v2  }
0x21c: {  	v2 =	vld [tilespmem:s28+$0xFFFFFFE0];
	_ =	sdelay $0x4  }
0x21d: {  	v2 =	vperm.xlane v2, v0;
	_ =	sdelay $0x1  }
0x21e: {  	v2 =	vshll.u32 v2, $0x1  }
0x21f: {  	v2 =	vor.u32 v1, v2  }
0x220: {  	[tilespmem:$0xDB0] =	vst v2  }
0x221: {  	v2 =	vld [tilespmem:s28+$0xFFFFFFE8];
	_ =	sdelay $0x4  }
0x222: {  	v2 =	vperm.xlane v2, v0;
	_ =	sdelay $0x1  }
0x223: {  	v2 =	vshll.u32 v2, $0x1  }
0x224: {  	v2 =	vor.u32 v1, v2  }
0x225: {  	[tilespmem:$0xDC0] =	vst v2  }
0x226: {  	v2 =	vld [tilespmem:s28+$0xFFFFFFF0];
	_ =	sdelay $0x4  }
0x227: {  	v2 =	vperm.xlane v2, v0;
	_ =	sdelay $0x1  }
0x228: {  	v2 =	vshll.u32 v2, $0x1  }
0x229: {  	v2 =	vor.u32 v1, v2  }
0x22a: {  	[tilespmem:$0xDD0] =	vst v2  }
0x22b: {  	v2 =	vld [tilespmem:s28+$0xFFFFFFF8];
	_ =	sdelay $0x4  }
0x22c: {  	v2 =	vperm.xlane v2, v0;
	_ =	sdelay $0x1  }
0x22d: {  	v2 =	vshll.u32 v2, $0x1  }
0x22e: {  	v2 =	vor.u32 v1, v2  }
0x22f: {  	[tilespmem:$0xDE0] =	vst v2  }
0x230: {  	v2 =	vld [tilespmem:s28+$0x0];
	_ =	sdelay $0x4  }
0x231: {  	v2 =	vperm.xlane v2, v0;
	_ =	sdelay $0x1  }
0x232: {  	v2 =	vshll.u32 v2, $0x1  }
0x233: {  	v2 =	vor.u32 v1, v2  }
0x234: {  	[tilespmem:$0xDF0] =	vst v2  }
0x235: {  	[tilespmem:s22], [sflag:$0x3] =	stream.indirect.gather [hbm4b:s3+s15], $0x80, s21, s15, $0xb8;
	[tilespmem:$0xCE80] =	vst v63  }
0x236: {  	_ =	swait.ge [sflag:s23], $0x4000  }
0x237: {  	s10 =	sld [smem:$0x7FA]  }
0x238: {  	s28 =	sld [smem:$0x7FB]  }
0x239: {  	[sflag:s23] =	ssyncset.done $0x0  }
0x23a: {  	s4 =	rddreg [dreg:$0x5];
	[sflag:s23] =	ssyncadd.s32 $0xFFFFC000;
	p0 =	seq.s32 s10, $0x1  }
0x23b: {  	p1 =	seq.s32 s28, $0x1;
	s1 =	simm.s32 @!p0 $0x0;
	s0 =	simm.s32 @!p0 $0x4E80  }
0x23c: {  	[hbm4b:s4+s1] =	stream.linear.scatter @!p0 [tilespmem:s0], [sflag:$0x5], $0x4000, $0x38;
	[tilespmem:$0xCE80] =	vst v63  }
0x23d: {  	s0 =	simm.s32 @!p1 $0x0;
	s4 =	simm.s32 @!p1 $0x4E80  }
0x23e: {  	[hbm4b:s6+s0] =	stream.linear.scatter @!p1 [tilespmem:s4], [sflag:$0x5], $0x2000, $0x38;
	[tilespmem:$0xCE80] =	vst v63  }
0x23f: {  	s0 =	simm.s32 @!p0 $0x4  }
0x240: {  	_ =	swait.ge @!p0 [sflag:s0], $0x4000  }
0x241: {  	[sflag:s0] =	ssyncset.done @!p0 $0x0  }
0x242: {  	[sflag:s0] =	ssyncadd.s32 @!p0 $0xFFFFC000  }
0x243: {  	v2 =	vld [tilespmem:$0xC00]  }
0x244: {  	v3 =	vld [tilespmem:$0xC08]  }
0x245: {  	v4 =	vld [tilespmem:$0xC10]  }
0x246: {  	v5 =	vld [tilespmem:$0xC18]  }
0x247: {  	v6 =	vld [tilespmem:$0xC20]  }
0x248: {  	v7 =	vld [tilespmem:$0xC28];
	v2 =	vperm.xlane v2, v0  }
0x249: {  	v8 =	vld [tilespmem:$0xC30];
	v3 =	vperm.xlane v3, v0  }
0x24a: {  	v9 =	vld [tilespmem:$0xC38];
	v4 =	vperm.xlane v4, v0;
	v2 =	vshll.u32 v2, $0x1  }
0x24b: {  	v5 =	vperm.xlane v5, v0;
	v3 =	vshll.u32 v3, $0x1;
	v2 =	vor.u32 v1, v2  }
0x24c: {  	v60 =	vperm.xlane v6, v0;
	[tilespmem:$0xC80] =	vst v2;
	v2 =	vor.u32 v1, v3;
	v3 =	vshll.u32 v4, $0x1  }
0x24d: {  	v61 =	vperm.xlane v7, v0;
	[tilespmem:$0xC90] =	vst v2;
	v2 =	vor.u32 v1, v3;
	v3 =	vshll.u32 v5, $0x1  }
0x24e: {  	v62 =	vperm.xlane v8, v0;
	[tilespmem:$0xCA0] =	vst v2;
	v2 =	vor.u32 v1, v3;
	v3 =	vshll.u32 v60, $0x1  }
0x24f: {  	v63 =	vperm.xlane v9, v0;
	[tilespmem:$0xCB0] =	vst v2;
	v2 =	vor.u32 v1, v3;
	v3 =	vshll.u32 v61, $0x1  }
0x250: {  	[tilespmem:$0xCC0] =	vst v2;
	v2 =	vor.u32 v1, v3;
	v3 =	vshll.u32 v62, $0x1  }
0x251: {  	[tilespmem:$0xCD0] =	vst v2;
	v2 =	vor.u32 v1, v3;
	v3 =	vshll.u32 v63, $0x1  }
0x252: {  	[tilespmem:$0xCE0] =	vst v2;
	v2 =	vor.u32 v1, v3  }
0x253: {  	[tilespmem:$0xCF0] =	vst v2  }
0x254: {  	[tilespmem:s17], [sflag:$0x1] =	stream.indirect.gather [hbm4b:s3+s15], $0x80, s16, s15, $0xb8;
	[tilespmem:$0xCE80] =	vst v63  }
0x255: {  	_ =	swait.ge [sflag:s25], $0x4000  }
0x256: {  	[sflag:s25] =	ssyncset.done $0x0;
	s29 =	sld [smem:$0x7FC]  }
0x257: {  	s4 =	simm.s32 @!p0 $0x8E80;
	s5 =	rddreg [dreg:$0x6];
	[sflag:s25] =	ssyncadd.s32 $0xFFFFC000  }
0x258: {  	[hbm4b:s5+s1] =	stream.linear.scatter @!p0 [tilespmem:s4], [sflag:$0x6], $0x4000, $0x38;
	[tilespmem:$0xCE80] =	vst v63  }
0x259: {  	p2 =	seq.s32 s29, $0x1  }
0x25a: {  	s4 =	simm.s32 @!p2 $0x0;
	s5 =	simm.s32 @!p2 $0x8E80  }
0x25b: {  	[hbm4b:s6+s4] =	stream.linear.scatter @!p2 [tilespmem:s5], [sflag:$0x6], $0x2000, $0x38;
	[tilespmem:$0xCE80] =	vst v63  }
0x25c: {  	s4 =	simm.s32 @!p0 $0x5  }
0x25d: {  	_ =	swait.ge @!p0 [sflag:s4], $0x4000  }
0x25e: {  	[sflag:s4] =	ssyncset.done @!p0 $0x0  }
0x25f: {  	[sflag:s4] =	ssyncadd.s32 @!p0 $0xFFFFC000;
	s4 =	simm.s32 @!p1 $0x5  }
0x260: {  	_ =	swait.ge @!p1 [sflag:s4], $0x2000  }
0x261: {  	[sflag:s4] =	ssyncset.done @!p1 $0x0  }
0x262: {  	[sflag:s4] =	ssyncadd.s32 @!p1 $0xFFFFE000  }
0x263: {  	_ =	swait.ge [sflag:s20], $0x4000  }
0x264: {  	[sflag:s20] =	ssyncset.done $0x0;
	s30 =	sld [smem:$0x7FD]  }
0x265: {  	s4 =	simm.s32 @!p0 $0xE80;
	s5 =	rddreg [dreg:$0x7];
	[sflag:s20] =	ssyncadd.s32 $0xFFFFC000  }
0x266: {  	[hbm4b:s5+s1] =	stream.linear.scatter @!p0 [tilespmem:s4], [sflag:$0x4], $0x4000, $0x38;
	[tilespmem:$0xCE80] =	vst v63  }
0x267: {  	p1 =	seq.s32 s30, $0x1  }
0x268: {  	s1 =	simm.s32 @!p1 $0x0;
	s4 =	simm.s32 @!p1 $0xE80  }
0x269: {  	[hbm4b:s6+s1] =	stream.linear.scatter @!p1 [tilespmem:s4], [sflag:$0x4], $0x2000, $0x38;
	[tilespmem:$0xCE80] =	vst v63  }
0x26a: {  	s1 =	simm.s32 @!p0 $0x6  }
0x26b: {  	_ =	swait.ge @!p0 [sflag:s1], $0x4000  }
0x26c: {  	[sflag:s1] =	ssyncset.done @!p0 $0x0  }
0x26d: {  	[sflag:s1] =	ssyncadd.s32 @!p0 $0xFFFFC000;
	s1 =	simm.s32 @!p2 $0x6  }
0x26e: {  	_ =	swait.ge @!p2 [sflag:s1], $0x2000  }
0x26f: {  	[sflag:s1] =	ssyncset.done @!p2 $0x0  }
0x270: {  	[sflag:s1] =	ssyncadd.s32 @!p2 $0xFFFFE000  }
0x271: {  	_ =	swait.ge @!p0 [sflag:s0], $0x4000  }
0x272: {  	[sflag:s0] =	ssyncset.done @!p0 $0x0  }
0x273: {  	[sflag:s0] =	ssyncadd.s32 @!p0 $0xFFFFC000;
	s0 =	simm.s32 @!p1 $0x4  }
0x274: {  	_ =	swait.ge @!p1 [sflag:s0], $0x2000  }
0x275: {  	s26 =	sadd.s32 $0x1, s26;
	s31 =	rddreg [dreg:$0x8]  }
0x276: {  	p0 =	sne.s32 s26, s31  }
.Ltmp1:
0x277: {  	_ = 	snop;
	(pc) =	sbr.rel @p0 .LBB2_1-.Ltmp1, $3  }
0x278: {  	_ =	sdelay $0x1  }
0x279: {  	[sflag:s0] =	ssyncset.done @!p1 $0x0  }
0x27a: {  	[sflag:s0] =	ssyncadd.s32 @!p1 $0xFFFFE000  }
0x27b: {  	_ =	sfence.sel $0x180000  }
0x27c: {  	[bflag:$0x0] =	sbarrier.arrive $0xFFFF  }
0x27d: {  	_ =	strace $0x90000047  }
0x27e: {  	s0 =	stileid.u32;
	[bflag:$0x2] =	sbarrier.arrive $0xFFFF  }
0x27f: {  	p0 =	sne.s32 s0, $0x0;
	s0 =	rddreg [dreg:$0x2]  }
0x280: {  	s0 =	sadd.s32 @!p0 $0x100000, s0  }
0x281: {  	[sflag:s0] =	ssyncadd.tile.s32 @!p0 $0x1;
	_ =	shalt  }
.Lfunc_end2:
_tile_overlayer_lowered:
.L_overlay_start_2:
0x282: {  	(tag) =	ssettag $0x2  }
0x283: {  	s0 =	rddreg [dreg:$0x0];
	s2 =	stileid.u32  }
0x284: {  	s1 =	rddreg [dreg:$0x1];
	p0 =	sne.s32 s2, $0x0  }
0x285: {  	s3 =	rddreg [dreg:$0x2];
	[bflag:$0x3] =	sbarrier.arrive $0xFFFF;
	s2 =	simm.s32 @!p0 $0x1C07  }
0x286: {  	[timem:s3], [sflag:s2] =	dma.local @!p0 [hbm:s0], s1  }
0x287: {  	s0 =	simm.s32 @!p0 $0x7  }
0x288: {  	_ =	swait.ge @!p0 [sflag:s0], s1  }
0x289: {  	s1 =	ssub.s32 @!p0 $0x0, s1;
	[sflag:s0] =	ssyncset.done @!p0 $0x0  }
0x28a: {  	[sflag:s0] =	ssyncadd.s32 @!p0 s1  }
0x28b: {  	[bflag:$0x3] =	sbarrier.arrive $0xFFFF  }
0x28c: {  	_ =	shalt  }

</sc_bundles>
